<compile_context>
chip_gen: v7x
topology: tpu7x:2x2x1
jax: 0.10.2.dev20260603
libtpu: 0.0.44.dev20260713+nightly
codegen_flags: <defaults>
</compile_context>

<pallas_src>
import functools

import jax
import jax.numpy as jnp
from jax import lax
from jax.experimental import pallas as pl
from jax.experimental.pallas import tpu as pltpu
from jax.experimental.pallas import tpu_sc as plsc

_NC = 2
_NS = 16

_V = 1000000
_D = 64
_B = 4096
_S = 200

_RT = 7816
_TR = 488
_TR_LAST = _RT - 15 * _TR
_GRP = 10


@functools.lru_cache(maxsize=None)
def _build():
    d_per_core = _D // _NC
    n_pairs = _S // (2 * _GRP)
    mesh = plsc.VectorSubcoreMesh(core_axis_name="c", subcore_axis_name="s")

    @functools.partial(
        pl.kernel,
        out_type=jax.ShapeDtypeStruct((_S, _D, _B), jnp.float32),
        mesh=mesh,
        scratch_types=[
            pltpu.VMEM((_S, 1, 128), jnp.int32),
            pltpu.VMEM((_S, 1, 128), jnp.int32),
            pltpu.VMEM((_GRP, 128), jnp.float32),
            pltpu.VMEM((_GRP, 128), jnp.float32),
            pltpu.VMEM((_GRP, 128), jnp.float32),
            pltpu.VMEM((_GRP, 128), jnp.float32),
            pltpu.VMEM_SHARED((1, _RT * 128), jnp.float32),
            pltpu.SemaphoreType.DMA,
            pltpu.SemaphoreType.DMA,
            pltpu.SemaphoreType.DMA,
            pltpu.SemaphoreType.DMA,
            pltpu.SemaphoreType.DMA,
        ],
    )
    def k(xs_hbm, emb_hbm, out_hbm, idx_a, idx_b, ob00, ob01, ob10, ob11,
          row, sem_idx, sem_row, sem_g0, sem_g1, sem_w):
        obs = ((ob00, ob01), (ob10, ob11))
        gsems = (sem_g0, sem_g1)
        c = lax.axis_index("c")
        t = lax.axis_index("s")
        b0 = t * 256

        ia = pltpu.make_async_copy(xs_hbm.at[:, pl.ds(b0, 128)], idx_a.at[:, 0, :], sem_idx)
        ib = pltpu.make_async_copy(xs_hbm.at[:, pl.ds(b0 + 128, 128)],
                                   idx_b.at[:, 0, :], sem_idx)
        ia.start()
        ib.start()
        ia.wait()
        ib.wait()

        
        def stage_rows(dbase, r0, n):
            cp = pltpu.make_async_copy(
                emb_hbm.at[:, pl.ds((dbase + r0) * 128, n * 128)],
                row.at[:, pl.ds(r0 * 128, n * 128)], sem_row)
            cp.start()
            cp.wait()

        def dbody(di, carry):
            d = c * d_per_core + di
            dbase = d * _RT

            @pl.when(t < _NS - 1)
            def _():
                stage_rows(dbase, t * _TR, _TR)

            @pl.when(t == _NS - 1)
            def _():
                stage_rows(dbase, 15 * _TR, _TR_LAST)

            plsc.subcore_barrier()

            def make_wb(par, s0):
                wa = pltpu.make_async_copy(
                    obs[par][0],
                    out_hbm.at[pl.ds(s0, _GRP), d, pl.ds(b0, 128)], sem_w)
                wb = pltpu.make_async_copy(
                    obs[par][1],
                    out_hbm.at[pl.ds(s0, _GRP), d, pl.ds(b0 + 128, 128)],
                    sem_w)
                return wa, wb

            def fire_gathers(par, s0):
                for j in range(_GRP):
                    pltpu.make_async_copy(
                        row.at[idx_a.at[s0 + j]],
                        obs[par][0].at[pl.ds(j, 1), :], gsems[par]).start()
                    pltpu.make_async_copy(
                        row.at[idx_b.at[s0 + j]],
                        obs[par][1].at[pl.ds(j, 1), :], gsems[par]).start()

            def drain_gathers(par):
                for j in range(_GRP):
                    pltpu.make_async_copy(
                        row.at[idx_a.at[0]],
                        obs[par][0].at[pl.ds(j, 1), :], gsems[par]).wait()
                    pltpu.make_async_copy(
                        row.at[idx_b.at[0]],
                        obs[par][1].at[pl.ds(j, 1), :], gsems[par]).wait()

            def pbody(p, cc):
                for par in range(2):
                    s0 = (p * 2 + par) * _GRP

                    @pl.when(p > 0)
                    def _(par=par, s0=s0):
                        wa, wb = make_wb(par, s0 - 2 * _GRP)
                        wa.wait()
                        wb.wait()

                    fire_gathers(par, s0)
                    if par == 1:
                        drain_gathers(0)
                        wa, wb = make_wb(0, s0 - _GRP)
                        wa.start()
                        wb.start()
                    else:
                        @pl.when(p > 0)
                        def _(s0=s0):
                            drain_gathers(1)
                            wa, wb = make_wb(1, s0 - _GRP)
                            wa.start()
                            wb.start()
                return cc

            lax.fori_loop(0, n_pairs, pbody, 0)
            drain_gathers(1)
            wlast = make_wb(1, (n_pairs * 2 - 1) * _GRP)
            wlast[0].start()
            wlast[1].start()
            for par in range(2):
                wa, wb = make_wb(par, (n_pairs * 2 - 2 + par) * _GRP)
                wa.wait()
                wb.wait()
            plsc.subcore_barrier()
            return carry

        lax.fori_loop(0, d_per_core, dbody, 0)

    return k


def kernel(xs, emb):
    assert xs.shape == (_B, _S) and emb.shape == (_V, _D)
    emb_p = jnp.pad((emb + jnp.float32(1e-30)).T, ((0, 0), (0, _RT * 128 - _V)))
    out3 = _build()(xs.T, emb_p.reshape(1, _D * _RT * 128))
    return out3.transpose(2, 0, 1)

# --- scband reference (transcript-rebuilt; emitter-appended) ---
"""Pipeline reference for scband-bigram-16097537425448 (READ-ONLY COPY).

The authoritative reference and input builder live on the scoring server;
editing this copy changes nothing except your own understanding.
"""

import jax, jax.numpy as jnp
import numpy as np

N_VOCAB = 1000000
N_EMB = 64
BATCH = 4096
SEQ = 200

def setup_inputs(seed: int = 0) -> dict:
    key = jax.random.key(seed)
    k_idx, k_emb = jax.random.split(key)
    xs = jax.random.randint(k_idx, (BATCH, SEQ), 0, N_VOCAB, dtype=jnp.int32)
    # nnx.Embed default init: variance_scaling(1.0, 'fan_in', 'normal', out_axis=0)
    # -> stddev = 1/sqrt(features)
    emb = jax.random.normal(k_emb, (N_VOCAB, N_EMB), dtype=jnp.float32) / jnp.sqrt(N_EMB)
    return {"xs": xs, "emb": emb}

def reference(xs, emb):
    # Bigram.__call__: return self.emb(xs) -> embedding gather
    return jnp.take(emb, xs, axis=0)

if __name__ == "__main__":
    import jax
    _d = setup_inputs()
    print(jax.jit(kernel)(*tuple(_d.values())))

</pallas_src>

<mosaic_0001>
#map = affine_map<(d0, d1) -> (0, 0)>
#map1 = affine_map<(d0, d1) -> (0, 0, 0)>
module attributes {stable_mosaic.version = 14 : i64} {
  func.func @k(%arg0: i32, %arg1: i32, %arg2: memref<200x4096xi32, #tpu.memory_space<hbm>>, %arg3: memref<1x64028672xf32, #tpu.memory_space<hbm>>, %arg4: memref<200x64x4096xf32, #tpu.memory_space<hbm>>, %arg5: memref<200x1x128xi32, #tpu.memory_space<vmem>>, %arg6: memref<200x1x128xi32, #tpu.memory_space<vmem>>, %arg7: memref<10x128xf32, #tpu.memory_space<vmem>>, %arg8: memref<10x128xf32, #tpu.memory_space<vmem>>, %arg9: memref<10x128xf32, #tpu.memory_space<vmem>>, %arg10: memref<10x128xf32, #tpu.memory_space<vmem>>, %arg11: memref<1x1000448xf32, #tpu.memory_space<vmem_shared>>, %arg12: memref<!tpu.dma_semaphore, #tpu.memory_space<semaphore_mem>>, %arg13: memref<!tpu.dma_semaphore, #tpu.memory_space<semaphore_mem>>, %arg14: memref<!tpu.dma_semaphore, #tpu.memory_space<semaphore_mem>>, %arg15: memref<!tpu.dma_semaphore, #tpu.memory_space<semaphore_mem>>, %arg16: memref<!tpu.dma_semaphore, #tpu.memory_space<semaphore_mem>>) attributes {dimension_semantics = [#tpu.dimension_semantics<core_parallel>, #tpu.dimension_semantics<subcore_parallel>], iteration_bounds = array<i64: 2, 16>, scalar_prefetch = 0 : i64, scratch_operands = 12 : i64, tpu.core_type = #tpu.core_type<sc_vector_subcore>, window_params = [{transform_indices = #map}, {transform_indices = #map}, {transform_indices = #map1}]} {
    %mul3A = arith.constant 256 : i32
    %mul3A_0 = arith.muli %arg1, %mul3A : i32
    %add3A = arith.constant 128 : i32
    %add3A_1 = arith.addi %mul3A_0, %add3A : i32
    %dma_start3A = arith.constant 0 : i32
    %dma_start3A_2 = arith.constant 0 : i32
    %dma_start3A_3 = arith.constant 0 : i32
    %dma_start3A_4 = tpu.memref_slice %arg5[%dma_start3A_2, %dma_start3A, %dma_start3A_3] : memref<200x1x128xi32, #tpu.memory_space<vmem>> -> memref<200x1x128xi32, #tpu.memory_space<vmem>>
    %dma_start3A_5 = tpu.memref_squeeze %dma_start3A_4 : memref<200x1x128xi32, #tpu.memory_space<vmem>> -> memref<200x128xi32, #tpu.memory_space<vmem>>
    %dma_start3A_6 = arith.constant 0 : i32
    %dma_start3A_7 = tpu.memref_slice %arg2[%dma_start3A_6, %mul3A_0] : memref<200x4096xi32, #tpu.memory_space<hbm>> -> memref<200x128xi32, #tpu.memory_space<hbm>>
    %dma_start3A_8 = arith.constant 0 : i32
    %dma_start3A_9 = arith.constant 0 : i32
    %dma_start3A_10 = tpu.memref_slice %arg5[%dma_start3A_8, %dma_start3A, %dma_start3A_9] : memref<200x1x128xi32, #tpu.memory_space<vmem>> -> memref<200x1x128xi32, #tpu.memory_space<vmem>>
    %dma_start3A_11 = tpu.memref_squeeze %dma_start3A_10 : memref<200x1x128xi32, #tpu.memory_space<vmem>> -> memref<200x128xi32, #tpu.memory_space<vmem>>
    %dma_start3A_12 = arith.constant 0 : i32
    %dma_start3A_13 = tpu.memref_slice %arg2[%dma_start3A_12, %mul3A_0] : memref<200x4096xi32, #tpu.memory_space<hbm>> -> memref<200x128xi32, #tpu.memory_space<hbm>>
    tpu.enqueue_dma source(%dma_start3A_13 : memref<200x128xi32, #tpu.memory_space<hbm>>) target(%dma_start3A_11 : memref<200x128xi32, #tpu.memory_space<vmem>>) target_semaphore(%arg12 : memref<!tpu.dma_semaphore, #tpu.memory_space<semaphore_mem>>)
    %dma_start3A_14 = arith.constant 0 : i32
    %dma_start3A_15 = arith.constant 0 : i32
    %dma_start3A_16 = arith.constant 0 : i32
    %dma_start3A_17 = tpu.memref_slice %arg6[%dma_start3A_15, %dma_start3A_14, %dma_start3A_16] : memref<200x1x128xi32, #tpu.memory_space<vmem>> -> memref<200x1x128xi32, #tpu.memory_space<vmem>>
    %dma_start3A_18 = tpu.memref_squeeze %dma_start3A_17 : memref<200x1x128xi32, #tpu.memory_space<vmem>> -> memref<200x128xi32, #tpu.memory_space<vmem>>
    %dma_start3A_19 = arith.constant 0 : i32
    %dma_start3A_20 = tpu.memref_slice %arg2[%dma_start3A_19, %add3A_1] : memref<200x4096xi32, #tpu.memory_space<hbm>> -> memref<200x128xi32, #tpu.memory_space<hbm>>
    %dma_start3A_21 = arith.constant 0 : i32
    %dma_start3A_22 = arith.constant 0 : i32
    %dma_start3A_23 = tpu.memref_slice %arg6[%dma_start3A_21, %dma_start3A_14, %dma_start3A_22] : memref<200x1x128xi32, #tpu.memory_space<vmem>> -> memref<200x1x128xi32, #tpu.memory_space<vmem>>
    %dma_start3A_24 = tpu.memref_squeeze %dma_start3A_23 : memref<200x1x128xi32, #tpu.memory_space<vmem>> -> memref<200x128xi32, #tpu.memory_space<vmem>>
    %dma_start3A_25 = arith.constant 0 : i32
    %dma_start3A_26 = tpu.memref_slice %arg2[%dma_start3A_25, %add3A_1] : memref<200x4096xi32, #tpu.memory_space<hbm>> -> memref<200x128xi32, #tpu.memory_space<hbm>>
    tpu.enqueue_dma source(%dma_start3A_26 : memref<200x128xi32, #tpu.memory_space<hbm>>) target(%dma_start3A_24 : memref<200x128xi32, #tpu.memory_space<vmem>>) target_semaphore(%arg12 : memref<!tpu.dma_semaphore, #tpu.memory_space<semaphore_mem>>)
    %dma_wait3A = arith.constant 0 : i32
    %dma_wait3A_27 = arith.constant 0 : i32
    %dma_wait3A_28 = arith.constant 0 : i32
    %dma_wait3A_29 = tpu.memref_slice %arg5[%dma_wait3A_27, %dma_wait3A, %dma_wait3A_28] : memref<200x1x128xi32, #tpu.memory_space<vmem>> -> memref<200x1x128xi32, #tpu.memory_space<vmem>>
    %dma_wait3A_30 = tpu.memref_squeeze %dma_wait3A_29 : memref<200x1x128xi32, #tpu.memory_space<vmem>> -> memref<200x128xi32, #tpu.memory_space<vmem>>
    %dma_wait3A_31 = arith.constant 0 : i32
    %dma_wait3A_32 = tpu.memref_slice %arg2[%dma_wait3A_31, %mul3A_0] : memref<200x4096xi32, #tpu.memory_space<hbm>> -> memref<200x128xi32, #tpu.memory_space<hbm>>
    %dma_wait3A_33 = arith.constant 0 : i32
    %dma_wait3A_34 = arith.constant 0 : i32
    %dma_wait3A_35 = tpu.memref_slice %arg5[%dma_wait3A_33, %dma_wait3A, %dma_wait3A_34] : memref<200x1x128xi32, #tpu.memory_space<vmem>> -> memref<200x1x128xi32, #tpu.memory_space<vmem>>
    %dma_wait3A_36 = tpu.memref_squeeze %dma_wait3A_35 : memref<200x1x128xi32, #tpu.memory_space<vmem>> -> memref<200x128xi32, #tpu.memory_space<vmem>>
    %dma_wait3A_37 = arith.constant 0 : i32
    %dma_wait3A_38 = tpu.memref_slice %arg2[%dma_wait3A_37, %mul3A_0] : memref<200x4096xi32, #tpu.memory_space<hbm>> -> memref<200x128xi32, #tpu.memory_space<hbm>>
    tpu.wait_dma2 semaphore(%arg12 : memref<!tpu.dma_semaphore, #tpu.memory_space<semaphore_mem>>) src(%dma_wait3A_38 : memref<200x128xi32, #tpu.memory_space<hbm>>) dst(%dma_wait3A_36 : memref<200x128xi32, #tpu.memory_space<vmem>>)
    %dma_wait3A_39 = arith.constant 0 : i32
    %dma_wait3A_40 = arith.constant 0 : i32
    %dma_wait3A_41 = arith.constant 0 : i32
    %dma_wait3A_42 = tpu.memref_slice %arg6[%dma_wait3A_40, %dma_wait3A_39, %dma_wait3A_41] : memref<200x1x128xi32, #tpu.memory_space<vmem>> -> memref<200x1x128xi32, #tpu.memory_space<vmem>>
    %dma_wait3A_43 = tpu.memref_squeeze %dma_wait3A_42 : memref<200x1x128xi32, #tpu.memory_space<vmem>> -> memref<200x128xi32, #tpu.memory_space<vmem>>
    %dma_wait3A_44 = arith.constant 0 : i32
    %dma_wait3A_45 = tpu.memref_slice %arg2[%dma_wait3A_44, %add3A_1] : memref<200x4096xi32, #tpu.memory_space<hbm>> -> memref<200x128xi32, #tpu.memory_space<hbm>>
    %dma_wait3A_46 = arith.constant 0 : i32
    %dma_wait3A_47 = arith.constant 0 : i32
    %dma_wait3A_48 = tpu.memref_slice %arg6[%dma_wait3A_46, %dma_wait3A_39, %dma_wait3A_47] : memref<200x1x128xi32, #tpu.memory_space<vmem>> -> memref<200x1x128xi32, #tpu.memory_space<vmem>>
    %dma_wait3A_49 = tpu.memref_squeeze %dma_wait3A_48 : memref<200x1x128xi32, #tpu.memory_space<vmem>> -> memref<200x128xi32, #tpu.memory_space<vmem>>
    %dma_wait3A_50 = arith.constant 0 : i32
    %dma_wait3A_51 = tpu.memref_slice %arg2[%dma_wait3A_50, %add3A_1] : memref<200x4096xi32, #tpu.memory_space<hbm>> -> memref<200x128xi32, #tpu.memory_space<hbm>>
    tpu.wait_dma2 semaphore(%arg12 : memref<!tpu.dma_semaphore, #tpu.memory_space<semaphore_mem>>) src(%dma_wait3A_51 : memref<200x128xi32, #tpu.memory_space<hbm>>) dst(%dma_wait3A_49 : memref<200x128xi32, #tpu.memory_space<vmem>>)
    %scan3A = arith.constant 0 : i32
    %scan3A_52 = arith.constant 0 : i32
    %scan3A_53 = arith.constant 32 : i32
    %scan3A_54 = arith.addi %scan3A_52, %scan3A_53 : i32
    %scan3A_55 = arith.constant 1 : i32
    scf.for %scan3A_57 = %scan3A_52 to %scan3A_54 step %scan3A_55  : i32 {
      %mul3A_58 = arith.constant 32 : i32
      %mul3A_59 = arith.muli %arg0, %mul3A_58 : i32
      %add3A_60 = arith.addi %mul3A_59, %scan3A_57 : i32
      %mul3A_61 = arith.constant 7816 : i32
      %mul3A_62 = arith.muli %add3A_60, %mul3A_61 : i32
      %lt3A = arith.constant 15 : i32
      %lt3A_63 = arith.cmpi slt, %arg1, %lt3A : i32
      %convert_element_type3A = arith.extui %lt3A_63 : i1 to i32
      %cond3A = arith.constant 0 : i32
      %cond3A_64 = arith.cmpi ne, %convert_element_type3A, %cond3A : i32
      scf.if %cond3A_64 {
        %mul3A_338 = arith.constant 488 : i32
        %mul3A_339 = arith.muli %arg1, %mul3A_338 : i32
        %add3A_340 = arith.addi %mul3A_62, %mul3A_339 : i32
        %mul3A_341 = arith.constant 128 : i32
        %mul3A_342 = arith.muli %add3A_340, %mul3A_341 : i32
        %mul3A_343 = arith.constant 128 : i32
        %mul3A_344 = arith.muli %mul3A_339, %mul3A_343 : i32
        %dma_start3A_345 = arith.constant 0 : i32
        %dma_start3A_346 = tpu.memref_slice %arg11[%dma_start3A_345, %mul3A_344] : memref<1x1000448xf32, #tpu.memory_space<vmem_shared>> -> memref<1x62464xf32, #tpu.memory_space<vmem_shared>>
        %dma_start3A_347 = arith.constant 0 : i32
        %dma_start3A_348 = tpu.memref_slice %arg3[%dma_start3A_347, %mul3A_342] : memref<1x64028672xf32, #tpu.memory_space<hbm>> -> memref<1x62464xf32, #tpu.memory_space<hbm>>
        tpu.enqueue_dma source(%dma_start3A_348 : memref<1x62464xf32, #tpu.memory_space<hbm>>) target(%dma_start3A_346 : memref<1x62464xf32, #tpu.memory_space<vmem_shared>>) target_semaphore(%arg13 : memref<!tpu.dma_semaphore, #tpu.memory_space<semaphore_mem>>)
        %dma_wait3A_349 = arith.constant 0 : i32
        %dma_wait3A_350 = tpu.memref_slice %arg11[%dma_wait3A_349, %mul3A_344] : memref<1x1000448xf32, #tpu.memory_space<vmem_shared>> -> memref<1x62464xf32, #tpu.memory_space<vmem_shared>>
        %dma_wait3A_351 = arith.constant 0 : i32
        %dma_wait3A_352 = tpu.memref_slice %arg3[%dma_wait3A_351, %mul3A_342] : memref<1x64028672xf32, #tpu.memory_space<hbm>> -> memref<1x62464xf32, #tpu.memory_space<hbm>>
        tpu.wait_dma2 semaphore(%arg13 : memref<!tpu.dma_semaphore, #tpu.memory_space<semaphore_mem>>) src(%dma_wait3A_352 : memref<1x62464xf32, #tpu.memory_space<hbm>>) dst(%dma_wait3A_350 : memref<1x62464xf32, #tpu.memory_space<vmem_shared>>)
      } else {
      }
      %eq3A = arith.constant 15 : i32
      %eq3A_65 = arith.cmpi eq, %arg1, %eq3A : i32
      %convert_element_type3A_66 = arith.extui %eq3A_65 : i1 to i32
      %cond3A_67 = arith.constant 0 : i32
      %cond3A_68 = arith.cmpi ne, %convert_element_type3A_66, %cond3A_67 : i32
      scf.if %cond3A_68 {
        %add3A_338 = arith.constant 7320 : i32
        %add3A_339 = arith.addi %mul3A_62, %add3A_338 : i32
        %mul3A_340 = arith.constant 128 : i32
        %mul3A_341 = arith.muli %add3A_339, %mul3A_340 : i32
        %dma_start3A_342 = arith.constant 0 : i32
        %dma_start3A_343 = arith.constant 936960 : i32
        %dma_start3A_344 = tpu.memref_slice %arg11[%dma_start3A_342, %dma_start3A_343] : memref<1x1000448xf32, #tpu.memory_space<vmem_shared>> -> memref<1x63488xf32, #tpu.memory_space<vmem_shared>>
        %dma_start3A_345 = arith.constant 0 : i32
        %dma_start3A_346 = tpu.memref_slice %arg3[%dma_start3A_345, %mul3A_341] : memref<1x64028672xf32, #tpu.memory_space<hbm>> -> memref<1x63488xf32, #tpu.memory_space<hbm>>
        tpu.enqueue_dma source(%dma_start3A_346 : memref<1x63488xf32, #tpu.memory_space<hbm>>) target(%dma_start3A_344 : memref<1x63488xf32, #tpu.memory_space<vmem_shared>>) target_semaphore(%arg13 : memref<!tpu.dma_semaphore, #tpu.memory_space<semaphore_mem>>)
        %dma_wait3A_347 = arith.constant 0 : i32
        %dma_wait3A_348 = arith.constant 936960 : i32
        %dma_wait3A_349 = tpu.memref_slice %arg11[%dma_wait3A_347, %dma_wait3A_348] : memref<1x1000448xf32, #tpu.memory_space<vmem_shared>> -> memref<1x63488xf32, #tpu.memory_space<vmem_shared>>
        %dma_wait3A_350 = arith.constant 0 : i32
        %dma_wait3A_351 = tpu.memref_slice %arg3[%dma_wait3A_350, %mul3A_341] : memref<1x64028672xf32, #tpu.memory_space<hbm>> -> memref<1x63488xf32, #tpu.memory_space<hbm>>
        tpu.wait_dma2 semaphore(%arg13 : memref<!tpu.dma_semaphore, #tpu.memory_space<semaphore_mem>>) src(%dma_wait3A_351 : memref<1x63488xf32, #tpu.memory_space<hbm>>) dst(%dma_wait3A_349 : memref<1x63488xf32, #tpu.memory_space<vmem_shared>>)
      } else {
      }
      %barrier3A = arith.constant 0 : index
      tpu.barrier barrier_id(%barrier3A)
      %scan3A_69 = arith.constant 0 : i32
      %scan3A_70 = arith.constant 0 : i32
      %scan3A_71 = arith.constant 10 : i32
      %scan3A_72 = arith.addi %scan3A_70, %scan3A_71 : i32
      %scan3A_73 = arith.constant 1 : i32
      scf.for %scan3A_338 = %scan3A_70 to %scan3A_72 step %scan3A_73  : i32 {
        %mul3A_339 = arith.constant 2 : i32
        %mul3A_340 = arith.muli %scan3A_338, %mul3A_339 : i32
        %add3A_341 = arith.constant 0 : i32
        %add3A_342 = arith.addi %mul3A_340, %add3A_341 : i32
        %mul3A_343 = arith.constant 10 : i32
        %mul3A_344 = arith.muli %add3A_342, %mul3A_343 : i32
        %gt3A = arith.constant 0 : i32
        %gt3A_345 = arith.cmpi sgt, %scan3A_338, %gt3A : i32
        %convert_element_type3A_346 = arith.extui %gt3A_345 : i1 to i32
        %cond3A_347 = arith.constant 0 : i32
        %cond3A_348 = arith.cmpi ne, %convert_element_type3A_346, %cond3A_347 : i32
        scf.if %cond3A_348 {
          %sub3A_1076 = arith.constant 20 : i32
          %sub3A_1077 = arith.subi %mul3A_344, %sub3A_1076 : i32
          %add3A_1078 = arith.constant 128 : i32
          %add3A_1079 = arith.addi %mul3A_0, %add3A_1078 : i32
          %dma_wait3A_1080 = tpu.memref_slice %arg4[%sub3A_1077, %add3A_60, %mul3A_0] : memref<200x64x4096xf32, #tpu.memory_space<hbm>> -> memref<10x1x128xf32, #tpu.memory_space<hbm>>
          %dma_wait3A_1081 = tpu.memref_squeeze %dma_wait3A_1080 : memref<10x1x128xf32, #tpu.memory_space<hbm>> -> memref<10x128xf32, #tpu.memory_space<hbm>>
          %dma_wait3A_1082 = tpu.memref_slice %arg4[%sub3A_1077, %add3A_60, %mul3A_0] : memref<200x64x4096xf32, #tpu.memory_space<hbm>> -> memref<10x1x128xf32, #tpu.memory_space<hbm>>
          %dma_wait3A_1083 = tpu.memref_squeeze %dma_wait3A_1082 : memref<10x1x128xf32, #tpu.memory_space<hbm>> -> memref<10x128xf32, #tpu.memory_space<hbm>>
          tpu.wait_dma2 semaphore(%arg16 : memref<!tpu.dma_semaphore, #tpu.memory_space<semaphore_mem>>) src(%arg7 : memref<10x128xf32, #tpu.memory_space<vmem>>) dst(%dma_wait3A_1083 : memref<10x128xf32, #tpu.memory_space<hbm>>)
          %dma_wait3A_1084 = tpu.memref_slice %arg4[%sub3A_1077, %add3A_60, %add3A_1079] : memref<200x64x4096xf32, #tpu.memory_space<hbm>> -> memref<10x1x128xf32, #tpu.memory_space<hbm>>
          %dma_wait3A_1085 = tpu.memref_squeeze %dma_wait3A_1084 : memref<10x1x128xf32, #tpu.memory_space<hbm>> -> memref<10x128xf32, #tpu.memory_space<hbm>>
          %dma_wait3A_1086 = tpu.memref_slice %arg4[%sub3A_1077, %add3A_60, %add3A_1079] : memref<200x64x4096xf32, #tpu.memory_space<hbm>> -> memref<10x1x128xf32, #tpu.memory_space<hbm>>
          %dma_wait3A_1087 = tpu.memref_squeeze %dma_wait3A_1086 : memref<10x1x128xf32, #tpu.memory_space<hbm>> -> memref<10x128xf32, #tpu.memory_space<hbm>>
          tpu.wait_dma2 semaphore(%arg16 : memref<!tpu.dma_semaphore, #tpu.memory_space<semaphore_mem>>) src(%arg8 : memref<10x128xf32, #tpu.memory_space<vmem>>) dst(%dma_wait3A_1087 : memref<10x128xf32, #tpu.memory_space<hbm>>)
        } else {
        }
        %add3A_349 = arith.constant 0 : i32
        %add3A_350 = arith.addi %mul3A_344, %add3A_349 : i32
        %dma_start3A_351 = arith.constant 0 : i32
        %dma_start3A_352 = arith.constant 0 : i32
        %dma_start3A_353 = tpu.memref_slice %arg7[%dma_start3A_351, %dma_start3A_352] : memref<10x128xf32, #tpu.memory_space<vmem>> -> memref<1x128xf32, #tpu.memory_space<vmem>>
        %dma_start3A_354 = arith.constant 0 : i32
        %dma_start3A_355 = arith.constant 0 : i32
        %dma_start3A_356 = tpu.memref_slice %arg5[%add3A_350, %dma_start3A_354, %dma_start3A_355] : memref<200x1x128xi32, #tpu.memory_space<vmem>> -> memref<1x1x128xi32, #tpu.memory_space<vmem>>
        %dma_start3A_357 = tpu.memref_squeeze %dma_start3A_356 : memref<1x1x128xi32, #tpu.memory_space<vmem>> -> memref<1x128xi32, #tpu.memory_space<vmem>>
        %dma_start3A_358 = arith.constant 0 : i32
        %dma_start3A_359 = arith.constant 0 : i32
        %dma_start3A_360 = tpu.memref_slice %arg11[%dma_start3A_358, %dma_start3A_359] : memref<1x1000448xf32, #tpu.memory_space<vmem_shared>> -> memref<1x1000448xf32, #tpu.memory_space<vmem_shared>>
        tpu.enqueue_indirect_dma source(%dma_start3A_360 : memref<1x1000448xf32, #tpu.memory_space<vmem_shared>>) target(%dma_start3A_353 : memref<1x128xf32, #tpu.memory_space<vmem>>) offsets(%dma_start3A_357 : memref<1x128xi32, #tpu.memory_space<vmem>>) semaphore(%arg14 : memref<!tpu.dma_semaphore, #tpu.memory_space<semaphore_mem>>)
        %add3A_361 = arith.constant 0 : i32
        %add3A_362 = arith.addi %mul3A_344, %add3A_361 : i32
        %dma_start3A_363 = arith.constant 0 : i32
        %dma_start3A_364 = arith.constant 0 : i32
        %dma_start3A_365 = tpu.memref_slice %arg8[%dma_start3A_363, %dma_start3A_364] : memref<10x128xf32, #tpu.memory_space<vmem>> -> memref<1x128xf32, #tpu.memory_space<vmem>>
        %dma_start3A_366 = arith.constant 0 : i32
        %dma_start3A_367 = arith.constant 0 : i32
        %dma_start3A_368 = tpu.memref_slice %arg6[%add3A_362, %dma_start3A_366, %dma_start3A_367] : memref<200x1x128xi32, #tpu.memory_space<vmem>> -> memref<1x1x128xi32, #tpu.memory_space<vmem>>
        %dma_start3A_369 = tpu.memref_squeeze %dma_start3A_368 : memref<1x1x128xi32, #tpu.memory_space<vmem>> -> memref<1x128xi32, #tpu.memory_space<vmem>>
        %dma_start3A_370 = arith.constant 0 : i32
        %dma_start3A_371 = arith.constant 0 : i32
        %dma_start3A_372 = tpu.memref_slice %arg11[%dma_start3A_370, %dma_start3A_371] : memref<1x1000448xf32, #tpu.memory_space<vmem_shared>> -> memref<1x1000448xf32, #tpu.memory_space<vmem_shared>>
        tpu.enqueue_indirect_dma source(%dma_start3A_372 : memref<1x1000448xf32, #tpu.memory_space<vmem_shared>>) target(%dma_start3A_365 : memref<1x128xf32, #tpu.memory_space<vmem>>) offsets(%dma_start3A_369 : memref<1x128xi32, #tpu.memory_space<vmem>>) semaphore(%arg14 : memref<!tpu.dma_semaphore, #tpu.memory_space<semaphore_mem>>)
        %add3A_373 = arith.constant 1 : i32
        %add3A_374 = arith.addi %mul3A_344, %add3A_373 : i32
        %dma_start3A_375 = arith.constant 1 : i32
        %dma_start3A_376 = arith.constant 0 : i32
        %dma_start3A_377 = tpu.memref_slice %arg7[%dma_start3A_375, %dma_start3A_376] : memref<10x128xf32, #tpu.memory_space<vmem>> -> memref<1x128xf32, #tpu.memory_space<vmem>>
        %dma_start3A_378 = arith.constant 0 : i32
        %dma_start3A_379 = arith.constant 0 : i32
        %dma_start3A_380 = tpu.memref_slice %arg5[%add3A_374, %dma_start3A_378, %dma_start3A_379] : memref<200x1x128xi32, #tpu.memory_space<vmem>> -> memref<1x1x128xi32, #tpu.memory_space<vmem>>
        %dma_start3A_381 = tpu.memref_squeeze %dma_start3A_380 : memref<1x1x128xi32, #tpu.memory_space<vmem>> -> memref<1x128xi32, #tpu.memory_space<vmem>>
        %dma_start3A_382 = arith.constant 0 : i32
        %dma_start3A_383 = arith.constant 0 : i32
        %dma_start3A_384 = tpu.memref_slice %arg11[%dma_start3A_382, %dma_start3A_383] : memref<1x1000448xf32, #tpu.memory_space<vmem_shared>> -> memref<1x1000448xf32, #tpu.memory_space<vmem_shared>>
        tpu.enqueue_indirect_dma source(%dma_start3A_384 : memref<1x1000448xf32, #tpu.memory_space<vmem_shared>>) target(%dma_start3A_377 : memref<1x128xf32, #tpu.memory_space<vmem>>) offsets(%dma_start3A_381 : memref<1x128xi32, #tpu.memory_space<vmem>>) semaphore(%arg14 : memref<!tpu.dma_semaphore, #tpu.memory_space<semaphore_mem>>)
        %add3A_385 = arith.constant 1 : i32
        %add3A_386 = arith.addi %mul3A_344, %add3A_385 : i32
        %dma_start3A_387 = arith.constant 1 : i32
        %dma_start3A_388 = arith.constant 0 : i32
        %dma_start3A_389 = tpu.memref_slice %arg8[%dma_start3A_387, %dma_start3A_388] : memref<10x128xf32, #tpu.memory_space<vmem>> -> memref<1x128xf32, #tpu.memory_space<vmem>>
        %dma_start3A_390 = arith.constant 0 : i32
        %dma_start3A_391 = arith.constant 0 : i32
        %dma_start3A_392 = tpu.memref_slice %arg6[%add3A_386, %dma_start3A_390, %dma_start3A_391] : memref<200x1x128xi32, #tpu.memory_space<vmem>> -> memref<1x1x128xi32, #tpu.memory_space<vmem>>
        %dma_start3A_393 = tpu.memref_squeeze %dma_start3A_392 : memref<1x1x128xi32, #tpu.memory_space<vmem>> -> memref<1x128xi32, #tpu.memory_space<vmem>>
        %dma_start3A_394 = arith.constant 0 : i32
        %dma_start3A_395 = arith.constant 0 : i32
        %dma_start3A_396 = tpu.memref_slice %arg11[%dma_start3A_394, %dma_start3A_395] : memref<1x1000448xf32, #tpu.memory_space<vmem_shared>> -> memref<1x1000448xf32, #tpu.memory_space<vmem_shared>>
        tpu.enqueue_indirect_dma source(%dma_start3A_396 : memref<1x1000448xf32, #tpu.memory_space<vmem_shared>>) target(%dma_start3A_389 : memref<1x128xf32, #tpu.memory_space<vmem>>) offsets(%dma_start3A_393 : memref<1x128xi32, #tpu.memory_space<vmem>>) semaphore(%arg14 : memref<!tpu.dma_semaphore, #tpu.memory_space<semaphore_mem>>)
        %add3A_397 = arith.constant 2 : i32
        %add3A_398 = arith.addi %mul3A_344, %add3A_397 : i32
        %dma_start3A_399 = arith.constant 2 : i32
        %dma_start3A_400 = arith.constant 0 : i32
        %dma_start3A_401 = tpu.memref_slice %arg7[%dma_start3A_399, %dma_start3A_400] : memref<10x128xf32, #tpu.memory_space<vmem>> -> memref<1x128xf32, #tpu.memory_space<vmem>>
        %dma_start3A_402 = arith.constant 0 : i32
        %dma_start3A_403 = arith.constant 0 : i32
        %dma_start3A_404 = tpu.memref_slice %arg5[%add3A_398, %dma_start3A_402, %dma_start3A_403] : memref<200x1x128xi32, #tpu.memory_space<vmem>> -> memref<1x1x128xi32, #tpu.memory_space<vmem>>
        %dma_start3A_405 = tpu.memref_squeeze %dma_start3A_404 : memref<1x1x128xi32, #tpu.memory_space<vmem>> -> memref<1x128xi32, #tpu.memory_space<vmem>>
        %dma_start3A_406 = arith.constant 0 : i32
        %dma_start3A_407 = arith.constant 0 : i32
        %dma_start3A_408 = tpu.memref_slice %arg11[%dma_start3A_406, %dma_start3A_407] : memref<1x1000448xf32, #tpu.memory_space<vmem_shared>> -> memref<1x1000448xf32, #tpu.memory_space<vmem_shared>>
        tpu.enqueue_indirect_dma source(%dma_start3A_408 : memref<1x1000448xf32, #tpu.memory_space<vmem_shared>>) target(%dma_start3A_401 : memref<1x128xf32, #tpu.memory_space<vmem>>) offsets(%dma_start3A_405 : memref<1x128xi32, #tpu.memory_space<vmem>>) semaphore(%arg14 : memref<!tpu.dma_semaphore, #tpu.memory_space<semaphore_mem>>)
        %add3A_409 = arith.constant 2 : i32
        %add3A_410 = arith.addi %mul3A_344, %add3A_409 : i32
        %dma_start3A_411 = arith.constant 2 : i32
        %dma_start3A_412 = arith.constant 0 : i32
        %dma_start3A_413 = tpu.memref_slice %arg8[%dma_start3A_411, %dma_start3A_412] : memref<10x128xf32, #tpu.memory_space<vmem>> -> memref<1x128xf32, #tpu.memory_space<vmem>>
        %dma_start3A_414 = arith.constant 0 : i32
        %dma_start3A_415 = arith.constant 0 : i32
        %dma_start3A_416 = tpu.memref_slice %arg6[%add3A_410, %dma_start3A_414, %dma_start3A_415] : memref<200x1x128xi32, #tpu.memory_space<vmem>> -> memref<1x1x128xi32, #tpu.memory_space<vmem>>
        %dma_start3A_417 = tpu.memref_squeeze %dma_start3A_416 : memref<1x1x128xi32, #tpu.memory_space<vmem>> -> memref<1x128xi32, #tpu.memory_space<vmem>>
        %dma_start3A_418 = arith.constant 0 : i32
        %dma_start3A_419 = arith.constant 0 : i32
        %dma_start3A_420 = tpu.memref_slice %arg11[%dma_start3A_418, %dma_start3A_419] : memref<1x1000448xf32, #tpu.memory_space<vmem_shared>> -> memref<1x1000448xf32, #tpu.memory_space<vmem_shared>>
        tpu.enqueue_indirect_dma source(%dma_start3A_420 : memref<1x1000448xf32, #tpu.memory_space<vmem_shared>>) target(%dma_start3A_413 : memref<1x128xf32, #tpu.memory_space<vmem>>) offsets(%dma_start3A_417 : memref<1x128xi32, #tpu.memory_space<vmem>>) semaphore(%arg14 : memref<!tpu.dma_semaphore, #tpu.memory_space<semaphore_mem>>)
        %add3A_421 = arith.constant 3 : i32
        %add3A_422 = arith.addi %mul3A_344, %add3A_421 : i32
        %dma_start3A_423 = arith.constant 3 : i32
        %dma_start3A_424 = arith.constant 0 : i32
        %dma_start3A_425 = tpu.memref_slice %arg7[%dma_start3A_423, %dma_start3A_424] : memref<10x128xf32, #tpu.memory_space<vmem>> -> memref<1x128xf32, #tpu.memory_space<vmem>>
        %dma_start3A_426 = arith.constant 0 : i32
        %dma_start3A_427 = arith.constant 0 : i32
        %dma_start3A_428 = tpu.memref_slice %arg5[%add3A_422, %dma_start3A_426, %dma_start3A_427] : memref<200x1x128xi32, #tpu.memory_space<vmem>> -> memref<1x1x128xi32, #tpu.memory_space<vmem>>
        %dma_start3A_429 = tpu.memref_squeeze %dma_start3A_428 : memref<1x1x128xi32, #tpu.memory_space<vmem>> -> memref<1x128xi32, #tpu.memory_space<vmem>>
        %dma_start3A_430 = arith.constant 0 : i32
        %dma_start3A_431 = arith.constant 0 : i32
        %dma_start3A_432 = tpu.memref_slice %arg11[%dma_start3A_430, %dma_start3A_431] : memref<1x1000448xf32, #tpu.memory_space<vmem_shared>> -> memref<1x1000448xf32, #tpu.memory_space<vmem_shared>>
        tpu.enqueue_indirect_dma source(%dma_start3A_432 : memref<1x1000448xf32, #tpu.memory_space<vmem_shared>>) target(%dma_start3A_425 : memref<1x128xf32, #tpu.memory_space<vmem>>) offsets(%dma_start3A_429 : memref<1x128xi32, #tpu.memory_space<vmem>>) semaphore(%arg14 : memref<!tpu.dma_semaphore, #tpu.memory_space<semaphore_mem>>)
        %add3A_433 = arith.constant 3 : i32
        %add3A_434 = arith.addi %mul3A_344, %add3A_433 : i32
        %dma_start3A_435 = arith.constant 3 : i32
        %dma_start3A_436 = arith.constant 0 : i32
        %dma_start3A_437 = tpu.memref_slice %arg8[%dma_start3A_435, %dma_start3A_436] : memref<10x128xf32, #tpu.memory_space<vmem>> -> memref<1x128xf32, #tpu.memory_space<vmem>>
        %dma_start3A_438 = arith.constant 0 : i32
        %dma_start3A_439 = arith.constant 0 : i32
        %dma_start3A_440 = tpu.memref_slice %arg6[%add3A_434, %dma_start3A_438, %dma_start3A_439] : memref<200x1x128xi32, #tpu.memory_space<vmem>> -> memref<1x1x128xi32, #tpu.memory_space<vmem>>
        %dma_start3A_441 = tpu.memref_squeeze %dma_start3A_440 : memref<1x1x128xi32, #tpu.memory_space<vmem>> -> memref<1x128xi32, #tpu.memory_space<vmem>>
        %dma_start3A_442 = arith.constant 0 : i32
        %dma_start3A_443 = arith.constant 0 : i32
        %dma_start3A_444 = tpu.memref_slice %arg11[%dma_start3A_442, %dma_start3A_443] : memref<1x1000448xf32, #tpu.memory_space<vmem_shared>> -> memref<1x1000448xf32, #tpu.memory_space<vmem_shared>>
        tpu.enqueue_indirect_dma source(%dma_start3A_444 : memref<1x1000448xf32, #tpu.memory_space<vmem_shared>>) target(%dma_start3A_437 : memref<1x128xf32, #tpu.memory_space<vmem>>) offsets(%dma_start3A_441 : memref<1x128xi32, #tpu.memory_space<vmem>>) semaphore(%arg14 : memref<!tpu.dma_semaphore, #tpu.memory_space<semaphore_mem>>)
        %add3A_445 = arith.constant 4 : i32
        %add3A_446 = arith.addi %mul3A_344, %add3A_445 : i32
        %dma_start3A_447 = arith.constant 4 : i32
        %dma_start3A_448 = arith.constant 0 : i32
        %dma_start3A_449 = tpu.memref_slice %arg7[%dma_start3A_447, %dma_start3A_448] : memref<10x128xf32, #tpu.memory_space<vmem>> -> memref<1x128xf32, #tpu.memory_space<vmem>>
        %dma_start3A_450 = arith.constant 0 : i32
        %dma_start3A_451 = arith.constant 0 : i32
        %dma_start3A_452 = tpu.memref_slice %arg5[%add3A_446, %dma_start3A_450, %dma_start3A_451] : memref<200x1x128xi32, #tpu.memory_space<vmem>> -> memref<1x1x128xi32, #tpu.memory_space<vmem>>
        %dma_start3A_453 = tpu.memref_squeeze %dma_start3A_452 : memref<1x1x128xi32, #tpu.memory_space<vmem>> -> memref<1x128xi32, #tpu.memory_space<vmem>>
        %dma_start3A_454 = arith.constant 0 : i32
        %dma_start3A_455 = arith.constant 0 : i32
        %dma_start3A_456 = tpu.memref_slice %arg11[%dma_start3A_454, %dma_start3A_455] : memref<1x1000448xf32, #tpu.memory_space<vmem_shared>> -> memref<1x1000448xf32, #tpu.memory_space<vmem_shared>>
        tpu.enqueue_indirect_dma source(%dma_start3A_456 : memref<1x1000448xf32, #tpu.memory_space<vmem_shared>>) target(%dma_start3A_449 : memref<1x128xf32, #tpu.memory_space<vmem>>) offsets(%dma_start3A_453 : memref<1x128xi32, #tpu.memory_space<vmem>>) semaphore(%arg14 : memref<!tpu.dma_semaphore, #tpu.memory_space<semaphore_mem>>)
        %add3A_457 = arith.constant 4 : i32
        %add3A_458 = arith.addi %mul3A_344, %add3A_457 : i32
        %dma_start3A_459 = arith.constant 4 : i32
        %dma_start3A_460 = arith.constant 0 : i32
        %dma_start3A_461 = tpu.memref_slice %arg8[%dma_start3A_459, %dma_start3A_460] : memref<10x128xf32, #tpu.memory_space<vmem>> -> memref<1x128xf32, #tpu.memory_space<vmem>>
        %dma_start3A_462 = arith.constant 0 : i32
        %dma_start3A_463 = arith.constant 0 : i32
        %dma_start3A_464 = tpu.memref_slice %arg6[%add3A_458, %dma_start3A_462, %dma_start3A_463] : memref<200x1x128xi32, #tpu.memory_space<vmem>> -> memref<1x1x128xi32, #tpu.memory_space<vmem>>
        %dma_start3A_465 = tpu.memref_squeeze %dma_start3A_464 : memref<1x1x128xi32, #tpu.memory_space<vmem>> -> memref<1x128xi32, #tpu.memory_space<vmem>>
        %dma_start3A_466 = arith.constant 0 : i32
        %dma_start3A_467 = arith.constant 0 : i32
        %dma_start3A_468 = tpu.memref_slice %arg11[%dma_start3A_466, %dma_start3A_467] : memref<1x1000448xf32, #tpu.memory_space<vmem_shared>> -> memref<1x1000448xf32, #tpu.memory_space<vmem_shared>>
        tpu.enqueue_indirect_dma source(%dma_start3A_468 : memref<1x1000448xf32, #tpu.memory_space<vmem_shared>>) target(%dma_start3A_461 : memref<1x128xf32, #tpu.memory_space<vmem>>) offsets(%dma_start3A_465 : memref<1x128xi32, #tpu.memory_space<vmem>>) semaphore(%arg14 : memref<!tpu.dma_semaphore, #tpu.memory_space<semaphore_mem>>)
        %add3A_469 = arith.constant 5 : i32
        %add3A_470 = arith.addi %mul3A_344, %add3A_469 : i32
        %dma_start3A_471 = arith.constant 5 : i32
        %dma_start3A_472 = arith.constant 0 : i32
        %dma_start3A_473 = tpu.memref_slice %arg7[%dma_start3A_471, %dma_start3A_472] : memref<10x128xf32, #tpu.memory_space<vmem>> -> memref<1x128xf32, #tpu.memory_space<vmem>>
        %dma_start3A_474 = arith.constant 0 : i32
        %dma_start3A_475 = arith.constant 0 : i32
        %dma_start3A_476 = tpu.memref_slice %arg5[%add3A_470, %dma_start3A_474, %dma_start3A_475] : memref<200x1x128xi32, #tpu.memory_space<vmem>> -> memref<1x1x128xi32, #tpu.memory_space<vmem>>
        %dma_start3A_477 = tpu.memref_squeeze %dma_start3A_476 : memref<1x1x128xi32, #tpu.memory_space<vmem>> -> memref<1x128xi32, #tpu.memory_space<vmem>>
        %dma_start3A_478 = arith.constant 0 : i32
        %dma_start3A_479 = arith.constant 0 : i32
        %dma_start3A_480 = tpu.memref_slice %arg11[%dma_start3A_478, %dma_start3A_479] : memref<1x1000448xf32, #tpu.memory_space<vmem_shared>> -> memref<1x1000448xf32, #tpu.memory_space<vmem_shared>>
        tpu.enqueue_indirect_dma source(%dma_start3A_480 : memref<1x1000448xf32, #tpu.memory_space<vmem_shared>>) target(%dma_start3A_473 : memref<1x128xf32, #tpu.memory_space<vmem>>) offsets(%dma_start3A_477 : memref<1x128xi32, #tpu.memory_space<vmem>>) semaphore(%arg14 : memref<!tpu.dma_semaphore, #tpu.memory_space<semaphore_mem>>)
        %add3A_481 = arith.constant 5 : i32
        %add3A_482 = arith.addi %mul3A_344, %add3A_481 : i32
        %dma_start3A_483 = arith.constant 5 : i32
        %dma_start3A_484 = arith.constant 0 : i32
        %dma_start3A_485 = tpu.memref_slice %arg8[%dma_start3A_483, %dma_start3A_484] : memref<10x128xf32, #tpu.memory_space<vmem>> -> memref<1x128xf32, #tpu.memory_space<vmem>>
        %dma_start3A_486 = arith.constant 0 : i32
        %dma_start3A_487 = arith.constant 0 : i32
        %dma_start3A_488 = tpu.memref_slice %arg6[%add3A_482, %dma_start3A_486, %dma_start3A_487] : memref<200x1x128xi32, #tpu.memory_space<vmem>> -> memref<1x1x128xi32, #tpu.memory_space<vmem>>
        %dma_start3A_489 = tpu.memref_squeeze %dma_start3A_488 : memref<1x1x128xi32, #tpu.memory_space<vmem>> -> memref<1x128xi32, #tpu.memory_space<vmem>>
        %dma_start3A_490 = arith.constant 0 : i32
        %dma_start3A_491 = arith.constant 0 : i32
        %dma_start3A_492 = tpu.memref_slice %arg11[%dma_start3A_490, %dma_start3A_491] : memref<1x1000448xf32, #tpu.memory_space<vmem_shared>> -> memref<1x1000448xf32, #tpu.memory_space<vmem_shared>>
        tpu.enqueue_indirect_dma source(%dma_start3A_492 : memref<1x1000448xf32, #tpu.memory_space<vmem_shared>>) target(%dma_start3A_485 : memref<1x128xf32, #tpu.memory_space<vmem>>) offsets(%dma_start3A_489 : memref<1x128xi32, #tpu.memory_space<vmem>>) semaphore(%arg14 : memref<!tpu.dma_semaphore, #tpu.memory_space<semaphore_mem>>)
        %add3A_493 = arith.constant 6 : i32
        %add3A_494 = arith.addi %mul3A_344, %add3A_493 : i32
        %dma_start3A_495 = arith.constant 6 : i32
        %dma_start3A_496 = arith.constant 0 : i32
        %dma_start3A_497 = tpu.memref_slice %arg7[%dma_start3A_495, %dma_start3A_496] : memref<10x128xf32, #tpu.memory_space<vmem>> -> memref<1x128xf32, #tpu.memory_space<vmem>>
        %dma_start3A_498 = arith.constant 0 : i32
        %dma_start3A_499 = arith.constant 0 : i32
        %dma_start3A_500 = tpu.memref_slice %arg5[%add3A_494, %dma_start3A_498, %dma_start3A_499] : memref<200x1x128xi32, #tpu.memory_space<vmem>> -> memref<1x1x128xi32, #tpu.memory_space<vmem>>
        %dma_start3A_501 = tpu.memref_squeeze %dma_start3A_500 : memref<1x1x128xi32, #tpu.memory_space<vmem>> -> memref<1x128xi32, #tpu.memory_space<vmem>>
        %dma_start3A_502 = arith.constant 0 : i32
        %dma_start3A_503 = arith.constant 0 : i32
        %dma_start3A_504 = tpu.memref_slice %arg11[%dma_start3A_502, %dma_start3A_503] : memref<1x1000448xf32, #tpu.memory_space<vmem_shared>> -> memref<1x1000448xf32, #tpu.memory_space<vmem_shared>>
        tpu.enqueue_indirect_dma source(%dma_start3A_504 : memref<1x1000448xf32, #tpu.memory_space<vmem_shared>>) target(%dma_start3A_497 : memref<1x128xf32, #tpu.memory_space<vmem>>) offsets(%dma_start3A_501 : memref<1x128xi32, #tpu.memory_space<vmem>>) semaphore(%arg14 : memref<!tpu.dma_semaphore, #tpu.memory_space<semaphore_mem>>)
        %add3A_505 = arith.constant 6 : i32
        %add3A_506 = arith.addi %mul3A_344, %add3A_505 : i32
        %dma_start3A_507 = arith.constant 6 : i32
        %dma_start3A_508 = arith.constant 0 : i32
        %dma_start3A_509 = tpu.memref_slice %arg8[%dma_start3A_507, %dma_start3A_508] : memref<10x128xf32, #tpu.memory_space<vmem>> -> memref<1x128xf32, #tpu.memory_space<vmem>>
        %dma_start3A_510 = arith.constant 0 : i32
        %dma_start3A_511 = arith.constant 0 : i32
        %dma_start3A_512 = tpu.memref_slice %arg6[%add3A_506, %dma_start3A_510, %dma_start3A_511] : memref<200x1x128xi32, #tpu.memory_space<vmem>> -> memref<1x1x128xi32, #tpu.memory_space<vmem>>
        %dma_start3A_513 = tpu.memref_squeeze %dma_start3A_512 : memref<1x1x128xi32, #tpu.memory_space<vmem>> -> memref<1x128xi32, #tpu.memory_space<vmem>>
        %dma_start3A_514 = arith.constant 0 : i32
        %dma_start3A_515 = arith.constant 0 : i32
        %dma_start3A_516 = tpu.memref_slice %arg11[%dma_start3A_514, %dma_start3A_515] : memref<1x1000448xf32, #tpu.memory_space<vmem_shared>> -> memref<1x1000448xf32, #tpu.memory_space<vmem_shared>>
        tpu.enqueue_indirect_dma source(%dma_start3A_516 : memref<1x1000448xf32, #tpu.memory_space<vmem_shared>>) target(%dma_start3A_509 : memref<1x128xf32, #tpu.memory_space<vmem>>) offsets(%dma_start3A_513 : memref<1x128xi32, #tpu.memory_space<vmem>>) semaphore(%arg14 : memref<!tpu.dma_semaphore, #tpu.memory_space<semaphore_mem>>)
        %add3A_517 = arith.constant 7 : i32
        %add3A_518 = arith.addi %mul3A_344, %add3A_517 : i32
        %dma_start3A_519 = arith.constant 7 : i32
        %dma_start3A_520 = arith.constant 0 : i32
        %dma_start3A_521 = tpu.memref_slice %arg7[%dma_start3A_519, %dma_start3A_520] : memref<10x128xf32, #tpu.memory_space<vmem>> -> memref<1x128xf32, #tpu.memory_space<vmem>>
        %dma_start3A_522 = arith.constant 0 : i32
        %dma_start3A_523 = arith.constant 0 : i32
        %dma_start3A_524 = tpu.memref_slice %arg5[%add3A_518, %dma_start3A_522, %dma_start3A_523] : memref<200x1x128xi32, #tpu.memory_space<vmem>> -> memref<1x1x128xi32, #tpu.memory_space<vmem>>
        %dma_start3A_525 = tpu.memref_squeeze %dma_start3A_524 : memref<1x1x128xi32, #tpu.memory_space<vmem>> -> memref<1x128xi32, #tpu.memory_space<vmem>>
        %dma_start3A_526 = arith.constant 0 : i32
        %dma_start3A_527 = arith.constant 0 : i32
        %dma_start3A_528 = tpu.memref_slice %arg11[%dma_start3A_526, %dma_start3A_527] : memref<1x1000448xf32, #tpu.memory_space<vmem_shared>> -> memref<1x1000448xf32, #tpu.memory_space<vmem_shared>>
        tpu.enqueue_indirect_dma source(%dma_start3A_528 : memref<1x1000448xf32, #tpu.memory_space<vmem_shared>>) target(%dma_start3A_521 : memref<1x128xf32, #tpu.memory_space<vmem>>) offsets(%dma_start3A_525 : memref<1x128xi32, #tpu.memory_space<vmem>>) semaphore(%arg14 : memref<!tpu.dma_semaphore, #tpu.memory_space<semaphore_mem>>)
        %add3A_529 = arith.constant 7 : i32
        %add3A_530 = arith.addi %mul3A_344, %add3A_529 : i32
        %dma_start3A_531 = arith.constant 7 : i32
        %dma_start3A_532 = arith.constant 0 : i32
        %dma_start3A_533 = tpu.memref_slice %arg8[%dma_start3A_531, %dma_start3A_532] : memref<10x128xf32, #tpu.memory_space<vmem>> -> memref<1x128xf32, #tpu.memory_space<vmem>>
        %dma_start3A_534 = arith.constant 0 : i32
        %dma_start3A_535 = arith.constant 0 : i32
        %dma_start3A_536 = tpu.memref_slice %arg6[%add3A_530, %dma_start3A_534, %dma_start3A_535] : memref<200x1x128xi32, #tpu.memory_space<vmem>> -> memref<1x1x128xi32, #tpu.memory_space<vmem>>
        %dma_start3A_537 = tpu.memref_squeeze %dma_start3A_536 : memref<1x1x128xi32, #tpu.memory_space<vmem>> -> memref<1x128xi32, #tpu.memory_space<vmem>>
        %dma_start3A_538 = arith.constant 0 : i32
        %dma_start3A_539 = arith.constant 0 : i32
        %dma_start3A_540 = tpu.memref_slice %arg11[%dma_start3A_538, %dma_start3A_539] : memref<1x1000448xf32, #tpu.memory_space<vmem_shared>> -> memref<1x1000448xf32, #tpu.memory_space<vmem_shared>>
        tpu.enqueue_indirect_dma source(%dma_start3A_540 : memref<1x1000448xf32, #tpu.memory_space<vmem_shared>>) target(%dma_start3A_533 : memref<1x128xf32, #tpu.memory_space<vmem>>) offsets(%dma_start3A_537 : memref<1x128xi32, #tpu.memory_space<vmem>>) semaphore(%arg14 : memref<!tpu.dma_semaphore, #tpu.memory_space<semaphore_mem>>)
        %add3A_541 = arith.constant 8 : i32
        %add3A_542 = arith.addi %mul3A_344, %add3A_541 : i32
        %dma_start3A_543 = arith.constant 8 : i32
        %dma_start3A_544 = arith.constant 0 : i32
        %dma_start3A_545 = tpu.memref_slice %arg7[%dma_start3A_543, %dma_start3A_544] : memref<10x128xf32, #tpu.memory_space<vmem>> -> memref<1x128xf32, #tpu.memory_space<vmem>>
        %dma_start3A_546 = arith.constant 0 : i32
        %dma_start3A_547 = arith.constant 0 : i32
        %dma_start3A_548 = tpu.memref_slice %arg5[%add3A_542, %dma_start3A_546, %dma_start3A_547] : memref<200x1x128xi32, #tpu.memory_space<vmem>> -> memref<1x1x128xi32, #tpu.memory_space<vmem>>
        %dma_start3A_549 = tpu.memref_squeeze %dma_start3A_548 : memref<1x1x128xi32, #tpu.memory_space<vmem>> -> memref<1x128xi32, #tpu.memory_space<vmem>>
        %dma_start3A_550 = arith.constant 0 : i32
        %dma_start3A_551 = arith.constant 0 : i32
        %dma_start3A_552 = tpu.memref_slice %arg11[%dma_start3A_550, %dma_start3A_551] : memref<1x1000448xf32, #tpu.memory_space<vmem_shared>> -> memref<1x1000448xf32, #tpu.memory_space<vmem_shared>>
        tpu.enqueue_indirect_dma source(%dma_start3A_552 : memref<1x1000448xf32, #tpu.memory_space<vmem_shared>>) target(%dma_start3A_545 : memref<1x128xf32, #tpu.memory_space<vmem>>) offsets(%dma_start3A_549 : memref<1x128xi32, #tpu.memory_space<vmem>>) semaphore(%arg14 : memref<!tpu.dma_semaphore, #tpu.memory_space<semaphore_mem>>)
        %add3A_553 = arith.constant 8 : i32
        %add3A_554 = arith.addi %mul3A_344, %add3A_553 : i32
        %dma_start3A_555 = arith.constant 8 : i32
        %dma_start3A_556 = arith.constant 0 : i32
        %dma_start3A_557 = tpu.memref_slice %arg8[%dma_start3A_555, %dma_start3A_556] : memref<10x128xf32, #tpu.memory_space<vmem>> -> memref<1x128xf32, #tpu.memory_space<vmem>>
        %dma_start3A_558 = arith.constant 0 : i32
        %dma_start3A_559 = arith.constant 0 : i32
        %dma_start3A_560 = tpu.memref_slice %arg6[%add3A_554, %dma_start3A_558, %dma_start3A_559] : memref<200x1x128xi32, #tpu.memory_space<vmem>> -> memref<1x1x128xi32, #tpu.memory_space<vmem>>
        %dma_start3A_561 = tpu.memref_squeeze %dma_start3A_560 : memref<1x1x128xi32, #tpu.memory_space<vmem>> -> memref<1x128xi32, #tpu.memory_space<vmem>>
        %dma_start3A_562 = arith.constant 0 : i32
        %dma_start3A_563 = arith.constant 0 : i32
        %dma_start3A_564 = tpu.memref_slice %arg11[%dma_start3A_562, %dma_start3A_563] : memref<1x1000448xf32, #tpu.memory_space<vmem_shared>> -> memref<1x1000448xf32, #tpu.memory_space<vmem_shared>>
        tpu.enqueue_indirect_dma source(%dma_start3A_564 : memref<1x1000448xf32, #tpu.memory_space<vmem_shared>>) target(%dma_start3A_557 : memref<1x128xf32, #tpu.memory_space<vmem>>) offsets(%dma_start3A_561 : memref<1x128xi32, #tpu.memory_space<vmem>>) semaphore(%arg14 : memref<!tpu.dma_semaphore, #tpu.memory_space<semaphore_mem>>)
        %add3A_565 = arith.constant 9 : i32
        %add3A_566 = arith.addi %mul3A_344, %add3A_565 : i32
        %dma_start3A_567 = arith.constant 9 : i32
        %dma_start3A_568 = arith.constant 0 : i32
        %dma_start3A_569 = tpu.memref_slice %arg7[%dma_start3A_567, %dma_start3A_568] : memref<10x128xf32, #tpu.memory_space<vmem>> -> memref<1x128xf32, #tpu.memory_space<vmem>>
        %dma_start3A_570 = arith.constant 0 : i32
        %dma_start3A_571 = arith.constant 0 : i32
        %dma_start3A_572 = tpu.memref_slice %arg5[%add3A_566, %dma_start3A_570, %dma_start3A_571] : memref<200x1x128xi32, #tpu.memory_space<vmem>> -> memref<1x1x128xi32, #tpu.memory_space<vmem>>
        %dma_start3A_573 = tpu.memref_squeeze %dma_start3A_572 : memref<1x1x128xi32, #tpu.memory_space<vmem>> -> memref<1x128xi32, #tpu.memory_space<vmem>>
        %dma_start3A_574 = arith.constant 0 : i32
        %dma_start3A_575 = arith.constant 0 : i32
        %dma_start3A_576 = tpu.memref_slice %arg11[%dma_start3A_574, %dma_start3A_575] : memref<1x1000448xf32, #tpu.memory_space<vmem_shared>> -> memref<1x1000448xf32, #tpu.memory_space<vmem_shared>>
        tpu.enqueue_indirect_dma source(%dma_start3A_576 : memref<1x1000448xf32, #tpu.memory_space<vmem_shared>>) target(%dma_start3A_569 : memref<1x128xf32, #tpu.memory_space<vmem>>) offsets(%dma_start3A_573 : memref<1x128xi32, #tpu.memory_space<vmem>>) semaphore(%arg14 : memref<!tpu.dma_semaphore, #tpu.memory_space<semaphore_mem>>)
        %add3A_577 = arith.constant 9 : i32
        %add3A_578 = arith.addi %mul3A_344, %add3A_577 : i32
        %dma_start3A_579 = arith.constant 9 : i32
        %dma_start3A_580 = arith.constant 0 : i32
        %dma_start3A_581 = tpu.memref_slice %arg8[%dma_start3A_579, %dma_start3A_580] : memref<10x128xf32, #tpu.memory_space<vmem>> -> memref<1x128xf32, #tpu.memory_space<vmem>>
        %dma_start3A_582 = arith.constant 0 : i32
        %dma_start3A_583 = arith.constant 0 : i32
        %dma_start3A_584 = tpu.memref_slice %arg6[%add3A_578, %dma_start3A_582, %dma_start3A_583] : memref<200x1x128xi32, #tpu.memory_space<vmem>> -> memref<1x1x128xi32, #tpu.memory_space<vmem>>
        %dma_start3A_585 = tpu.memref_squeeze %dma_start3A_584 : memref<1x1x128xi32, #tpu.memory_space<vmem>> -> memref<1x128xi32, #tpu.memory_space<vmem>>
        %dma_start3A_586 = arith.constant 0 : i32
        %dma_start3A_587 = arith.constant 0 : i32
        %dma_start3A_588 = tpu.memref_slice %arg11[%dma_start3A_586, %dma_start3A_587] : memref<1x1000448xf32, #tpu.memory_space<vmem_shared>> -> memref<1x1000448xf32, #tpu.memory_space<vmem_shared>>
        tpu.enqueue_indirect_dma source(%dma_start3A_588 : memref<1x1000448xf32, #tpu.memory_space<vmem_shared>>) target(%dma_start3A_581 : memref<1x128xf32, #tpu.memory_space<vmem>>) offsets(%dma_start3A_585 : memref<1x128xi32, #tpu.memory_space<vmem>>) semaphore(%arg14 : memref<!tpu.dma_semaphore, #tpu.memory_space<semaphore_mem>>)
        %gt3A_589 = arith.constant 0 : i32
        %gt3A_590 = arith.cmpi sgt, %scan3A_338, %gt3A_589 : i32
        %convert_element_type3A_591 = arith.extui %gt3A_590 : i1 to i32
        %cond3A_592 = arith.constant 0 : i32
        %cond3A_593 = arith.cmpi ne, %convert_element_type3A_591, %cond3A_592 : i32
        scf.if %cond3A_593 {
          %dma_wait3A_1076 = arith.constant 0 : i32
          %dma_wait3A_1077 = arith.constant 0 : i32
          %dma_wait3A_1078 = arith.constant 0 : i32
          %dma_wait3A_1079 = tpu.memref_slice %arg9[%dma_wait3A_1077, %dma_wait3A_1078] : memref<10x128xf32, #tpu.memory_space<vmem>> -> memref<1x128xf32, #tpu.memory_space<vmem>>
          %dma_wait3A_1080 = arith.constant 0 : i32
          %dma_wait3A_1081 = arith.constant 0 : i32
          %dma_wait3A_1082 = tpu.memref_slice %arg5[%dma_wait3A_1076, %dma_wait3A_1080, %dma_wait3A_1081] : memref<200x1x128xi32, #tpu.memory_space<vmem>> -> memref<1x1x128xi32, #tpu.memory_space<vmem>>
          %dma_wait3A_1083 = tpu.memref_squeeze %dma_wait3A_1082 : memref<1x1x128xi32, #tpu.memory_space<vmem>> -> memref<1x128xi32, #tpu.memory_space<vmem>>
          %dma_wait3A_1084 = arith.constant 0 : i32
          %dma_wait3A_1085 = arith.constant 0 : i32
          %dma_wait3A_1086 = tpu.memref_slice %arg11[%dma_wait3A_1084, %dma_wait3A_1085] : memref<1x1000448xf32, #tpu.memory_space<vmem_shared>> -> memref<1x1000448xf32, #tpu.memory_space<vmem_shared>>
          tpu.wait_indirect_dma semaphore(%arg15 : memref<!tpu.dma_semaphore, #tpu.memory_space<semaphore_mem>>) src(%dma_wait3A_1086 : memref<1x1000448xf32, #tpu.memory_space<vmem_shared>>) dst(%dma_wait3A_1079 : memref<1x128xf32, #tpu.memory_space<vmem>>)
          %dma_wait3A_1087 = arith.constant 0 : i32
          %dma_wait3A_1088 = arith.constant 0 : i32
          %dma_wait3A_1089 = arith.constant 0 : i32
          %dma_wait3A_1090 = tpu.memref_slice %arg10[%dma_wait3A_1088, %dma_wait3A_1089] : memref<10x128xf32, #tpu.memory_space<vmem>> -> memref<1x128xf32, #tpu.memory_space<vmem>>
          %dma_wait3A_1091 = arith.constant 0 : i32
          %dma_wait3A_1092 = arith.constant 0 : i32
          %dma_wait3A_1093 = tpu.memref_slice %arg6[%dma_wait3A_1087, %dma_wait3A_1091, %dma_wait3A_1092] : memref<200x1x128xi32, #tpu.memory_space<vmem>> -> memref<1x1x128xi32, #tpu.memory_space<vmem>>
          %dma_wait3A_1094 = tpu.memref_squeeze %dma_wait3A_1093 : memref<1x1x128xi32, #tpu.memory_space<vmem>> -> memref<1x128xi32, #tpu.memory_space<vmem>>
          %dma_wait3A_1095 = arith.constant 0 : i32
          %dma_wait3A_1096 = arith.constant 0 : i32
          %dma_wait3A_1097 = tpu.memref_slice %arg11[%dma_wait3A_1095, %dma_wait3A_1096] : memref<1x1000448xf32, #tpu.memory_space<vmem_shared>> -> memref<1x1000448xf32, #tpu.memory_space<vmem_shared>>
          tpu.wait_indirect_dma semaphore(%arg15 : memref<!tpu.dma_semaphore, #tpu.memory_space<semaphore_mem>>) src(%dma_wait3A_1097 : memref<1x1000448xf32, #tpu.memory_space<vmem_shared>>) dst(%dma_wait3A_1090 : memref<1x128xf32, #tpu.memory_space<vmem>>)
          %dma_wait3A_1098 = arith.constant 0 : i32
          %dma_wait3A_1099 = arith.constant 1 : i32
          %dma_wait3A_1100 = arith.constant 0 : i32
          %dma_wait3A_1101 = tpu.memref_slice %arg9[%dma_wait3A_1099, %dma_wait3A_1100] : memref<10x128xf32, #tpu.memory_space<vmem>> -> memref<1x128xf32, #tpu.memory_space<vmem>>
          %dma_wait3A_1102 = arith.constant 0 : i32
          %dma_wait3A_1103 = arith.constant 0 : i32
          %dma_wait3A_1104 = tpu.memref_slice %arg5[%dma_wait3A_1098, %dma_wait3A_1102, %dma_wait3A_1103] : memref<200x1x128xi32, #tpu.memory_space<vmem>> -> memref<1x1x128xi32, #tpu.memory_space<vmem>>
          %dma_wait3A_1105 = tpu.memref_squeeze %dma_wait3A_1104 : memref<1x1x128xi32, #tpu.memory_space<vmem>> -> memref<1x128xi32, #tpu.memory_space<vmem>>
          %dma_wait3A_1106 = arith.constant 0 : i32
          %dma_wait3A_1107 = arith.constant 0 : i32
          %dma_wait3A_1108 = tpu.memref_slice %arg11[%dma_wait3A_1106, %dma_wait3A_1107] : memref<1x1000448xf32, #tpu.memory_space<vmem_shared>> -> memref<1x1000448xf32, #tpu.memory_space<vmem_shared>>
          tpu.wait_indirect_dma semaphore(%arg15 : memref<!tpu.dma_semaphore, #tpu.memory_space<semaphore_mem>>) src(%dma_wait3A_1108 : memref<1x1000448xf32, #tpu.memory_space<vmem_shared>>) dst(%dma_wait3A_1101 : memref<1x128xf32, #tpu.memory_space<vmem>>)
          %dma_wait3A_1109 = arith.constant 0 : i32
          %dma_wait3A_1110 = arith.constant 1 : i32
          %dma_wait3A_1111 = arith.constant 0 : i32
          %dma_wait3A_1112 = tpu.memref_slice %arg10[%dma_wait3A_1110, %dma_wait3A_1111] : memref<10x128xf32, #tpu.memory_space<vmem>> -> memref<1x128xf32, #tpu.memory_space<vmem>>
          %dma_wait3A_1113 = arith.constant 0 : i32
          %dma_wait3A_1114 = arith.constant 0 : i32
          %dma_wait3A_1115 = tpu.memref_slice %arg6[%dma_wait3A_1109, %dma_wait3A_1113, %dma_wait3A_1114] : memref<200x1x128xi32, #tpu.memory_space<vmem>> -> memref<1x1x128xi32, #tpu.memory_space<vmem>>
          %dma_wait3A_1116 = tpu.memref_squeeze %dma_wait3A_1115 : memref<1x1x128xi32, #tpu.memory_space<vmem>> -> memref<1x128xi32, #tpu.memory_space<vmem>>
          %dma_wait3A_1117 = arith.constant 0 : i32
          %dma_wait3A_1118 = arith.constant 0 : i32
          %dma_wait3A_1119 = tpu.memref_slice %arg11[%dma_wait3A_1117, %dma_wait3A_1118] : memref<1x1000448xf32, #tpu.memory_space<vmem_shared>> -> memref<1x1000448xf32, #tpu.memory_space<vmem_shared>>
          tpu.wait_indirect_dma semaphore(%arg15 : memref<!tpu.dma_semaphore, #tpu.memory_space<semaphore_mem>>) src(%dma_wait3A_1119 : memref<1x1000448xf32, #tpu.memory_space<vmem_shared>>) dst(%dma_wait3A_1112 : memref<1x128xf32, #tpu.memory_space<vmem>>)
          %dma_wait3A_1120 = arith.constant 0 : i32
          %dma_wait3A_1121 = arith.constant 2 : i32
          %dma_wait3A_1122 = arith.constant 0 : i32
          %dma_wait3A_1123 = tpu.memref_slice %arg9[%dma_wait3A_1121, %dma_wait3A_1122] : memref<10x128xf32, #tpu.memory_space<vmem>> -> memref<1x128xf32, #tpu.memory_space<vmem>>
          %dma_wait3A_1124 = arith.constant 0 : i32
          %dma_wait3A_1125 = arith.constant 0 : i32
          %dma_wait3A_1126 = tpu.memref_slice %arg5[%dma_wait3A_1120, %dma_wait3A_1124, %dma_wait3A_1125] : memref<200x1x128xi32, #tpu.memory_space<vmem>> -> memref<1x1x128xi32, #tpu.memory_space<vmem>>
          %dma_wait3A_1127 = tpu.memref_squeeze %dma_wait3A_1126 : memref<1x1x128xi32, #tpu.memory_space<vmem>> -> memref<1x128xi32, #tpu.memory_space<vmem>>
          %dma_wait3A_1128 = arith.constant 0 : i32
          %dma_wait3A_1129 = arith.constant 0 : i32
          %dma_wait3A_1130 = tpu.memref_slice %arg11[%dma_wait3A_1128, %dma_wait3A_1129] : memref<1x1000448xf32, #tpu.memory_space<vmem_shared>> -> memref<1x1000448xf32, #tpu.memory_space<vmem_shared>>
          tpu.wait_indirect_dma semaphore(%arg15 : memref<!tpu.dma_semaphore, #tpu.memory_space<semaphore_mem>>) src(%dma_wait3A_1130 : memref<1x1000448xf32, #tpu.memory_space<vmem_shared>>) dst(%dma_wait3A_1123 : memref<1x128xf32, #tpu.memory_space<vmem>>)
          %dma_wait3A_1131 = arith.constant 0 : i32
          %dma_wait3A_1132 = arith.constant 2 : i32
          %dma_wait3A_1133 = arith.constant 0 : i32
          %dma_wait3A_1134 = tpu.memref_slice %arg10[%dma_wait3A_1132, %dma_wait3A_1133] : memref<10x128xf32, #tpu.memory_space<vmem>> -> memref<1x128xf32, #tpu.memory_space<vmem>>
          %dma_wait3A_1135 = arith.constant 0 : i32
          %dma_wait3A_1136 = arith.constant 0 : i32
          %dma_wait3A_1137 = tpu.memref_slice %arg6[%dma_wait3A_1131, %dma_wait3A_1135, %dma_wait3A_1136] : memref<200x1x128xi32, #tpu.memory_space<vmem>> -> memref<1x1x128xi32, #tpu.memory_space<vmem>>
          %dma_wait3A_1138 = tpu.memref_squeeze %dma_wait3A_1137 : memref<1x1x128xi32, #tpu.memory_space<vmem>> -> memref<1x128xi32, #tpu.memory_space<vmem>>
          %dma_wait3A_1139 = arith.constant 0 : i32
          %dma_wait3A_1140 = arith.constant 0 : i32
          %dma_wait3A_1141 = tpu.memref_slice %arg11[%dma_wait3A_1139, %dma_wait3A_1140] : memref<1x1000448xf32, #tpu.memory_space<vmem_shared>> -> memref<1x1000448xf32, #tpu.memory_space<vmem_shared>>
          tpu.wait_indirect_dma semaphore(%arg15 : memref<!tpu.dma_semaphore, #tpu.memory_space<semaphore_mem>>) src(%dma_wait3A_1141 : memref<1x1000448xf32, #tpu.memory_space<vmem_shared>>) dst(%dma_wait3A_1134 : memref<1x128xf32, #tpu.memory_space<vmem>>)
          %dma_wait3A_1142 = arith.constant 0 : i32
          %dma_wait3A_1143 = arith.constant 3 : i32
          %dma_wait3A_1144 = arith.constant 0 : i32
          %dma_wait3A_1145 = tpu.memref_slice %arg9[%dma_wait3A_1143, %dma_wait3A_1144] : memref<10x128xf32, #tpu.memory_space<vmem>> -> memref<1x128xf32, #tpu.memory_space<vmem>>
          %dma_wait3A_1146 = arith.constant 0 : i32
          %dma_wait3A_1147 = arith.constant 0 : i32
          %dma_wait3A_1148 = tpu.memref_slice %arg5[%dma_wait3A_1142, %dma_wait3A_1146, %dma_wait3A_1147] : memref<200x1x128xi32, #tpu.memory_space<vmem>> -> memref<1x1x128xi32, #tpu.memory_space<vmem>>
          %dma_wait3A_1149 = tpu.memref_squeeze %dma_wait3A_1148 : memref<1x1x128xi32, #tpu.memory_space<vmem>> -> memref<1x128xi32, #tpu.memory_space<vmem>>
          %dma_wait3A_1150 = arith.constant 0 : i32
          %dma_wait3A_1151 = arith.constant 0 : i32
          %dma_wait3A_1152 = tpu.memref_slice %arg11[%dma_wait3A_1150, %dma_wait3A_1151] : memref<1x1000448xf32, #tpu.memory_space<vmem_shared>> -> memref<1x1000448xf32, #tpu.memory_space<vmem_shared>>
          tpu.wait_indirect_dma semaphore(%arg15 : memref<!tpu.dma_semaphore, #tpu.memory_space<semaphore_mem>>) src(%dma_wait3A_1152 : memref<1x1000448xf32, #tpu.memory_space<vmem_shared>>) dst(%dma_wait3A_1145 : memref<1x128xf32, #tpu.memory_space<vmem>>)
          %dma_wait3A_1153 = arith.constant 0 : i32
          %dma_wait3A_1154 = arith.constant 3 : i32
          %dma_wait3A_1155 = arith.constant 0 : i32
          %dma_wait3A_1156 = tpu.memref_slice %arg10[%dma_wait3A_1154, %dma_wait3A_1155] : memref<10x128xf32, #tpu.memory_space<vmem>> -> memref<1x128xf32, #tpu.memory_space<vmem>>
          %dma_wait3A_1157 = arith.constant 0 : i32
          %dma_wait3A_1158 = arith.constant 0 : i32
          %dma_wait3A_1159 = tpu.memref_slice %arg6[%dma_wait3A_1153, %dma_wait3A_1157, %dma_wait3A_1158] : memref<200x1x128xi32, #tpu.memory_space<vmem>> -> memref<1x1x128xi32, #tpu.memory_space<vmem>>
          %dma_wait3A_1160 = tpu.memref_squeeze %dma_wait3A_1159 : memref<1x1x128xi32, #tpu.memory_space<vmem>> -> memref<1x128xi32, #tpu.memory_space<vmem>>
          %dma_wait3A_1161 = arith.constant 0 : i32
          %dma_wait3A_1162 = arith.constant 0 : i32
          %dma_wait3A_1163 = tpu.memref_slice %arg11[%dma_wait3A_1161, %dma_wait3A_1162] : memref<1x1000448xf32, #tpu.memory_space<vmem_shared>> -> memref<1x1000448xf32, #tpu.memory_space<vmem_shared>>
          tpu.wait_indirect_dma semaphore(%arg15 : memref<!tpu.dma_semaphore, #tpu.memory_space<semaphore_mem>>) src(%dma_wait3A_1163 : memref<1x1000448xf32, #tpu.memory_space<vmem_shared>>) dst(%dma_wait3A_1156 : memref<1x128xf32, #tpu.memory_space<vmem>>)
          %dma_wait3A_1164 = arith.constant 0 : i32
          %dma_wait3A_1165 = arith.constant 4 : i32
          %dma_wait3A_1166 = arith.constant 0 : i32
          %dma_wait3A_1167 = tpu.memref_slice %arg9[%dma_wait3A_1165, %dma_wait3A_1166] : memref<10x128xf32, #tpu.memory_space<vmem>> -> memref<1x128xf32, #tpu.memory_space<vmem>>
          %dma_wait3A_1168 = arith.constant 0 : i32
          %dma_wait3A_1169 = arith.constant 0 : i32
          %dma_wait3A_1170 = tpu.memref_slice %arg5[%dma_wait3A_1164, %dma_wait3A_1168, %dma_wait3A_1169] : memref<200x1x128xi32, #tpu.memory_space<vmem>> -> memref<1x1x128xi32, #tpu.memory_space<vmem>>
          %dma_wait3A_1171 = tpu.memref_squeeze %dma_wait3A_1170 : memref<1x1x128xi32, #tpu.memory_space<vmem>> -> memref<1x128xi32, #tpu.memory_space<vmem>>
          %dma_wait3A_1172 = arith.constant 0 : i32
          %dma_wait3A_1173 = arith.constant 0 : i32
          %dma_wait3A_1174 = tpu.memref_slice %arg11[%dma_wait3A_1172, %dma_wait3A_1173] : memref<1x1000448xf32, #tpu.memory_space<vmem_shared>> -> memref<1x1000448xf32, #tpu.memory_space<vmem_shared>>
          tpu.wait_indirect_dma semaphore(%arg15 : memref<!tpu.dma_semaphore, #tpu.memory_space<semaphore_mem>>) src(%dma_wait3A_1174 : memref<1x1000448xf32, #tpu.memory_space<vmem_shared>>) dst(%dma_wait3A_1167 : memref<1x128xf32, #tpu.memory_space<vmem>>)
          %dma_wait3A_1175 = arith.constant 0 : i32
          %dma_wait3A_1176 = arith.constant 4 : i32
          %dma_wait3A_1177 = arith.constant 0 : i32
          %dma_wait3A_1178 = tpu.memref_slice %arg10[%dma_wait3A_1176, %dma_wait3A_1177] : memref<10x128xf32, #tpu.memory_space<vmem>> -> memref<1x128xf32, #tpu.memory_space<vmem>>
          %dma_wait3A_1179 = arith.constant 0 : i32
          %dma_wait3A_1180 = arith.constant 0 : i32
          %dma_wait3A_1181 = tpu.memref_slice %arg6[%dma_wait3A_1175, %dma_wait3A_1179, %dma_wait3A_1180] : memref<200x1x128xi32, #tpu.memory_space<vmem>> -> memref<1x1x128xi32, #tpu.memory_space<vmem>>
          %dma_wait3A_1182 = tpu.memref_squeeze %dma_wait3A_1181 : memref<1x1x128xi32, #tpu.memory_space<vmem>> -> memref<1x128xi32, #tpu.memory_space<vmem>>
          %dma_wait3A_1183 = arith.constant 0 : i32
          %dma_wait3A_1184 = arith.constant 0 : i32
          %dma_wait3A_1185 = tpu.memref_slice %arg11[%dma_wait3A_1183, %dma_wait3A_1184] : memref<1x1000448xf32, #tpu.memory_space<vmem_shared>> -> memref<1x1000448xf32, #tpu.memory_space<vmem_shared>>
          tpu.wait_indirect_dma semaphore(%arg15 : memref<!tpu.dma_semaphore, #tpu.memory_space<semaphore_mem>>) src(%dma_wait3A_1185 : memref<1x1000448xf32, #tpu.memory_space<vmem_shared>>) dst(%dma_wait3A_1178 : memref<1x128xf32, #tpu.memory_space<vmem>>)
          %dma_wait3A_1186 = arith.constant 0 : i32
          %dma_wait3A_1187 = arith.constant 5 : i32
          %dma_wait3A_1188 = arith.constant 0 : i32
          %dma_wait3A_1189 = tpu.memref_slice %arg9[%dma_wait3A_1187, %dma_wait3A_1188] : memref<10x128xf32, #tpu.memory_space<vmem>> -> memref<1x128xf32, #tpu.memory_space<vmem>>
          %dma_wait3A_1190 = arith.constant 0 : i32
          %dma_wait3A_1191 = arith.constant 0 : i32
          %dma_wait3A_1192 = tpu.memref_slice %arg5[%dma_wait3A_1186, %dma_wait3A_1190, %dma_wait3A_1191] : memref<200x1x128xi32, #tpu.memory_space<vmem>> -> memref<1x1x128xi32, #tpu.memory_space<vmem>>
          %dma_wait3A_1193 = tpu.memref_squeeze %dma_wait3A_1192 : memref<1x1x128xi32, #tpu.memory_space<vmem>> -> memref<1x128xi32, #tpu.memory_space<vmem>>
          %dma_wait3A_1194 = arith.constant 0 : i32
          %dma_wait3A_1195 = arith.constant 0 : i32
          %dma_wait3A_1196 = tpu.memref_slice %arg11[%dma_wait3A_1194, %dma_wait3A_1195] : memref<1x1000448xf32, #tpu.memory_space<vmem_shared>> -> memref<1x1000448xf32, #tpu.memory_space<vmem_shared>>
          tpu.wait_indirect_dma semaphore(%arg15 : memref<!tpu.dma_semaphore, #tpu.memory_space<semaphore_mem>>) src(%dma_wait3A_1196 : memref<1x1000448xf32, #tpu.memory_space<vmem_shared>>) dst(%dma_wait3A_1189 : memref<1x128xf32, #tpu.memory_space<vmem>>)
          %dma_wait3A_1197 = arith.constant 0 : i32
          %dma_wait3A_1198 = arith.constant 5 : i32
          %dma_wait3A_1199 = arith.constant 0 : i32
          %dma_wait3A_1200 = tpu.memref_slice %arg10[%dma_wait3A_1198, %dma_wait3A_1199] : memref<10x128xf32, #tpu.memory_space<vmem>> -> memref<1x128xf32, #tpu.memory_space<vmem>>
          %dma_wait3A_1201 = arith.constant 0 : i32
          %dma_wait3A_1202 = arith.constant 0 : i32
          %dma_wait3A_1203 = tpu.memref_slice %arg6[%dma_wait3A_1197, %dma_wait3A_1201, %dma_wait3A_1202] : memref<200x1x128xi32, #tpu.memory_space<vmem>> -> memref<1x1x128xi32, #tpu.memory_space<vmem>>
          %dma_wait3A_1204 = tpu.memref_squeeze %dma_wait3A_1203 : memref<1x1x128xi32, #tpu.memory_space<vmem>> -> memref<1x128xi32, #tpu.memory_space<vmem>>
          %dma_wait3A_1205 = arith.constant 0 : i32
          %dma_wait3A_1206 = arith.constant 0 : i32
          %dma_wait3A_1207 = tpu.memref_slice %arg11[%dma_wait3A_1205, %dma_wait3A_1206] : memref<1x1000448xf32, #tpu.memory_space<vmem_shared>> -> memref<1x1000448xf32, #tpu.memory_space<vmem_shared>>
          tpu.wait_indirect_dma semaphore(%arg15 : memref<!tpu.dma_semaphore, #tpu.memory_space<semaphore_mem>>) src(%dma_wait3A_1207 : memref<1x1000448xf32, #tpu.memory_space<vmem_shared>>) dst(%dma_wait3A_1200 : memref<1x128xf32, #tpu.memory_space<vmem>>)
          %dma_wait3A_1208 = arith.constant 0 : i32
          %dma_wait3A_1209 = arith.constant 6 : i32
          %dma_wait3A_1210 = arith.constant 0 : i32
          %dma_wait3A_1211 = tpu.memref_slice %arg9[%dma_wait3A_1209, %dma_wait3A_1210] : memref<10x128xf32, #tpu.memory_space<vmem>> -> memref<1x128xf32, #tpu.memory_space<vmem>>
          %dma_wait3A_1212 = arith.constant 0 : i32
          %dma_wait3A_1213 = arith.constant 0 : i32
          %dma_wait3A_1214 = tpu.memref_slice %arg5[%dma_wait3A_1208, %dma_wait3A_1212, %dma_wait3A_1213] : memref<200x1x128xi32, #tpu.memory_space<vmem>> -> memref<1x1x128xi32, #tpu.memory_space<vmem>>
          %dma_wait3A_1215 = tpu.memref_squeeze %dma_wait3A_1214 : memref<1x1x128xi32, #tpu.memory_space<vmem>> -> memref<1x128xi32, #tpu.memory_space<vmem>>
          %dma_wait3A_1216 = arith.constant 0 : i32
          %dma_wait3A_1217 = arith.constant 0 : i32
          %dma_wait3A_1218 = tpu.memref_slice %arg11[%dma_wait3A_1216, %dma_wait3A_1217] : memref<1x1000448xf32, #tpu.memory_space<vmem_shared>> -> memref<1x1000448xf32, #tpu.memory_space<vmem_shared>>
          tpu.wait_indirect_dma semaphore(%arg15 : memref<!tpu.dma_semaphore, #tpu.memory_space<semaphore_mem>>) src(%dma_wait3A_1218 : memref<1x1000448xf32, #tpu.memory_space<vmem_shared>>) dst(%dma_wait3A_1211 : memref<1x128xf32, #tpu.memory_space<vmem>>)
          %dma_wait3A_1219 = arith.constant 0 : i32
          %dma_wait3A_1220 = arith.constant 6 : i32
          %dma_wait3A_1221 = arith.constant 0 : i32
          %dma_wait3A_1222 = tpu.memref_slice %arg10[%dma_wait3A_1220, %dma_wait3A_1221] : memref<10x128xf32, #tpu.memory_space<vmem>> -> memref<1x128xf32, #tpu.memory_space<vmem>>
          %dma_wait3A_1223 = arith.constant 0 : i32
          %dma_wait3A_1224 = arith.constant 0 : i32
          %dma_wait3A_1225 = tpu.memref_slice %arg6[%dma_wait3A_1219, %dma_wait3A_1223, %dma_wait3A_1224] : memref<200x1x128xi32, #tpu.memory_space<vmem>> -> memref<1x1x128xi32, #tpu.memory_space<vmem>>
          %dma_wait3A_1226 = tpu.memref_squeeze %dma_wait3A_1225 : memref<1x1x128xi32, #tpu.memory_space<vmem>> -> memref<1x128xi32, #tpu.memory_space<vmem>>
          %dma_wait3A_1227 = arith.constant 0 : i32
          %dma_wait3A_1228 = arith.constant 0 : i32
          %dma_wait3A_1229 = tpu.memref_slice %arg11[%dma_wait3A_1227, %dma_wait3A_1228] : memref<1x1000448xf32, #tpu.memory_space<vmem_shared>> -> memref<1x1000448xf32, #tpu.memory_space<vmem_shared>>
          tpu.wait_indirect_dma semaphore(%arg15 : memref<!tpu.dma_semaphore, #tpu.memory_space<semaphore_mem>>) src(%dma_wait3A_1229 : memref<1x1000448xf32, #tpu.memory_space<vmem_shared>>) dst(%dma_wait3A_1222 : memref<1x128xf32, #tpu.memory_space<vmem>>)
          %dma_wait3A_1230 = arith.constant 0 : i32
          %dma_wait3A_1231 = arith.constant 7 : i32
          %dma_wait3A_1232 = arith.constant 0 : i32
          %dma_wait3A_1233 = tpu.memref_slice %arg9[%dma_wait3A_1231, %dma_wait3A_1232] : memref<10x128xf32, #tpu.memory_space<vmem>> -> memref<1x128xf32, #tpu.memory_space<vmem>>
          %dma_wait3A_1234 = arith.constant 0 : i32
          %dma_wait3A_1235 = arith.constant 0 : i32
          %dma_wait3A_1236 = tpu.memref_slice %arg5[%dma_wait3A_1230, %dma_wait3A_1234, %dma_wait3A_1235] : memref<200x1x128xi32, #tpu.memory_space<vmem>> -> memref<1x1x128xi32, #tpu.memory_space<vmem>>
          %dma_wait3A_1237 = tpu.memref_squeeze %dma_wait3A_1236 : memref<1x1x128xi32, #tpu.memory_space<vmem>> -> memref<1x128xi32, #tpu.memory_space<vmem>>
          %dma_wait3A_1238 = arith.constant 0 : i32
          %dma_wait3A_1239 = arith.constant 0 : i32
          %dma_wait3A_1240 = tpu.memref_slice %arg11[%dma_wait3A_1238, %dma_wait3A_1239] : memref<1x1000448xf32, #tpu.memory_space<vmem_shared>> -> memref<1x1000448xf32, #tpu.memory_space<vmem_shared>>
          tpu.wait_indirect_dma semaphore(%arg15 : memref<!tpu.dma_semaphore, #tpu.memory_space<semaphore_mem>>) src(%dma_wait3A_1240 : memref<1x1000448xf32, #tpu.memory_space<vmem_shared>>) dst(%dma_wait3A_1233 : memref<1x128xf32, #tpu.memory_space<vmem>>)
          %dma_wait3A_1241 = arith.constant 0 : i32
          %dma_wait3A_1242 = arith.constant 7 : i32
          %dma_wait3A_1243 = arith.constant 0 : i32
          %dma_wait3A_1244 = tpu.memref_slice %arg10[%dma_wait3A_1242, %dma_wait3A_1243] : memref<10x128xf32, #tpu.memory_space<vmem>> -> memref<1x128xf32, #tpu.memory_space<vmem>>
          %dma_wait3A_1245 = arith.constant 0 : i32
          %dma_wait3A_1246 = arith.constant 0 : i32
          %dma_wait3A_1247 = tpu.memref_slice %arg6[%dma_wait3A_1241, %dma_wait3A_1245, %dma_wait3A_1246] : memref<200x1x128xi32, #tpu.memory_space<vmem>> -> memref<1x1x128xi32, #tpu.memory_space<vmem>>
          %dma_wait3A_1248 = tpu.memref_squeeze %dma_wait3A_1247 : memref<1x1x128xi32, #tpu.memory_space<vmem>> -> memref<1x128xi32, #tpu.memory_space<vmem>>
          %dma_wait3A_1249 = arith.constant 0 : i32
          %dma_wait3A_1250 = arith.constant 0 : i32
          %dma_wait3A_1251 = tpu.memref_slice %arg11[%dma_wait3A_1249, %dma_wait3A_1250] : memref<1x1000448xf32, #tpu.memory_space<vmem_shared>> -> memref<1x1000448xf32, #tpu.memory_space<vmem_shared>>
          tpu.wait_indirect_dma semaphore(%arg15 : memref<!tpu.dma_semaphore, #tpu.memory_space<semaphore_mem>>) src(%dma_wait3A_1251 : memref<1x1000448xf32, #tpu.memory_space<vmem_shared>>) dst(%dma_wait3A_1244 : memref<1x128xf32, #tpu.memory_space<vmem>>)
          %dma_wait3A_1252 = arith.constant 0 : i32
          %dma_wait3A_1253 = arith.constant 8 : i32
          %dma_wait3A_1254 = arith.constant 0 : i32
          %dma_wait3A_1255 = tpu.memref_slice %arg9[%dma_wait3A_1253, %dma_wait3A_1254] : memref<10x128xf32, #tpu.memory_space<vmem>> -> memref<1x128xf32, #tpu.memory_space<vmem>>
          %dma_wait3A_1256 = arith.constant 0 : i32
          %dma_wait3A_1257 = arith.constant 0 : i32
          %dma_wait3A_1258 = tpu.memref_slice %arg5[%dma_wait3A_1252, %dma_wait3A_1256, %dma_wait3A_1257] : memref<200x1x128xi32, #tpu.memory_space<vmem>> -> memref<1x1x128xi32, #tpu.memory_space<vmem>>
          %dma_wait3A_1259 = tpu.memref_squeeze %dma_wait3A_1258 : memref<1x1x128xi32, #tpu.memory_space<vmem>> -> memref<1x128xi32, #tpu.memory_space<vmem>>
          %dma_wait3A_1260 = arith.constant 0 : i32
          %dma_wait3A_1261 = arith.constant 0 : i32
          %dma_wait3A_1262 = tpu.memref_slice %arg11[%dma_wait3A_1260, %dma_wait3A_1261] : memref<1x1000448xf32, #tpu.memory_space<vmem_shared>> -> memref<1x1000448xf32, #tpu.memory_space<vmem_shared>>
          tpu.wait_indirect_dma semaphore(%arg15 : memref<!tpu.dma_semaphore, #tpu.memory_space<semaphore_mem>>) src(%dma_wait3A_1262 : memref<1x1000448xf32, #tpu.memory_space<vmem_shared>>) dst(%dma_wait3A_1255 : memref<1x128xf32, #tpu.memory_space<vmem>>)
          %dma_wait3A_1263 = arith.constant 0 : i32
          %dma_wait3A_1264 = arith.constant 8 : i32
          %dma_wait3A_1265 = arith.constant 0 : i32
          %dma_wait3A_1266 = tpu.memref_slice %arg10[%dma_wait3A_1264, %dma_wait3A_1265] : memref<10x128xf32, #tpu.memory_space<vmem>> -> memref<1x128xf32, #tpu.memory_space<vmem>>
          %dma_wait3A_1267 = arith.constant 0 : i32
          %dma_wait3A_1268 = arith.constant 0 : i32
          %dma_wait3A_1269 = tpu.memref_slice %arg6[%dma_wait3A_1263, %dma_wait3A_1267, %dma_wait3A_1268] : memref<200x1x128xi32, #tpu.memory_space<vmem>> -> memref<1x1x128xi32, #tpu.memory_space<vmem>>
          %dma_wait3A_1270 = tpu.memref_squeeze %dma_wait3A_1269 : memref<1x1x128xi32, #tpu.memory_space<vmem>> -> memref<1x128xi32, #tpu.memory_space<vmem>>
          %dma_wait3A_1271 = arith.constant 0 : i32
          %dma_wait3A_1272 = arith.constant 0 : i32
          %dma_wait3A_1273 = tpu.memref_slice %arg11[%dma_wait3A_1271, %dma_wait3A_1272] : memref<1x1000448xf32, #tpu.memory_space<vmem_shared>> -> memref<1x1000448xf32, #tpu.memory_space<vmem_shared>>
          tpu.wait_indirect_dma semaphore(%arg15 : memref<!tpu.dma_semaphore, #tpu.memory_space<semaphore_mem>>) src(%dma_wait3A_1273 : memref<1x1000448xf32, #tpu.memory_space<vmem_shared>>) dst(%dma_wait3A_1266 : memref<1x128xf32, #tpu.memory_space<vmem>>)
          %dma_wait3A_1274 = arith.constant 0 : i32
          %dma_wait3A_1275 = arith.constant 9 : i32
          %dma_wait3A_1276 = arith.constant 0 : i32
          %dma_wait3A_1277 = tpu.memref_slice %arg9[%dma_wait3A_1275, %dma_wait3A_1276] : memref<10x128xf32, #tpu.memory_space<vmem>> -> memref<1x128xf32, #tpu.memory_space<vmem>>
          %dma_wait3A_1278 = arith.constant 0 : i32
          %dma_wait3A_1279 = arith.constant 0 : i32
          %dma_wait3A_1280 = tpu.memref_slice %arg5[%dma_wait3A_1274, %dma_wait3A_1278, %dma_wait3A_1279] : memref<200x1x128xi32, #tpu.memory_space<vmem>> -> memref<1x1x128xi32, #tpu.memory_space<vmem>>
          %dma_wait3A_1281 = tpu.memref_squeeze %dma_wait3A_1280 : memref<1x1x128xi32, #tpu.memory_space<vmem>> -> memref<1x128xi32, #tpu.memory_space<vmem>>
          %dma_wait3A_1282 = arith.constant 0 : i32
          %dma_wait3A_1283 = arith.constant 0 : i32
          %dma_wait3A_1284 = tpu.memref_slice %arg11[%dma_wait3A_1282, %dma_wait3A_1283] : memref<1x1000448xf32, #tpu.memory_space<vmem_shared>> -> memref<1x1000448xf32, #tpu.memory_space<vmem_shared>>
          tpu.wait_indirect_dma semaphore(%arg15 : memref<!tpu.dma_semaphore, #tpu.memory_space<semaphore_mem>>) src(%dma_wait3A_1284 : memref<1x1000448xf32, #tpu.memory_space<vmem_shared>>) dst(%dma_wait3A_1277 : memref<1x128xf32, #tpu.memory_space<vmem>>)
          %dma_wait3A_1285 = arith.constant 0 : i32
          %dma_wait3A_1286 = arith.constant 9 : i32
          %dma_wait3A_1287 = arith.constant 0 : i32
          %dma_wait3A_1288 = tpu.memref_slice %arg10[%dma_wait3A_1286, %dma_wait3A_1287] : memref<10x128xf32, #tpu.memory_space<vmem>> -> memref<1x128xf32, #tpu.memory_space<vmem>>
          %dma_wait3A_1289 = arith.constant 0 : i32
          %dma_wait3A_1290 = arith.constant 0 : i32
          %dma_wait3A_1291 = tpu.memref_slice %arg6[%dma_wait3A_1285, %dma_wait3A_1289, %dma_wait3A_1290] : memref<200x1x128xi32, #tpu.memory_space<vmem>> -> memref<1x1x128xi32, #tpu.memory_space<vmem>>
          %dma_wait3A_1292 = tpu.memref_squeeze %dma_wait3A_1291 : memref<1x1x128xi32, #tpu.memory_space<vmem>> -> memref<1x128xi32, #tpu.memory_space<vmem>>
          %dma_wait3A_1293 = arith.constant 0 : i32
          %dma_wait3A_1294 = arith.constant 0 : i32
          %dma_wait3A_1295 = tpu.memref_slice %arg11[%dma_wait3A_1293, %dma_wait3A_1294] : memref<1x1000448xf32, #tpu.memory_space<vmem_shared>> -> memref<1x1000448xf32, #tpu.memory_space<vmem_shared>>
          tpu.wait_indirect_dma semaphore(%arg15 : memref<!tpu.dma_semaphore, #tpu.memory_space<semaphore_mem>>) src(%dma_wait3A_1295 : memref<1x1000448xf32, #tpu.memory_space<vmem_shared>>) dst(%dma_wait3A_1288 : memref<1x128xf32, #tpu.memory_space<vmem>>)
          %sub3A_1296 = arith.constant 10 : i32
          %sub3A_1297 = arith.subi %mul3A_344, %sub3A_1296 : i32
          %add3A_1298 = arith.constant 128 : i32
          %add3A_1299 = arith.addi %mul3A_0, %add3A_1298 : i32
          %dma_start3A_1300 = tpu.memref_slice %arg4[%sub3A_1297, %add3A_60, %mul3A_0] : memref<200x64x4096xf32, #tpu.memory_space<hbm>> -> memref<10x1x128xf32, #tpu.memory_space<hbm>>
          %dma_start3A_1301 = tpu.memref_squeeze %dma_start3A_1300 : memref<10x1x128xf32, #tpu.memory_space<hbm>> -> memref<10x128xf32, #tpu.memory_space<hbm>>
          %dma_start3A_1302 = tpu.memref_slice %arg4[%sub3A_1297, %add3A_60, %mul3A_0] : memref<200x64x4096xf32, #tpu.memory_space<hbm>> -> memref<10x1x128xf32, #tpu.memory_space<hbm>>
          %dma_start3A_1303 = tpu.memref_squeeze %dma_start3A_1302 : memref<10x1x128xf32, #tpu.memory_space<hbm>> -> memref<10x128xf32, #tpu.memory_space<hbm>>
          tpu.enqueue_dma source(%arg9 : memref<10x128xf32, #tpu.memory_space<vmem>>) target(%dma_start3A_1303 : memref<10x128xf32, #tpu.memory_space<hbm>>) target_semaphore(%arg16 : memref<!tpu.dma_semaphore, #tpu.memory_space<semaphore_mem>>)
          %dma_start3A_1304 = tpu.memref_slice %arg4[%sub3A_1297, %add3A_60, %add3A_1299] : memref<200x64x4096xf32, #tpu.memory_space<hbm>> -> memref<10x1x128xf32, #tpu.memory_space<hbm>>
          %dma_start3A_1305 = tpu.memref_squeeze %dma_start3A_1304 : memref<10x1x128xf32, #tpu.memory_space<hbm>> -> memref<10x128xf32, #tpu.memory_space<hbm>>
          %dma_start3A_1306 = tpu.memref_slice %arg4[%sub3A_1297, %add3A_60, %add3A_1299] : memref<200x64x4096xf32, #tpu.memory_space<hbm>> -> memref<10x1x128xf32, #tpu.memory_space<hbm>>
          %dma_start3A_1307 = tpu.memref_squeeze %dma_start3A_1306 : memref<10x1x128xf32, #tpu.memory_space<hbm>> -> memref<10x128xf32, #tpu.memory_space<hbm>>
          tpu.enqueue_dma source(%arg10 : memref<10x128xf32, #tpu.memory_space<vmem>>) target(%dma_start3A_1307 : memref<10x128xf32, #tpu.memory_space<hbm>>) target_semaphore(%arg16 : memref<!tpu.dma_semaphore, #tpu.memory_space<semaphore_mem>>)
        } else {
        }
        %mul3A_594 = arith.constant 2 : i32
        %mul3A_595 = arith.muli %scan3A_338, %mul3A_594 : i32
        %add3A_596 = arith.constant 1 : i32
        %add3A_597 = arith.addi %mul3A_595, %add3A_596 : i32
        %mul3A_598 = arith.constant 10 : i32
        %mul3A_599 = arith.muli %add3A_597, %mul3A_598 : i32
        %gt3A_600 = arith.constant 0 : i32
        %gt3A_601 = arith.cmpi sgt, %scan3A_338, %gt3A_600 : i32
        %convert_element_type3A_602 = arith.extui %gt3A_601 : i1 to i32
        %cond3A_603 = arith.constant 0 : i32
        %cond3A_604 = arith.cmpi ne, %convert_element_type3A_602, %cond3A_603 : i32
        scf.if %cond3A_604 {
          %sub3A_1076 = arith.constant 20 : i32
          %sub3A_1077 = arith.subi %mul3A_599, %sub3A_1076 : i32
          %add3A_1078 = arith.constant 128 : i32
          %add3A_1079 = arith.addi %mul3A_0, %add3A_1078 : i32
          %dma_wait3A_1080 = tpu.memref_slice %arg4[%sub3A_1077, %add3A_60, %mul3A_0] : memref<200x64x4096xf32, #tpu.memory_space<hbm>> -> memref<10x1x128xf32, #tpu.memory_space<hbm>>
          %dma_wait3A_1081 = tpu.memref_squeeze %dma_wait3A_1080 : memref<10x1x128xf32, #tpu.memory_space<hbm>> -> memref<10x128xf32, #tpu.memory_space<hbm>>
          %dma_wait3A_1082 = tpu.memref_slice %arg4[%sub3A_1077, %add3A_60, %mul3A_0] : memref<200x64x4096xf32, #tpu.memory_space<hbm>> -> memref<10x1x128xf32, #tpu.memory_space<hbm>>
          %dma_wait3A_1083 = tpu.memref_squeeze %dma_wait3A_1082 : memref<10x1x128xf32, #tpu.memory_space<hbm>> -> memref<10x128xf32, #tpu.memory_space<hbm>>
          tpu.wait_dma2 semaphore(%arg16 : memref<!tpu.dma_semaphore, #tpu.memory_space<semaphore_mem>>) src(%arg9 : memref<10x128xf32, #tpu.memory_space<vmem>>) dst(%dma_wait3A_1083 : memref<10x128xf32, #tpu.memory_space<hbm>>)
          %dma_wait3A_1084 = tpu.memref_slice %arg4[%sub3A_1077, %add3A_60, %add3A_1079] : memref<200x64x4096xf32, #tpu.memory_space<hbm>> -> memref<10x1x128xf32, #tpu.memory_space<hbm>>
          %dma_wait3A_1085 = tpu.memref_squeeze %dma_wait3A_1084 : memref<10x1x128xf32, #tpu.memory_space<hbm>> -> memref<10x128xf32, #tpu.memory_space<hbm>>
          %dma_wait3A_1086 = tpu.memref_slice %arg4[%sub3A_1077, %add3A_60, %add3A_1079] : memref<200x64x4096xf32, #tpu.memory_space<hbm>> -> memref<10x1x128xf32, #tpu.memory_space<hbm>>
          %dma_wait3A_1087 = tpu.memref_squeeze %dma_wait3A_1086 : memref<10x1x128xf32, #tpu.memory_space<hbm>> -> memref<10x128xf32, #tpu.memory_space<hbm>>
          tpu.wait_dma2 semaphore(%arg16 : memref<!tpu.dma_semaphore, #tpu.memory_space<semaphore_mem>>) src(%arg10 : memref<10x128xf32, #tpu.memory_space<vmem>>) dst(%dma_wait3A_1087 : memref<10x128xf32, #tpu.memory_space<hbm>>)
        } else {
        }
        %add3A_605 = arith.constant 0 : i32
        %add3A_606 = arith.addi %mul3A_599, %add3A_605 : i32
        %dma_start3A_607 = arith.constant 0 : i32
        %dma_start3A_608 = arith.constant 0 : i32
        %dma_start3A_609 = tpu.memref_slice %arg9[%dma_start3A_607, %dma_start3A_608] : memref<10x128xf32, #tpu.memory_space<vmem>> -> memref<1x128xf32, #tpu.memory_space<vmem>>
        %dma_start3A_610 = arith.constant 0 : i32
        %dma_start3A_611 = arith.constant 0 : i32
        %dma_start3A_612 = tpu.memref_slice %arg5[%add3A_606, %dma_start3A_610, %dma_start3A_611] : memref<200x1x128xi32, #tpu.memory_space<vmem>> -> memref<1x1x128xi32, #tpu.memory_space<vmem>>
        %dma_start3A_613 = tpu.memref_squeeze %dma_start3A_612 : memref<1x1x128xi32, #tpu.memory_space<vmem>> -> memref<1x128xi32, #tpu.memory_space<vmem>>
        %dma_start3A_614 = arith.constant 0 : i32
        %dma_start3A_615 = arith.constant 0 : i32
        %dma_start3A_616 = tpu.memref_slice %arg11[%dma_start3A_614, %dma_start3A_615] : memref<1x1000448xf32, #tpu.memory_space<vmem_shared>> -> memref<1x1000448xf32, #tpu.memory_space<vmem_shared>>
        tpu.enqueue_indirect_dma source(%dma_start3A_616 : memref<1x1000448xf32, #tpu.memory_space<vmem_shared>>) target(%dma_start3A_609 : memref<1x128xf32, #tpu.memory_space<vmem>>) offsets(%dma_start3A_613 : memref<1x128xi32, #tpu.memory_space<vmem>>) semaphore(%arg15 : memref<!tpu.dma_semaphore, #tpu.memory_space<semaphore_mem>>)
        %add3A_617 = arith.constant 0 : i32
        %add3A_618 = arith.addi %mul3A_599, %add3A_617 : i32
        %dma_start3A_619 = arith.constant 0 : i32
        %dma_start3A_620 = arith.constant 0 : i32
        %dma_start3A_621 = tpu.memref_slice %arg10[%dma_start3A_619, %dma_start3A_620] : memref<10x128xf32, #tpu.memory_space<vmem>> -> memref<1x128xf32, #tpu.memory_space<vmem>>
        %dma_start3A_622 = arith.constant 0 : i32
        %dma_start3A_623 = arith.constant 0 : i32
        %dma_start3A_624 = tpu.memref_slice %arg6[%add3A_618, %dma_start3A_622, %dma_start3A_623] : memref<200x1x128xi32, #tpu.memory_space<vmem>> -> memref<1x1x128xi32, #tpu.memory_space<vmem>>
        %dma_start3A_625 = tpu.memref_squeeze %dma_start3A_624 : memref<1x1x128xi32, #tpu.memory_space<vmem>> -> memref<1x128xi32, #tpu.memory_space<vmem>>
        %dma_start3A_626 = arith.constant 0 : i32
        %dma_start3A_627 = arith.constant 0 : i32
        %dma_start3A_628 = tpu.memref_slice %arg11[%dma_start3A_626, %dma_start3A_627] : memref<1x1000448xf32, #tpu.memory_space<vmem_shared>> -> memref<1x1000448xf32, #tpu.memory_space<vmem_shared>>
        tpu.enqueue_indirect_dma source(%dma_start3A_628 : memref<1x1000448xf32, #tpu.memory_space<vmem_shared>>) target(%dma_start3A_621 : memref<1x128xf32, #tpu.memory_space<vmem>>) offsets(%dma_start3A_625 : memref<1x128xi32, #tpu.memory_space<vmem>>) semaphore(%arg15 : memref<!tpu.dma_semaphore, #tpu.memory_space<semaphore_mem>>)
        %add3A_629 = arith.constant 1 : i32
        %add3A_630 = arith.addi %mul3A_599, %add3A_629 : i32
        %dma_start3A_631 = arith.constant 1 : i32
        %dma_start3A_632 = arith.constant 0 : i32
        %dma_start3A_633 = tpu.memref_slice %arg9[%dma_start3A_631, %dma_start3A_632] : memref<10x128xf32, #tpu.memory_space<vmem>> -> memref<1x128xf32, #tpu.memory_space<vmem>>
        %dma_start3A_634 = arith.constant 0 : i32
        %dma_start3A_635 = arith.constant 0 : i32
        %dma_start3A_636 = tpu.memref_slice %arg5[%add3A_630, %dma_start3A_634, %dma_start3A_635] : memref<200x1x128xi32, #tpu.memory_space<vmem>> -> memref<1x1x128xi32, #tpu.memory_space<vmem>>
        %dma_start3A_637 = tpu.memref_squeeze %dma_start3A_636 : memref<1x1x128xi32, #tpu.memory_space<vmem>> -> memref<1x128xi32, #tpu.memory_space<vmem>>
        %dma_start3A_638 = arith.constant 0 : i32
        %dma_start3A_639 = arith.constant 0 : i32
        %dma_start3A_640 = tpu.memref_slice %arg11[%dma_start3A_638, %dma_start3A_639] : memref<1x1000448xf32, #tpu.memory_space<vmem_shared>> -> memref<1x1000448xf32, #tpu.memory_space<vmem_shared>>
        tpu.enqueue_indirect_dma source(%dma_start3A_640 : memref<1x1000448xf32, #tpu.memory_space<vmem_shared>>) target(%dma_start3A_633 : memref<1x128xf32, #tpu.memory_space<vmem>>) offsets(%dma_start3A_637 : memref<1x128xi32, #tpu.memory_space<vmem>>) semaphore(%arg15 : memref<!tpu.dma_semaphore, #tpu.memory_space<semaphore_mem>>)
        %add3A_641 = arith.constant 1 : i32
        %add3A_642 = arith.addi %mul3A_599, %add3A_641 : i32
        %dma_start3A_643 = arith.constant 1 : i32
        %dma_start3A_644 = arith.constant 0 : i32
        %dma_start3A_645 = tpu.memref_slice %arg10[%dma_start3A_643, %dma_start3A_644] : memref<10x128xf32, #tpu.memory_space<vmem>> -> memref<1x128xf32, #tpu.memory_space<vmem>>
        %dma_start3A_646 = arith.constant 0 : i32
        %dma_start3A_647 = arith.constant 0 : i32
        %dma_start3A_648 = tpu.memref_slice %arg6[%add3A_642, %dma_start3A_646, %dma_start3A_647] : memref<200x1x128xi32, #tpu.memory_space<vmem>> -> memref<1x1x128xi32, #tpu.memory_space<vmem>>
        %dma_start3A_649 = tpu.memref_squeeze %dma_start3A_648 : memref<1x1x128xi32, #tpu.memory_space<vmem>> -> memref<1x128xi32, #tpu.memory_space<vmem>>
        %dma_start3A_650 = arith.constant 0 : i32
        %dma_start3A_651 = arith.constant 0 : i32
        %dma_start3A_652 = tpu.memref_slice %arg11[%dma_start3A_650, %dma_start3A_651] : memref<1x1000448xf32, #tpu.memory_space<vmem_shared>> -> memref<1x1000448xf32, #tpu.memory_space<vmem_shared>>
        tpu.enqueue_indirect_dma source(%dma_start3A_652 : memref<1x1000448xf32, #tpu.memory_space<vmem_shared>>) target(%dma_start3A_645 : memref<1x128xf32, #tpu.memory_space<vmem>>) offsets(%dma_start3A_649 : memref<1x128xi32, #tpu.memory_space<vmem>>) semaphore(%arg15 : memref<!tpu.dma_semaphore, #tpu.memory_space<semaphore_mem>>)
        %add3A_653 = arith.constant 2 : i32
        %add3A_654 = arith.addi %mul3A_599, %add3A_653 : i32
        %dma_start3A_655 = arith.constant 2 : i32
        %dma_start3A_656 = arith.constant 0 : i32
        %dma_start3A_657 = tpu.memref_slice %arg9[%dma_start3A_655, %dma_start3A_656] : memref<10x128xf32, #tpu.memory_space<vmem>> -> memref<1x128xf32, #tpu.memory_space<vmem>>
        %dma_start3A_658 = arith.constant 0 : i32
        %dma_start3A_659 = arith.constant 0 : i32
        %dma_start3A_660 = tpu.memref_slice %arg5[%add3A_654, %dma_start3A_658, %dma_start3A_659] : memref<200x1x128xi32, #tpu.memory_space<vmem>> -> memref<1x1x128xi32, #tpu.memory_space<vmem>>
        %dma_start3A_661 = tpu.memref_squeeze %dma_start3A_660 : memref<1x1x128xi32, #tpu.memory_space<vmem>> -> memref<1x128xi32, #tpu.memory_space<vmem>>
        %dma_start3A_662 = arith.constant 0 : i32
        %dma_start3A_663 = arith.constant 0 : i32
        %dma_start3A_664 = tpu.memref_slice %arg11[%dma_start3A_662, %dma_start3A_663] : memref<1x1000448xf32, #tpu.memory_space<vmem_shared>> -> memref<1x1000448xf32, #tpu.memory_space<vmem_shared>>
        tpu.enqueue_indirect_dma source(%dma_start3A_664 : memref<1x1000448xf32, #tpu.memory_space<vmem_shared>>) target(%dma_start3A_657 : memref<1x128xf32, #tpu.memory_space<vmem>>) offsets(%dma_start3A_661 : memref<1x128xi32, #tpu.memory_space<vmem>>) semaphore(%arg15 : memref<!tpu.dma_semaphore, #tpu.memory_space<semaphore_mem>>)
        %add3A_665 = arith.constant 2 : i32
        %add3A_666 = arith.addi %mul3A_599, %add3A_665 : i32
        %dma_start3A_667 = arith.constant 2 : i32
        %dma_start3A_668 = arith.constant 0 : i32
        %dma_start3A_669 = tpu.memref_slice %arg10[%dma_start3A_667, %dma_start3A_668] : memref<10x128xf32, #tpu.memory_space<vmem>> -> memref<1x128xf32, #tpu.memory_space<vmem>>
        %dma_start3A_670 = arith.constant 0 : i32
        %dma_start3A_671 = arith.constant 0 : i32
        %dma_start3A_672 = tpu.memref_slice %arg6[%add3A_666, %dma_start3A_670, %dma_start3A_671] : memref<200x1x128xi32, #tpu.memory_space<vmem>> -> memref<1x1x128xi32, #tpu.memory_space<vmem>>
        %dma_start3A_673 = tpu.memref_squeeze %dma_start3A_672 : memref<1x1x128xi32, #tpu.memory_space<vmem>> -> memref<1x128xi32, #tpu.memory_space<vmem>>
        %dma_start3A_674 = arith.constant 0 : i32
        %dma_start3A_675 = arith.constant 0 : i32
        %dma_start3A_676 = tpu.memref_slice %arg11[%dma_start3A_674, %dma_start3A_675] : memref<1x1000448xf32, #tpu.memory_space<vmem_shared>> -> memref<1x1000448xf32, #tpu.memory_space<vmem_shared>>
        tpu.enqueue_indirect_dma source(%dma_start3A_676 : memref<1x1000448xf32, #tpu.memory_space<vmem_shared>>) target(%dma_start3A_669 : memref<1x128xf32, #tpu.memory_space<vmem>>) offsets(%dma_start3A_673 : memref<1x128xi32, #tpu.memory_space<vmem>>) semaphore(%arg15 : memref<!tpu.dma_semaphore, #tpu.memory_space<semaphore_mem>>)
        %add3A_677 = arith.constant 3 : i32
        %add3A_678 = arith.addi %mul3A_599, %add3A_677 : i32
        %dma_start3A_679 = arith.constant 3 : i32
        %dma_start3A_680 = arith.constant 0 : i32
        %dma_start3A_681 = tpu.memref_slice %arg9[%dma_start3A_679, %dma_start3A_680] : memref<10x128xf32, #tpu.memory_space<vmem>> -> memref<1x128xf32, #tpu.memory_space<vmem>>
        %dma_start3A_682 = arith.constant 0 : i32
        %dma_start3A_683 = arith.constant 0 : i32
        %dma_start3A_684 = tpu.memref_slice %arg5[%add3A_678, %dma_start3A_682, %dma_start3A_683] : memref<200x1x128xi32, #tpu.memory_space<vmem>> -> memref<1x1x128xi32, #tpu.memory_space<vmem>>
        %dma_start3A_685 = tpu.memref_squeeze %dma_start3A_684 : memref<1x1x128xi32, #tpu.memory_space<vmem>> -> memref<1x128xi32, #tpu.memory_space<vmem>>
        %dma_start3A_686 = arith.constant 0 : i32
        %dma_start3A_687 = arith.constant 0 : i32
        %dma_start3A_688 = tpu.memref_slice %arg11[%dma_start3A_686, %dma_start3A_687] : memref<1x1000448xf32, #tpu.memory_space<vmem_shared>> -> memref<1x1000448xf32, #tpu.memory_space<vmem_shared>>
        tpu.enqueue_indirect_dma source(%dma_start3A_688 : memref<1x1000448xf32, #tpu.memory_space<vmem_shared>>) target(%dma_start3A_681 : memref<1x128xf32, #tpu.memory_space<vmem>>) offsets(%dma_start3A_685 : memref<1x128xi32, #tpu.memory_space<vmem>>) semaphore(%arg15 : memref<!tpu.dma_semaphore, #tpu.memory_space<semaphore_mem>>)
        %add3A_689 = arith.constant 3 : i32
        %add3A_690 = arith.addi %mul3A_599, %add3A_689 : i32
        %dma_start3A_691 = arith.constant 3 : i32
        %dma_start3A_692 = arith.constant 0 : i32
        %dma_start3A_693 = tpu.memref_slice %arg10[%dma_start3A_691, %dma_start3A_692] : memref<10x128xf32, #tpu.memory_space<vmem>> -> memref<1x128xf32, #tpu.memory_space<vmem>>
        %dma_start3A_694 = arith.constant 0 : i32
        %dma_start3A_695 = arith.constant 0 : i32
        %dma_start3A_696 = tpu.memref_slice %arg6[%add3A_690, %dma_start3A_694, %dma_start3A_695] : memref<200x1x128xi32, #tpu.memory_space<vmem>> -> memref<1x1x128xi32, #tpu.memory_space<vmem>>
        %dma_start3A_697 = tpu.memref_squeeze %dma_start3A_696 : memref<1x1x128xi32, #tpu.memory_space<vmem>> -> memref<1x128xi32, #tpu.memory_space<vmem>>
        %dma_start3A_698 = arith.constant 0 : i32
        %dma_start3A_699 = arith.constant 0 : i32
        %dma_start3A_700 = tpu.memref_slice %arg11[%dma_start3A_698, %dma_start3A_699] : memref<1x1000448xf32, #tpu.memory_space<vmem_shared>> -> memref<1x1000448xf32, #tpu.memory_space<vmem_shared>>
        tpu.enqueue_indirect_dma source(%dma_start3A_700 : memref<1x1000448xf32, #tpu.memory_space<vmem_shared>>) target(%dma_start3A_693 : memref<1x128xf32, #tpu.memory_space<vmem>>) offsets(%dma_start3A_697 : memref<1x128xi32, #tpu.memory_space<vmem>>) semaphore(%arg15 : memref<!tpu.dma_semaphore, #tpu.memory_space<semaphore_mem>>)
        %add3A_701 = arith.constant 4 : i32
        %add3A_702 = arith.addi %mul3A_599, %add3A_701 : i32
        %dma_start3A_703 = arith.constant 4 : i32
        %dma_start3A_704 = arith.constant 0 : i32
        %dma_start3A_705 = tpu.memref_slice %arg9[%dma_start3A_703, %dma_start3A_704] : memref<10x128xf32, #tpu.memory_space<vmem>> -> memref<1x128xf32, #tpu.memory_space<vmem>>
        %dma_start3A_706 = arith.constant 0 : i32
        %dma_start3A_707 = arith.constant 0 : i32
        %dma_start3A_708 = tpu.memref_slice %arg5[%add3A_702, %dma_start3A_706, %dma_start3A_707] : memref<200x1x128xi32, #tpu.memory_space<vmem>> -> memref<1x1x128xi32, #tpu.memory_space<vmem>>
        %dma_start3A_709 = tpu.memref_squeeze %dma_start3A_708 : memref<1x1x128xi32, #tpu.memory_space<vmem>> -> memref<1x128xi32, #tpu.memory_space<vmem>>
        %dma_start3A_710 = arith.constant 0 : i32
        %dma_start3A_711 = arith.constant 0 : i32
        %dma_start3A_712 = tpu.memref_slice %arg11[%dma_start3A_710, %dma_start3A_711] : memref<1x1000448xf32, #tpu.memory_space<vmem_shared>> -> memref<1x1000448xf32, #tpu.memory_space<vmem_shared>>
        tpu.enqueue_indirect_dma source(%dma_start3A_712 : memref<1x1000448xf32, #tpu.memory_space<vmem_shared>>) target(%dma_start3A_705 : memref<1x128xf32, #tpu.memory_space<vmem>>) offsets(%dma_start3A_709 : memref<1x128xi32, #tpu.memory_space<vmem>>) semaphore(%arg15 : memref<!tpu.dma_semaphore, #tpu.memory_space<semaphore_mem>>)
        %add3A_713 = arith.constant 4 : i32
        %add3A_714 = arith.addi %mul3A_599, %add3A_713 : i32
        %dma_start3A_715 = arith.constant 4 : i32
        %dma_start3A_716 = arith.constant 0 : i32
        %dma_start3A_717 = tpu.memref_slice %arg10[%dma_start3A_715, %dma_start3A_716] : memref<10x128xf32, #tpu.memory_space<vmem>> -> memref<1x128xf32, #tpu.memory_space<vmem>>
        %dma_start3A_718 = arith.constant 0 : i32
        %dma_start3A_719 = arith.constant 0 : i32
        %dma_start3A_720 = tpu.memref_slice %arg6[%add3A_714, %dma_start3A_718, %dma_start3A_719] : memref<200x1x128xi32, #tpu.memory_space<vmem>> -> memref<1x1x128xi32, #tpu.memory_space<vmem>>
        %dma_start3A_721 = tpu.memref_squeeze %dma_start3A_720 : memref<1x1x128xi32, #tpu.memory_space<vmem>> -> memref<1x128xi32, #tpu.memory_space<vmem>>
        %dma_start3A_722 = arith.constant 0 : i32
        %dma_start3A_723 = arith.constant 0 : i32
        %dma_start3A_724 = tpu.memref_slice %arg11[%dma_start3A_722, %dma_start3A_723] : memref<1x1000448xf32, #tpu.memory_space<vmem_shared>> -> memref<1x1000448xf32, #tpu.memory_space<vmem_shared>>
        tpu.enqueue_indirect_dma source(%dma_start3A_724 : memref<1x1000448xf32, #tpu.memory_space<vmem_shared>>) target(%dma_start3A_717 : memref<1x128xf32, #tpu.memory_space<vmem>>) offsets(%dma_start3A_721 : memref<1x128xi32, #tpu.memory_space<vmem>>) semaphore(%arg15 : memref<!tpu.dma_semaphore, #tpu.memory_space<semaphore_mem>>)
        %add3A_725 = arith.constant 5 : i32
        %add3A_726 = arith.addi %mul3A_599, %add3A_725 : i32
        %dma_start3A_727 = arith.constant 5 : i32
        %dma_start3A_728 = arith.constant 0 : i32
        %dma_start3A_729 = tpu.memref_slice %arg9[%dma_start3A_727, %dma_start3A_728] : memref<10x128xf32, #tpu.memory_space<vmem>> -> memref<1x128xf32, #tpu.memory_space<vmem>>
        %dma_start3A_730 = arith.constant 0 : i32
        %dma_start3A_731 = arith.constant 0 : i32
        %dma_start3A_732 = tpu.memref_slice %arg5[%add3A_726, %dma_start3A_730, %dma_start3A_731] : memref<200x1x128xi32, #tpu.memory_space<vmem>> -> memref<1x1x128xi32, #tpu.memory_space<vmem>>
        %dma_start3A_733 = tpu.memref_squeeze %dma_start3A_732 : memref<1x1x128xi32, #tpu.memory_space<vmem>> -> memref<1x128xi32, #tpu.memory_space<vmem>>
        %dma_start3A_734 = arith.constant 0 : i32
        %dma_start3A_735 = arith.constant 0 : i32
        %dma_start3A_736 = tpu.memref_slice %arg11[%dma_start3A_734, %dma_start3A_735] : memref<1x1000448xf32, #tpu.memory_space<vmem_shared>> -> memref<1x1000448xf32, #tpu.memory_space<vmem_shared>>
        tpu.enqueue_indirect_dma source(%dma_start3A_736 : memref<1x1000448xf32, #tpu.memory_space<vmem_shared>>) target(%dma_start3A_729 : memref<1x128xf32, #tpu.memory_space<vmem>>) offsets(%dma_start3A_733 : memref<1x128xi32, #tpu.memory_space<vmem>>) semaphore(%arg15 : memref<!tpu.dma_semaphore, #tpu.memory_space<semaphore_mem>>)
        %add3A_737 = arith.constant 5 : i32
        %add3A_738 = arith.addi %mul3A_599, %add3A_737 : i32
        %dma_start3A_739 = arith.constant 5 : i32
        %dma_start3A_740 = arith.constant 0 : i32
        %dma_start3A_741 = tpu.memref_slice %arg10[%dma_start3A_739, %dma_start3A_740] : memref<10x128xf32, #tpu.memory_space<vmem>> -> memref<1x128xf32, #tpu.memory_space<vmem>>
        %dma_start3A_742 = arith.constant 0 : i32
        %dma_start3A_743 = arith.constant 0 : i32
        %dma_start3A_744 = tpu.memref_slice %arg6[%add3A_738, %dma_start3A_742, %dma_start3A_743] : memref<200x1x128xi32, #tpu.memory_space<vmem>> -> memref<1x1x128xi32, #tpu.memory_space<vmem>>
        %dma_start3A_745 = tpu.memref_squeeze %dma_start3A_744 : memref<1x1x128xi32, #tpu.memory_space<vmem>> -> memref<1x128xi32, #tpu.memory_space<vmem>>
        %dma_start3A_746 = arith.constant 0 : i32
        %dma_start3A_747 = arith.constant 0 : i32
        %dma_start3A_748 = tpu.memref_slice %arg11[%dma_start3A_746, %dma_start3A_747] : memref<1x1000448xf32, #tpu.memory_space<vmem_shared>> -> memref<1x1000448xf32, #tpu.memory_space<vmem_shared>>
        tpu.enqueue_indirect_dma source(%dma_start3A_748 : memref<1x1000448xf32, #tpu.memory_space<vmem_shared>>) target(%dma_start3A_741 : memref<1x128xf32, #tpu.memory_space<vmem>>) offsets(%dma_start3A_745 : memref<1x128xi32, #tpu.memory_space<vmem>>) semaphore(%arg15 : memref<!tpu.dma_semaphore, #tpu.memory_space<semaphore_mem>>)
        %add3A_749 = arith.constant 6 : i32
        %add3A_750 = arith.addi %mul3A_599, %add3A_749 : i32
        %dma_start3A_751 = arith.constant 6 : i32
        %dma_start3A_752 = arith.constant 0 : i32
        %dma_start3A_753 = tpu.memref_slice %arg9[%dma_start3A_751, %dma_start3A_752] : memref<10x128xf32, #tpu.memory_space<vmem>> -> memref<1x128xf32, #tpu.memory_space<vmem>>
        %dma_start3A_754 = arith.constant 0 : i32
        %dma_start3A_755 = arith.constant 0 : i32
        %dma_start3A_756 = tpu.memref_slice %arg5[%add3A_750, %dma_start3A_754, %dma_start3A_755] : memref<200x1x128xi32, #tpu.memory_space<vmem>> -> memref<1x1x128xi32, #tpu.memory_space<vmem>>
        %dma_start3A_757 = tpu.memref_squeeze %dma_start3A_756 : memref<1x1x128xi32, #tpu.memory_space<vmem>> -> memref<1x128xi32, #tpu.memory_space<vmem>>
        %dma_start3A_758 = arith.constant 0 : i32
        %dma_start3A_759 = arith.constant 0 : i32
        %dma_start3A_760 = tpu.memref_slice %arg11[%dma_start3A_758, %dma_start3A_759] : memref<1x1000448xf32, #tpu.memory_space<vmem_shared>> -> memref<1x1000448xf32, #tpu.memory_space<vmem_shared>>
        tpu.enqueue_indirect_dma source(%dma_start3A_760 : memref<1x1000448xf32, #tpu.memory_space<vmem_shared>>) target(%dma_start3A_753 : memref<1x128xf32, #tpu.memory_space<vmem>>) offsets(%dma_start3A_757 : memref<1x128xi32, #tpu.memory_space<vmem>>) semaphore(%arg15 : memref<!tpu.dma_semaphore, #tpu.memory_space<semaphore_mem>>)
        %add3A_761 = arith.constant 6 : i32
        %add3A_762 = arith.addi %mul3A_599, %add3A_761 : i32
        %dma_start3A_763 = arith.constant 6 : i32
        %dma_start3A_764 = arith.constant 0 : i32
        %dma_start3A_765 = tpu.memref_slice %arg10[%dma_start3A_763, %dma_start3A_764] : memref<10x128xf32, #tpu.memory_space<vmem>> -> memref<1x128xf32, #tpu.memory_space<vmem>>
        %dma_start3A_766 = arith.constant 0 : i32
        %dma_start3A_767 = arith.constant 0 : i32
        %dma_start3A_768 = tpu.memref_slice %arg6[%add3A_762, %dma_start3A_766, %dma_start3A_767] : memref<200x1x128xi32, #tpu.memory_space<vmem>> -> memref<1x1x128xi32, #tpu.memory_space<vmem>>
        %dma_start3A_769 = tpu.memref_squeeze %dma_start3A_768 : memref<1x1x128xi32, #tpu.memory_space<vmem>> -> memref<1x128xi32, #tpu.memory_space<vmem>>
        %dma_start3A_770 = arith.constant 0 : i32
        %dma_start3A_771 = arith.constant 0 : i32
        %dma_start3A_772 = tpu.memref_slice %arg11[%dma_start3A_770, %dma_start3A_771] : memref<1x1000448xf32, #tpu.memory_space<vmem_shared>> -> memref<1x1000448xf32, #tpu.memory_space<vmem_shared>>
        tpu.enqueue_indirect_dma source(%dma_start3A_772 : memref<1x1000448xf32, #tpu.memory_space<vmem_shared>>) target(%dma_start3A_765 : memref<1x128xf32, #tpu.memory_space<vmem>>) offsets(%dma_start3A_769 : memref<1x128xi32, #tpu.memory_space<vmem>>) semaphore(%arg15 : memref<!tpu.dma_semaphore, #tpu.memory_space<semaphore_mem>>)
        %add3A_773 = arith.constant 7 : i32
        %add3A_774 = arith.addi %mul3A_599, %add3A_773 : i32
        %dma_start3A_775 = arith.constant 7 : i32
        %dma_start3A_776 = arith.constant 0 : i32
        %dma_start3A_777 = tpu.memref_slice %arg9[%dma_start3A_775, %dma_start3A_776] : memref<10x128xf32, #tpu.memory_space<vmem>> -> memref<1x128xf32, #tpu.memory_space<vmem>>
        %dma_start3A_778 = arith.constant 0 : i32
        %dma_start3A_779 = arith.constant 0 : i32
        %dma_start3A_780 = tpu.memref_slice %arg5[%add3A_774, %dma_start3A_778, %dma_start3A_779] : memref<200x1x128xi32, #tpu.memory_space<vmem>> -> memref<1x1x128xi32, #tpu.memory_space<vmem>>
        %dma_start3A_781 = tpu.memref_squeeze %dma_start3A_780 : memref<1x1x128xi32, #tpu.memory_space<vmem>> -> memref<1x128xi32, #tpu.memory_space<vmem>>
        %dma_start3A_782 = arith.constant 0 : i32
        %dma_start3A_783 = arith.constant 0 : i32
        %dma_start3A_784 = tpu.memref_slice %arg11[%dma_start3A_782, %dma_start3A_783] : memref<1x1000448xf32, #tpu.memory_space<vmem_shared>> -> memref<1x1000448xf32, #tpu.memory_space<vmem_shared>>
        tpu.enqueue_indirect_dma source(%dma_start3A_784 : memref<1x1000448xf32, #tpu.memory_space<vmem_shared>>) target(%dma_start3A_777 : memref<1x128xf32, #tpu.memory_space<vmem>>) offsets(%dma_start3A_781 : memref<1x128xi32, #tpu.memory_space<vmem>>) semaphore(%arg15 : memref<!tpu.dma_semaphore, #tpu.memory_space<semaphore_mem>>)
        %add3A_785 = arith.constant 7 : i32
        %add3A_786 = arith.addi %mul3A_599, %add3A_785 : i32
        %dma_start3A_787 = arith.constant 7 : i32
        %dma_start3A_788 = arith.constant 0 : i32
        %dma_start3A_789 = tpu.memref_slice %arg10[%dma_start3A_787, %dma_start3A_788] : memref<10x128xf32, #tpu.memory_space<vmem>> -> memref<1x128xf32, #tpu.memory_space<vmem>>
        %dma_start3A_790 = arith.constant 0 : i32
        %dma_start3A_791 = arith.constant 0 : i32
        %dma_start3A_792 = tpu.memref_slice %arg6[%add3A_786, %dma_start3A_790, %dma_start3A_791] : memref<200x1x128xi32, #tpu.memory_space<vmem>> -> memref<1x1x128xi32, #tpu.memory_space<vmem>>
        %dma_start3A_793 = tpu.memref_squeeze %dma_start3A_792 : memref<1x1x128xi32, #tpu.memory_space<vmem>> -> memref<1x128xi32, #tpu.memory_space<vmem>>
        %dma_start3A_794 = arith.constant 0 : i32
        %dma_start3A_795 = arith.constant 0 : i32
        %dma_start3A_796 = tpu.memref_slice %arg11[%dma_start3A_794, %dma_start3A_795] : memref<1x1000448xf32, #tpu.memory_space<vmem_shared>> -> memref<1x1000448xf32, #tpu.memory_space<vmem_shared>>
        tpu.enqueue_indirect_dma source(%dma_start3A_796 : memref<1x1000448xf32, #tpu.memory_space<vmem_shared>>) target(%dma_start3A_789 : memref<1x128xf32, #tpu.memory_space<vmem>>) offsets(%dma_start3A_793 : memref<1x128xi32, #tpu.memory_space<vmem>>) semaphore(%arg15 : memref<!tpu.dma_semaphore, #tpu.memory_space<semaphore_mem>>)
        %add3A_797 = arith.constant 8 : i32
        %add3A_798 = arith.addi %mul3A_599, %add3A_797 : i32
        %dma_start3A_799 = arith.constant 8 : i32
        %dma_start3A_800 = arith.constant 0 : i32
        %dma_start3A_801 = tpu.memref_slice %arg9[%dma_start3A_799, %dma_start3A_800] : memref<10x128xf32, #tpu.memory_space<vmem>> -> memref<1x128xf32, #tpu.memory_space<vmem>>
        %dma_start3A_802 = arith.constant 0 : i32
        %dma_start3A_803 = arith.constant 0 : i32
        %dma_start3A_804 = tpu.memref_slice %arg5[%add3A_798, %dma_start3A_802, %dma_start3A_803] : memref<200x1x128xi32, #tpu.memory_space<vmem>> -> memref<1x1x128xi32, #tpu.memory_space<vmem>>
        %dma_start3A_805 = tpu.memref_squeeze %dma_start3A_804 : memref<1x1x128xi32, #tpu.memory_space<vmem>> -> memref<1x128xi32, #tpu.memory_space<vmem>>
        %dma_start3A_806 = arith.constant 0 : i32
        %dma_start3A_807 = arith.constant 0 : i32
        %dma_start3A_808 = tpu.memref_slice %arg11[%dma_start3A_806, %dma_start3A_807] : memref<1x1000448xf32, #tpu.memory_space<vmem_shared>> -> memref<1x1000448xf32, #tpu.memory_space<vmem_shared>>
        tpu.enqueue_indirect_dma source(%dma_start3A_808 : memref<1x1000448xf32, #tpu.memory_space<vmem_shared>>) target(%dma_start3A_801 : memref<1x128xf32, #tpu.memory_space<vmem>>) offsets(%dma_start3A_805 : memref<1x128xi32, #tpu.memory_space<vmem>>) semaphore(%arg15 : memref<!tpu.dma_semaphore, #tpu.memory_space<semaphore_mem>>)
        %add3A_809 = arith.constant 8 : i32
        %add3A_810 = arith.addi %mul3A_599, %add3A_809 : i32
        %dma_start3A_811 = arith.constant 8 : i32
        %dma_start3A_812 = arith.constant 0 : i32
        %dma_start3A_813 = tpu.memref_slice %arg10[%dma_start3A_811, %dma_start3A_812] : memref<10x128xf32, #tpu.memory_space<vmem>> -> memref<1x128xf32, #tpu.memory_space<vmem>>
        %dma_start3A_814 = arith.constant 0 : i32
        %dma_start3A_815 = arith.constant 0 : i32
        %dma_start3A_816 = tpu.memref_slice %arg6[%add3A_810, %dma_start3A_814, %dma_start3A_815] : memref<200x1x128xi32, #tpu.memory_space<vmem>> -> memref<1x1x128xi32, #tpu.memory_space<vmem>>
        %dma_start3A_817 = tpu.memref_squeeze %dma_start3A_816 : memref<1x1x128xi32, #tpu.memory_space<vmem>> -> memref<1x128xi32, #tpu.memory_space<vmem>>
        %dma_start3A_818 = arith.constant 0 : i32
        %dma_start3A_819 = arith.constant 0 : i32
        %dma_start3A_820 = tpu.memref_slice %arg11[%dma_start3A_818, %dma_start3A_819] : memref<1x1000448xf32, #tpu.memory_space<vmem_shared>> -> memref<1x1000448xf32, #tpu.memory_space<vmem_shared>>
        tpu.enqueue_indirect_dma source(%dma_start3A_820 : memref<1x1000448xf32, #tpu.memory_space<vmem_shared>>) target(%dma_start3A_813 : memref<1x128xf32, #tpu.memory_space<vmem>>) offsets(%dma_start3A_817 : memref<1x128xi32, #tpu.memory_space<vmem>>) semaphore(%arg15 : memref<!tpu.dma_semaphore, #tpu.memory_space<semaphore_mem>>)
        %add3A_821 = arith.constant 9 : i32
        %add3A_822 = arith.addi %mul3A_599, %add3A_821 : i32
        %dma_start3A_823 = arith.constant 9 : i32
        %dma_start3A_824 = arith.constant 0 : i32
        %dma_start3A_825 = tpu.memref_slice %arg9[%dma_start3A_823, %dma_start3A_824] : memref<10x128xf32, #tpu.memory_space<vmem>> -> memref<1x128xf32, #tpu.memory_space<vmem>>
        %dma_start3A_826 = arith.constant 0 : i32
        %dma_start3A_827 = arith.constant 0 : i32
        %dma_start3A_828 = tpu.memref_slice %arg5[%add3A_822, %dma_start3A_826, %dma_start3A_827] : memref<200x1x128xi32, #tpu.memory_space<vmem>> -> memref<1x1x128xi32, #tpu.memory_space<vmem>>
        %dma_start3A_829 = tpu.memref_squeeze %dma_start3A_828 : memref<1x1x128xi32, #tpu.memory_space<vmem>> -> memref<1x128xi32, #tpu.memory_space<vmem>>
        %dma_start3A_830 = arith.constant 0 : i32
        %dma_start3A_831 = arith.constant 0 : i32
        %dma_start3A_832 = tpu.memref_slice %arg11[%dma_start3A_830, %dma_start3A_831] : memref<1x1000448xf32, #tpu.memory_space<vmem_shared>> -> memref<1x1000448xf32, #tpu.memory_space<vmem_shared>>
        tpu.enqueue_indirect_dma source(%dma_start3A_832 : memref<1x1000448xf32, #tpu.memory_space<vmem_shared>>) target(%dma_start3A_825 : memref<1x128xf32, #tpu.memory_space<vmem>>) offsets(%dma_start3A_829 : memref<1x128xi32, #tpu.memory_space<vmem>>) semaphore(%arg15 : memref<!tpu.dma_semaphore, #tpu.memory_space<semaphore_mem>>)
        %add3A_833 = arith.constant 9 : i32
        %add3A_834 = arith.addi %mul3A_599, %add3A_833 : i32
        %dma_start3A_835 = arith.constant 9 : i32
        %dma_start3A_836 = arith.constant 0 : i32
        %dma_start3A_837 = tpu.memref_slice %arg10[%dma_start3A_835, %dma_start3A_836] : memref<10x128xf32, #tpu.memory_space<vmem>> -> memref<1x128xf32, #tpu.memory_space<vmem>>
        %dma_start3A_838 = arith.constant 0 : i32
        %dma_start3A_839 = arith.constant 0 : i32
        %dma_start3A_840 = tpu.memref_slice %arg6[%add3A_834, %dma_start3A_838, %dma_start3A_839] : memref<200x1x128xi32, #tpu.memory_space<vmem>> -> memref<1x1x128xi32, #tpu.memory_space<vmem>>
        %dma_start3A_841 = tpu.memref_squeeze %dma_start3A_840 : memref<1x1x128xi32, #tpu.memory_space<vmem>> -> memref<1x128xi32, #tpu.memory_space<vmem>>
        %dma_start3A_842 = arith.constant 0 : i32
        %dma_start3A_843 = arith.constant 0 : i32
        %dma_start3A_844 = tpu.memref_slice %arg11[%dma_start3A_842, %dma_start3A_843] : memref<1x1000448xf32, #tpu.memory_space<vmem_shared>> -> memref<1x1000448xf32, #tpu.memory_space<vmem_shared>>
        tpu.enqueue_indirect_dma source(%dma_start3A_844 : memref<1x1000448xf32, #tpu.memory_space<vmem_shared>>) target(%dma_start3A_837 : memref<1x128xf32, #tpu.memory_space<vmem>>) offsets(%dma_start3A_841 : memref<1x128xi32, #tpu.memory_space<vmem>>) semaphore(%arg15 : memref<!tpu.dma_semaphore, #tpu.memory_space<semaphore_mem>>)
        %dma_wait3A_845 = arith.constant 0 : i32
        %dma_wait3A_846 = arith.constant 0 : i32
        %dma_wait3A_847 = arith.constant 0 : i32
        %dma_wait3A_848 = tpu.memref_slice %arg7[%dma_wait3A_846, %dma_wait3A_847] : memref<10x128xf32, #tpu.memory_space<vmem>> -> memref<1x128xf32, #tpu.memory_space<vmem>>
        %dma_wait3A_849 = arith.constant 0 : i32
        %dma_wait3A_850 = arith.constant 0 : i32
        %dma_wait3A_851 = tpu.memref_slice %arg5[%dma_wait3A_845, %dma_wait3A_849, %dma_wait3A_850] : memref<200x1x128xi32, #tpu.memory_space<vmem>> -> memref<1x1x128xi32, #tpu.memory_space<vmem>>
        %dma_wait3A_852 = tpu.memref_squeeze %dma_wait3A_851 : memref<1x1x128xi32, #tpu.memory_space<vmem>> -> memref<1x128xi32, #tpu.memory_space<vmem>>
        %dma_wait3A_853 = arith.constant 0 : i32
        %dma_wait3A_854 = arith.constant 0 : i32
        %dma_wait3A_855 = tpu.memref_slice %arg11[%dma_wait3A_853, %dma_wait3A_854] : memref<1x1000448xf32, #tpu.memory_space<vmem_shared>> -> memref<1x1000448xf32, #tpu.memory_space<vmem_shared>>
        tpu.wait_indirect_dma semaphore(%arg14 : memref<!tpu.dma_semaphore, #tpu.memory_space<semaphore_mem>>) src(%dma_wait3A_855 : memref<1x1000448xf32, #tpu.memory_space<vmem_shared>>) dst(%dma_wait3A_848 : memref<1x128xf32, #tpu.memory_space<vmem>>)
        %dma_wait3A_856 = arith.constant 0 : i32
        %dma_wait3A_857 = arith.constant 0 : i32
        %dma_wait3A_858 = arith.constant 0 : i32
        %dma_wait3A_859 = tpu.memref_slice %arg8[%dma_wait3A_857, %dma_wait3A_858] : memref<10x128xf32, #tpu.memory_space<vmem>> -> memref<1x128xf32, #tpu.memory_space<vmem>>
        %dma_wait3A_860 = arith.constant 0 : i32
        %dma_wait3A_861 = arith.constant 0 : i32
        %dma_wait3A_862 = tpu.memref_slice %arg6[%dma_wait3A_856, %dma_wait3A_860, %dma_wait3A_861] : memref<200x1x128xi32, #tpu.memory_space<vmem>> -> memref<1x1x128xi32, #tpu.memory_space<vmem>>
        %dma_wait3A_863 = tpu.memref_squeeze %dma_wait3A_862 : memref<1x1x128xi32, #tpu.memory_space<vmem>> -> memref<1x128xi32, #tpu.memory_space<vmem>>
        %dma_wait3A_864 = arith.constant 0 : i32
        %dma_wait3A_865 = arith.constant 0 : i32
        %dma_wait3A_866 = tpu.memref_slice %arg11[%dma_wait3A_864, %dma_wait3A_865] : memref<1x1000448xf32, #tpu.memory_space<vmem_shared>> -> memref<1x1000448xf32, #tpu.memory_space<vmem_shared>>
        tpu.wait_indirect_dma semaphore(%arg14 : memref<!tpu.dma_semaphore, #tpu.memory_space<semaphore_mem>>) src(%dma_wait3A_866 : memref<1x1000448xf32, #tpu.memory_space<vmem_shared>>) dst(%dma_wait3A_859 : memref<1x128xf32, #tpu.memory_space<vmem>>)
        %dma_wait3A_867 = arith.constant 0 : i32
        %dma_wait3A_868 = arith.constant 1 : i32
        %dma_wait3A_869 = arith.constant 0 : i32
        %dma_wait3A_870 = tpu.memref_slice %arg7[%dma_wait3A_868, %dma_wait3A_869] : memref<10x128xf32, #tpu.memory_space<vmem>> -> memref<1x128xf32, #tpu.memory_space<vmem>>
        %dma_wait3A_871 = arith.constant 0 : i32
        %dma_wait3A_872 = arith.constant 0 : i32
        %dma_wait3A_873 = tpu.memref_slice %arg5[%dma_wait3A_867, %dma_wait3A_871, %dma_wait3A_872] : memref<200x1x128xi32, #tpu.memory_space<vmem>> -> memref<1x1x128xi32, #tpu.memory_space<vmem>>
        %dma_wait3A_874 = tpu.memref_squeeze %dma_wait3A_873 : memref<1x1x128xi32, #tpu.memory_space<vmem>> -> memref<1x128xi32, #tpu.memory_space<vmem>>
        %dma_wait3A_875 = arith.constant 0 : i32
        %dma_wait3A_876 = arith.constant 0 : i32
        %dma_wait3A_877 = tpu.memref_slice %arg11[%dma_wait3A_875, %dma_wait3A_876] : memref<1x1000448xf32, #tpu.memory_space<vmem_shared>> -> memref<1x1000448xf32, #tpu.memory_space<vmem_shared>>
        tpu.wait_indirect_dma semaphore(%arg14 : memref<!tpu.dma_semaphore, #tpu.memory_space<semaphore_mem>>) src(%dma_wait3A_877 : memref<1x1000448xf32, #tpu.memory_space<vmem_shared>>) dst(%dma_wait3A_870 : memref<1x128xf32, #tpu.memory_space<vmem>>)
        %dma_wait3A_878 = arith.constant 0 : i32
        %dma_wait3A_879 = arith.constant 1 : i32
        %dma_wait3A_880 = arith.constant 0 : i32
        %dma_wait3A_881 = tpu.memref_slice %arg8[%dma_wait3A_879, %dma_wait3A_880] : memref<10x128xf32, #tpu.memory_space<vmem>> -> memref<1x128xf32, #tpu.memory_space<vmem>>
        %dma_wait3A_882 = arith.constant 0 : i32
        %dma_wait3A_883 = arith.constant 0 : i32
        %dma_wait3A_884 = tpu.memref_slice %arg6[%dma_wait3A_878, %dma_wait3A_882, %dma_wait3A_883] : memref<200x1x128xi32, #tpu.memory_space<vmem>> -> memref<1x1x128xi32, #tpu.memory_space<vmem>>
        %dma_wait3A_885 = tpu.memref_squeeze %dma_wait3A_884 : memref<1x1x128xi32, #tpu.memory_space<vmem>> -> memref<1x128xi32, #tpu.memory_space<vmem>>
        %dma_wait3A_886 = arith.constant 0 : i32
        %dma_wait3A_887 = arith.constant 0 : i32
        %dma_wait3A_888 = tpu.memref_slice %arg11[%dma_wait3A_886, %dma_wait3A_887] : memref<1x1000448xf32, #tpu.memory_space<vmem_shared>> -> memref<1x1000448xf32, #tpu.memory_space<vmem_shared>>
        tpu.wait_indirect_dma semaphore(%arg14 : memref<!tpu.dma_semaphore, #tpu.memory_space<semaphore_mem>>) src(%dma_wait3A_888 : memref<1x1000448xf32, #tpu.memory_space<vmem_shared>>) dst(%dma_wait3A_881 : memref<1x128xf32, #tpu.memory_space<vmem>>)
        %dma_wait3A_889 = arith.constant 0 : i32
        %dma_wait3A_890 = arith.constant 2 : i32
        %dma_wait3A_891 = arith.constant 0 : i32
        %dma_wait3A_892 = tpu.memref_slice %arg7[%dma_wait3A_890, %dma_wait3A_891] : memref<10x128xf32, #tpu.memory_space<vmem>> -> memref<1x128xf32, #tpu.memory_space<vmem>>
        %dma_wait3A_893 = arith.constant 0 : i32
        %dma_wait3A_894 = arith.constant 0 : i32
        %dma_wait3A_895 = tpu.memref_slice %arg5[%dma_wait3A_889, %dma_wait3A_893, %dma_wait3A_894] : memref<200x1x128xi32, #tpu.memory_space<vmem>> -> memref<1x1x128xi32, #tpu.memory_space<vmem>>
        %dma_wait3A_896 = tpu.memref_squeeze %dma_wait3A_895 : memref<1x1x128xi32, #tpu.memory_space<vmem>> -> memref<1x128xi32, #tpu.memory_space<vmem>>
        %dma_wait3A_897 = arith.constant 0 : i32
        %dma_wait3A_898 = arith.constant 0 : i32
        %dma_wait3A_899 = tpu.memref_slice %arg11[%dma_wait3A_897, %dma_wait3A_898] : memref<1x1000448xf32, #tpu.memory_space<vmem_shared>> -> memref<1x1000448xf32, #tpu.memory_space<vmem_shared>>
        tpu.wait_indirect_dma semaphore(%arg14 : memref<!tpu.dma_semaphore, #tpu.memory_space<semaphore_mem>>) src(%dma_wait3A_899 : memref<1x1000448xf32, #tpu.memory_space<vmem_shared>>) dst(%dma_wait3A_892 : memref<1x128xf32, #tpu.memory_space<vmem>>)
        %dma_wait3A_900 = arith.constant 0 : i32
        %dma_wait3A_901 = arith.constant 2 : i32
        %dma_wait3A_902 = arith.constant 0 : i32
        %dma_wait3A_903 = tpu.memref_slice %arg8[%dma_wait3A_901, %dma_wait3A_902] : memref<10x128xf32, #tpu.memory_space<vmem>> -> memref<1x128xf32, #tpu.memory_space<vmem>>
        %dma_wait3A_904 = arith.constant 0 : i32
        %dma_wait3A_905 = arith.constant 0 : i32
        %dma_wait3A_906 = tpu.memref_slice %arg6[%dma_wait3A_900, %dma_wait3A_904, %dma_wait3A_905] : memref<200x1x128xi32, #tpu.memory_space<vmem>> -> memref<1x1x128xi32, #tpu.memory_space<vmem>>
        %dma_wait3A_907 = tpu.memref_squeeze %dma_wait3A_906 : memref<1x1x128xi32, #tpu.memory_space<vmem>> -> memref<1x128xi32, #tpu.memory_space<vmem>>
        %dma_wait3A_908 = arith.constant 0 : i32
        %dma_wait3A_909 = arith.constant 0 : i32
        %dma_wait3A_910 = tpu.memref_slice %arg11[%dma_wait3A_908, %dma_wait3A_909] : memref<1x1000448xf32, #tpu.memory_space<vmem_shared>> -> memref<1x1000448xf32, #tpu.memory_space<vmem_shared>>
        tpu.wait_indirect_dma semaphore(%arg14 : memref<!tpu.dma_semaphore, #tpu.memory_space<semaphore_mem>>) src(%dma_wait3A_910 : memref<1x1000448xf32, #tpu.memory_space<vmem_shared>>) dst(%dma_wait3A_903 : memref<1x128xf32, #tpu.memory_space<vmem>>)
        %dma_wait3A_911 = arith.constant 0 : i32
        %dma_wait3A_912 = arith.constant 3 : i32
        %dma_wait3A_913 = arith.constant 0 : i32
        %dma_wait3A_914 = tpu.memref_slice %arg7[%dma_wait3A_912, %dma_wait3A_913] : memref<10x128xf32, #tpu.memory_space<vmem>> -> memref<1x128xf32, #tpu.memory_space<vmem>>
        %dma_wait3A_915 = arith.constant 0 : i32
        %dma_wait3A_916 = arith.constant 0 : i32
        %dma_wait3A_917 = tpu.memref_slice %arg5[%dma_wait3A_911, %dma_wait3A_915, %dma_wait3A_916] : memref<200x1x128xi32, #tpu.memory_space<vmem>> -> memref<1x1x128xi32, #tpu.memory_space<vmem>>
        %dma_wait3A_918 = tpu.memref_squeeze %dma_wait3A_917 : memref<1x1x128xi32, #tpu.memory_space<vmem>> -> memref<1x128xi32, #tpu.memory_space<vmem>>
        %dma_wait3A_919 = arith.constant 0 : i32
        %dma_wait3A_920 = arith.constant 0 : i32
        %dma_wait3A_921 = tpu.memref_slice %arg11[%dma_wait3A_919, %dma_wait3A_920] : memref<1x1000448xf32, #tpu.memory_space<vmem_shared>> -> memref<1x1000448xf32, #tpu.memory_space<vmem_shared>>
        tpu.wait_indirect_dma semaphore(%arg14 : memref<!tpu.dma_semaphore, #tpu.memory_space<semaphore_mem>>) src(%dma_wait3A_921 : memref<1x1000448xf32, #tpu.memory_space<vmem_shared>>) dst(%dma_wait3A_914 : memref<1x128xf32, #tpu.memory_space<vmem>>)
        %dma_wait3A_922 = arith.constant 0 : i32
        %dma_wait3A_923 = arith.constant 3 : i32
        %dma_wait3A_924 = arith.constant 0 : i32
        %dma_wait3A_925 = tpu.memref_slice %arg8[%dma_wait3A_923, %dma_wait3A_924] : memref<10x128xf32, #tpu.memory_space<vmem>> -> memref<1x128xf32, #tpu.memory_space<vmem>>
        %dma_wait3A_926 = arith.constant 0 : i32
        %dma_wait3A_927 = arith.constant 0 : i32
        %dma_wait3A_928 = tpu.memref_slice %arg6[%dma_wait3A_922, %dma_wait3A_926, %dma_wait3A_927] : memref<200x1x128xi32, #tpu.memory_space<vmem>> -> memref<1x1x128xi32, #tpu.memory_space<vmem>>
        %dma_wait3A_929 = tpu.memref_squeeze %dma_wait3A_928 : memref<1x1x128xi32, #tpu.memory_space<vmem>> -> memref<1x128xi32, #tpu.memory_space<vmem>>
        %dma_wait3A_930 = arith.constant 0 : i32
        %dma_wait3A_931 = arith.constant 0 : i32
        %dma_wait3A_932 = tpu.memref_slice %arg11[%dma_wait3A_930, %dma_wait3A_931] : memref<1x1000448xf32, #tpu.memory_space<vmem_shared>> -> memref<1x1000448xf32, #tpu.memory_space<vmem_shared>>
        tpu.wait_indirect_dma semaphore(%arg14 : memref<!tpu.dma_semaphore, #tpu.memory_space<semaphore_mem>>) src(%dma_wait3A_932 : memref<1x1000448xf32, #tpu.memory_space<vmem_shared>>) dst(%dma_wait3A_925 : memref<1x128xf32, #tpu.memory_space<vmem>>)
        %dma_wait3A_933 = arith.constant 0 : i32
        %dma_wait3A_934 = arith.constant 4 : i32
        %dma_wait3A_935 = arith.constant 0 : i32
        %dma_wait3A_936 = tpu.memref_slice %arg7[%dma_wait3A_934, %dma_wait3A_935] : memref<10x128xf32, #tpu.memory_space<vmem>> -> memref<1x128xf32, #tpu.memory_space<vmem>>
        %dma_wait3A_937 = arith.constant 0 : i32
        %dma_wait3A_938 = arith.constant 0 : i32
        %dma_wait3A_939 = tpu.memref_slice %arg5[%dma_wait3A_933, %dma_wait3A_937, %dma_wait3A_938] : memref<200x1x128xi32, #tpu.memory_space<vmem>> -> memref<1x1x128xi32, #tpu.memory_space<vmem>>
        %dma_wait3A_940 = tpu.memref_squeeze %dma_wait3A_939 : memref<1x1x128xi32, #tpu.memory_space<vmem>> -> memref<1x128xi32, #tpu.memory_space<vmem>>
        %dma_wait3A_941 = arith.constant 0 : i32
        %dma_wait3A_942 = arith.constant 0 : i32
        %dma_wait3A_943 = tpu.memref_slice %arg11[%dma_wait3A_941, %dma_wait3A_942] : memref<1x1000448xf32, #tpu.memory_space<vmem_shared>> -> memref<1x1000448xf32, #tpu.memory_space<vmem_shared>>
        tpu.wait_indirect_dma semaphore(%arg14 : memref<!tpu.dma_semaphore, #tpu.memory_space<semaphore_mem>>) src(%dma_wait3A_943 : memref<1x1000448xf32, #tpu.memory_space<vmem_shared>>) dst(%dma_wait3A_936 : memref<1x128xf32, #tpu.memory_space<vmem>>)
        %dma_wait3A_944 = arith.constant 0 : i32
        %dma_wait3A_945 = arith.constant 4 : i32
        %dma_wait3A_946 = arith.constant 0 : i32
        %dma_wait3A_947 = tpu.memref_slice %arg8[%dma_wait3A_945, %dma_wait3A_946] : memref<10x128xf32, #tpu.memory_space<vmem>> -> memref<1x128xf32, #tpu.memory_space<vmem>>
        %dma_wait3A_948 = arith.constant 0 : i32
        %dma_wait3A_949 = arith.constant 0 : i32
        %dma_wait3A_950 = tpu.memref_slice %arg6[%dma_wait3A_944, %dma_wait3A_948, %dma_wait3A_949] : memref<200x1x128xi32, #tpu.memory_space<vmem>> -> memref<1x1x128xi32, #tpu.memory_space<vmem>>
        %dma_wait3A_951 = tpu.memref_squeeze %dma_wait3A_950 : memref<1x1x128xi32, #tpu.memory_space<vmem>> -> memref<1x128xi32, #tpu.memory_space<vmem>>
        %dma_wait3A_952 = arith.constant 0 : i32
        %dma_wait3A_953 = arith.constant 0 : i32
        %dma_wait3A_954 = tpu.memref_slice %arg11[%dma_wait3A_952, %dma_wait3A_953] : memref<1x1000448xf32, #tpu.memory_space<vmem_shared>> -> memref<1x1000448xf32, #tpu.memory_space<vmem_shared>>
        tpu.wait_indirect_dma semaphore(%arg14 : memref<!tpu.dma_semaphore, #tpu.memory_space<semaphore_mem>>) src(%dma_wait3A_954 : memref<1x1000448xf32, #tpu.memory_space<vmem_shared>>) dst(%dma_wait3A_947 : memref<1x128xf32, #tpu.memory_space<vmem>>)
        %dma_wait3A_955 = arith.constant 0 : i32
        %dma_wait3A_956 = arith.constant 5 : i32
        %dma_wait3A_957 = arith.constant 0 : i32
        %dma_wait3A_958 = tpu.memref_slice %arg7[%dma_wait3A_956, %dma_wait3A_957] : memref<10x128xf32, #tpu.memory_space<vmem>> -> memref<1x128xf32, #tpu.memory_space<vmem>>
        %dma_wait3A_959 = arith.constant 0 : i32
        %dma_wait3A_960 = arith.constant 0 : i32
        %dma_wait3A_961 = tpu.memref_slice %arg5[%dma_wait3A_955, %dma_wait3A_959, %dma_wait3A_960] : memref<200x1x128xi32, #tpu.memory_space<vmem>> -> memref<1x1x128xi32, #tpu.memory_space<vmem>>
        %dma_wait3A_962 = tpu.memref_squeeze %dma_wait3A_961 : memref<1x1x128xi32, #tpu.memory_space<vmem>> -> memref<1x128xi32, #tpu.memory_space<vmem>>
        %dma_wait3A_963 = arith.constant 0 : i32
        %dma_wait3A_964 = arith.constant 0 : i32
        %dma_wait3A_965 = tpu.memref_slice %arg11[%dma_wait3A_963, %dma_wait3A_964] : memref<1x1000448xf32, #tpu.memory_space<vmem_shared>> -> memref<1x1000448xf32, #tpu.memory_space<vmem_shared>>
        tpu.wait_indirect_dma semaphore(%arg14 : memref<!tpu.dma_semaphore, #tpu.memory_space<semaphore_mem>>) src(%dma_wait3A_965 : memref<1x1000448xf32, #tpu.memory_space<vmem_shared>>) dst(%dma_wait3A_958 : memref<1x128xf32, #tpu.memory_space<vmem>>)
        %dma_wait3A_966 = arith.constant 0 : i32
        %dma_wait3A_967 = arith.constant 5 : i32
        %dma_wait3A_968 = arith.constant 0 : i32
        %dma_wait3A_969 = tpu.memref_slice %arg8[%dma_wait3A_967, %dma_wait3A_968] : memref<10x128xf32, #tpu.memory_space<vmem>> -> memref<1x128xf32, #tpu.memory_space<vmem>>
        %dma_wait3A_970 = arith.constant 0 : i32
        %dma_wait3A_971 = arith.constant 0 : i32
        %dma_wait3A_972 = tpu.memref_slice %arg6[%dma_wait3A_966, %dma_wait3A_970, %dma_wait3A_971] : memref<200x1x128xi32, #tpu.memory_space<vmem>> -> memref<1x1x128xi32, #tpu.memory_space<vmem>>
        %dma_wait3A_973 = tpu.memref_squeeze %dma_wait3A_972 : memref<1x1x128xi32, #tpu.memory_space<vmem>> -> memref<1x128xi32, #tpu.memory_space<vmem>>
        %dma_wait3A_974 = arith.constant 0 : i32
        %dma_wait3A_975 = arith.constant 0 : i32
        %dma_wait3A_976 = tpu.memref_slice %arg11[%dma_wait3A_974, %dma_wait3A_975] : memref<1x1000448xf32, #tpu.memory_space<vmem_shared>> -> memref<1x1000448xf32, #tpu.memory_space<vmem_shared>>
        tpu.wait_indirect_dma semaphore(%arg14 : memref<!tpu.dma_semaphore, #tpu.memory_space<semaphore_mem>>) src(%dma_wait3A_976 : memref<1x1000448xf32, #tpu.memory_space<vmem_shared>>) dst(%dma_wait3A_969 : memref<1x128xf32, #tpu.memory_space<vmem>>)
        %dma_wait3A_977 = arith.constant 0 : i32
        %dma_wait3A_978 = arith.constant 6 : i32
        %dma_wait3A_979 = arith.constant 0 : i32
        %dma_wait3A_980 = tpu.memref_slice %arg7[%dma_wait3A_978, %dma_wait3A_979] : memref<10x128xf32, #tpu.memory_space<vmem>> -> memref<1x128xf32, #tpu.memory_space<vmem>>
        %dma_wait3A_981 = arith.constant 0 : i32
        %dma_wait3A_982 = arith.constant 0 : i32
        %dma_wait3A_983 = tpu.memref_slice %arg5[%dma_wait3A_977, %dma_wait3A_981, %dma_wait3A_982] : memref<200x1x128xi32, #tpu.memory_space<vmem>> -> memref<1x1x128xi32, #tpu.memory_space<vmem>>
        %dma_wait3A_984 = tpu.memref_squeeze %dma_wait3A_983 : memref<1x1x128xi32, #tpu.memory_space<vmem>> -> memref<1x128xi32, #tpu.memory_space<vmem>>
        %dma_wait3A_985 = arith.constant 0 : i32
        %dma_wait3A_986 = arith.constant 0 : i32
        %dma_wait3A_987 = tpu.memref_slice %arg11[%dma_wait3A_985, %dma_wait3A_986] : memref<1x1000448xf32, #tpu.memory_space<vmem_shared>> -> memref<1x1000448xf32, #tpu.memory_space<vmem_shared>>
        tpu.wait_indirect_dma semaphore(%arg14 : memref<!tpu.dma_semaphore, #tpu.memory_space<semaphore_mem>>) src(%dma_wait3A_987 : memref<1x1000448xf32, #tpu.memory_space<vmem_shared>>) dst(%dma_wait3A_980 : memref<1x128xf32, #tpu.memory_space<vmem>>)
        %dma_wait3A_988 = arith.constant 0 : i32
        %dma_wait3A_989 = arith.constant 6 : i32
        %dma_wait3A_990 = arith.constant 0 : i32
        %dma_wait3A_991 = tpu.memref_slice %arg8[%dma_wait3A_989, %dma_wait3A_990] : memref<10x128xf32, #tpu.memory_space<vmem>> -> memref<1x128xf32, #tpu.memory_space<vmem>>
        %dma_wait3A_992 = arith.constant 0 : i32
        %dma_wait3A_993 = arith.constant 0 : i32
        %dma_wait3A_994 = tpu.memref_slice %arg6[%dma_wait3A_988, %dma_wait3A_992, %dma_wait3A_993] : memref<200x1x128xi32, #tpu.memory_space<vmem>> -> memref<1x1x128xi32, #tpu.memory_space<vmem>>
        %dma_wait3A_995 = tpu.memref_squeeze %dma_wait3A_994 : memref<1x1x128xi32, #tpu.memory_space<vmem>> -> memref<1x128xi32, #tpu.memory_space<vmem>>
        %dma_wait3A_996 = arith.constant 0 : i32
        %dma_wait3A_997 = arith.constant 0 : i32
        %dma_wait3A_998 = tpu.memref_slice %arg11[%dma_wait3A_996, %dma_wait3A_997] : memref<1x1000448xf32, #tpu.memory_space<vmem_shared>> -> memref<1x1000448xf32, #tpu.memory_space<vmem_shared>>
        tpu.wait_indirect_dma semaphore(%arg14 : memref<!tpu.dma_semaphore, #tpu.memory_space<semaphore_mem>>) src(%dma_wait3A_998 : memref<1x1000448xf32, #tpu.memory_space<vmem_shared>>) dst(%dma_wait3A_991 : memref<1x128xf32, #tpu.memory_space<vmem>>)
        %dma_wait3A_999 = arith.constant 0 : i32
        %dma_wait3A_1000 = arith.constant 7 : i32
        %dma_wait3A_1001 = arith.constant 0 : i32
        %dma_wait3A_1002 = tpu.memref_slice %arg7[%dma_wait3A_1000, %dma_wait3A_1001] : memref<10x128xf32, #tpu.memory_space<vmem>> -> memref<1x128xf32, #tpu.memory_space<vmem>>
        %dma_wait3A_1003 = arith.constant 0 : i32
        %dma_wait3A_1004 = arith.constant 0 : i32
        %dma_wait3A_1005 = tpu.memref_slice %arg5[%dma_wait3A_999, %dma_wait3A_1003, %dma_wait3A_1004] : memref<200x1x128xi32, #tpu.memory_space<vmem>> -> memref<1x1x128xi32, #tpu.memory_space<vmem>>
        %dma_wait3A_1006 = tpu.memref_squeeze %dma_wait3A_1005 : memref<1x1x128xi32, #tpu.memory_space<vmem>> -> memref<1x128xi32, #tpu.memory_space<vmem>>
        %dma_wait3A_1007 = arith.constant 0 : i32
        %dma_wait3A_1008 = arith.constant 0 : i32
        %dma_wait3A_1009 = tpu.memref_slice %arg11[%dma_wait3A_1007, %dma_wait3A_1008] : memref<1x1000448xf32, #tpu.memory_space<vmem_shared>> -> memref<1x1000448xf32, #tpu.memory_space<vmem_shared>>
        tpu.wait_indirect_dma semaphore(%arg14 : memref<!tpu.dma_semaphore, #tpu.memory_space<semaphore_mem>>) src(%dma_wait3A_1009 : memref<1x1000448xf32, #tpu.memory_space<vmem_shared>>) dst(%dma_wait3A_1002 : memref<1x128xf32, #tpu.memory_space<vmem>>)
        %dma_wait3A_1010 = arith.constant 0 : i32
        %dma_wait3A_1011 = arith.constant 7 : i32
        %dma_wait3A_1012 = arith.constant 0 : i32
        %dma_wait3A_1013 = tpu.memref_slice %arg8[%dma_wait3A_1011, %dma_wait3A_1012] : memref<10x128xf32, #tpu.memory_space<vmem>> -> memref<1x128xf32, #tpu.memory_space<vmem>>
        %dma_wait3A_1014 = arith.constant 0 : i32
        %dma_wait3A_1015 = arith.constant 0 : i32
        %dma_wait3A_1016 = tpu.memref_slice %arg6[%dma_wait3A_1010, %dma_wait3A_1014, %dma_wait3A_1015] : memref<200x1x128xi32, #tpu.memory_space<vmem>> -> memref<1x1x128xi32, #tpu.memory_space<vmem>>
        %dma_wait3A_1017 = tpu.memref_squeeze %dma_wait3A_1016 : memref<1x1x128xi32, #tpu.memory_space<vmem>> -> memref<1x128xi32, #tpu.memory_space<vmem>>
        %dma_wait3A_1018 = arith.constant 0 : i32
        %dma_wait3A_1019 = arith.constant 0 : i32
        %dma_wait3A_1020 = tpu.memref_slice %arg11[%dma_wait3A_1018, %dma_wait3A_1019] : memref<1x1000448xf32, #tpu.memory_space<vmem_shared>> -> memref<1x1000448xf32, #tpu.memory_space<vmem_shared>>
        tpu.wait_indirect_dma semaphore(%arg14 : memref<!tpu.dma_semaphore, #tpu.memory_space<semaphore_mem>>) src(%dma_wait3A_1020 : memref<1x1000448xf32, #tpu.memory_space<vmem_shared>>) dst(%dma_wait3A_1013 : memref<1x128xf32, #tpu.memory_space<vmem>>)
        %dma_wait3A_1021 = arith.constant 0 : i32
        %dma_wait3A_1022 = arith.constant 8 : i32
        %dma_wait3A_1023 = arith.constant 0 : i32
        %dma_wait3A_1024 = tpu.memref_slice %arg7[%dma_wait3A_1022, %dma_wait3A_1023] : memref<10x128xf32, #tpu.memory_space<vmem>> -> memref<1x128xf32, #tpu.memory_space<vmem>>
        %dma_wait3A_1025 = arith.constant 0 : i32
        %dma_wait3A_1026 = arith.constant 0 : i32
        %dma_wait3A_1027 = tpu.memref_slice %arg5[%dma_wait3A_1021, %dma_wait3A_1025, %dma_wait3A_1026] : memref<200x1x128xi32, #tpu.memory_space<vmem>> -> memref<1x1x128xi32, #tpu.memory_space<vmem>>
        %dma_wait3A_1028 = tpu.memref_squeeze %dma_wait3A_1027 : memref<1x1x128xi32, #tpu.memory_space<vmem>> -> memref<1x128xi32, #tpu.memory_space<vmem>>
        %dma_wait3A_1029 = arith.constant 0 : i32
        %dma_wait3A_1030 = arith.constant 0 : i32
        %dma_wait3A_1031 = tpu.memref_slice %arg11[%dma_wait3A_1029, %dma_wait3A_1030] : memref<1x1000448xf32, #tpu.memory_space<vmem_shared>> -> memref<1x1000448xf32, #tpu.memory_space<vmem_shared>>
        tpu.wait_indirect_dma semaphore(%arg14 : memref<!tpu.dma_semaphore, #tpu.memory_space<semaphore_mem>>) src(%dma_wait3A_1031 : memref<1x1000448xf32, #tpu.memory_space<vmem_shared>>) dst(%dma_wait3A_1024 : memref<1x128xf32, #tpu.memory_space<vmem>>)
        %dma_wait3A_1032 = arith.constant 0 : i32
        %dma_wait3A_1033 = arith.constant 8 : i32
        %dma_wait3A_1034 = arith.constant 0 : i32
        %dma_wait3A_1035 = tpu.memref_slice %arg8[%dma_wait3A_1033, %dma_wait3A_1034] : memref<10x128xf32, #tpu.memory_space<vmem>> -> memref<1x128xf32, #tpu.memory_space<vmem>>
        %dma_wait3A_1036 = arith.constant 0 : i32
        %dma_wait3A_1037 = arith.constant 0 : i32
        %dma_wait3A_1038 = tpu.memref_slice %arg6[%dma_wait3A_1032, %dma_wait3A_1036, %dma_wait3A_1037] : memref<200x1x128xi32, #tpu.memory_space<vmem>> -> memref<1x1x128xi32, #tpu.memory_space<vmem>>
        %dma_wait3A_1039 = tpu.memref_squeeze %dma_wait3A_1038 : memref<1x1x128xi32, #tpu.memory_space<vmem>> -> memref<1x128xi32, #tpu.memory_space<vmem>>
        %dma_wait3A_1040 = arith.constant 0 : i32
        %dma_wait3A_1041 = arith.constant 0 : i32
        %dma_wait3A_1042 = tpu.memref_slice %arg11[%dma_wait3A_1040, %dma_wait3A_1041] : memref<1x1000448xf32, #tpu.memory_space<vmem_shared>> -> memref<1x1000448xf32, #tpu.memory_space<vmem_shared>>
        tpu.wait_indirect_dma semaphore(%arg14 : memref<!tpu.dma_semaphore, #tpu.memory_space<semaphore_mem>>) src(%dma_wait3A_1042 : memref<1x1000448xf32, #tpu.memory_space<vmem_shared>>) dst(%dma_wait3A_1035 : memref<1x128xf32, #tpu.memory_space<vmem>>)
        %dma_wait3A_1043 = arith.constant 0 : i32
        %dma_wait3A_1044 = arith.constant 9 : i32
        %dma_wait3A_1045 = arith.constant 0 : i32
        %dma_wait3A_1046 = tpu.memref_slice %arg7[%dma_wait3A_1044, %dma_wait3A_1045] : memref<10x128xf32, #tpu.memory_space<vmem>> -> memref<1x128xf32, #tpu.memory_space<vmem>>
        %dma_wait3A_1047 = arith.constant 0 : i32
        %dma_wait3A_1048 = arith.constant 0 : i32
        %dma_wait3A_1049 = tpu.memref_slice %arg5[%dma_wait3A_1043, %dma_wait3A_1047, %dma_wait3A_1048] : memref<200x1x128xi32, #tpu.memory_space<vmem>> -> memref<1x1x128xi32, #tpu.memory_space<vmem>>
        %dma_wait3A_1050 = tpu.memref_squeeze %dma_wait3A_1049 : memref<1x1x128xi32, #tpu.memory_space<vmem>> -> memref<1x128xi32, #tpu.memory_space<vmem>>
        %dma_wait3A_1051 = arith.constant 0 : i32
        %dma_wait3A_1052 = arith.constant 0 : i32
        %dma_wait3A_1053 = tpu.memref_slice %arg11[%dma_wait3A_1051, %dma_wait3A_1052] : memref<1x1000448xf32, #tpu.memory_space<vmem_shared>> -> memref<1x1000448xf32, #tpu.memory_space<vmem_shared>>
        tpu.wait_indirect_dma semaphore(%arg14 : memref<!tpu.dma_semaphore, #tpu.memory_space<semaphore_mem>>) src(%dma_wait3A_1053 : memref<1x1000448xf32, #tpu.memory_space<vmem_shared>>) dst(%dma_wait3A_1046 : memref<1x128xf32, #tpu.memory_space<vmem>>)
        %dma_wait3A_1054 = arith.constant 0 : i32
        %dma_wait3A_1055 = arith.constant 9 : i32
        %dma_wait3A_1056 = arith.constant 0 : i32
        %dma_wait3A_1057 = tpu.memref_slice %arg8[%dma_wait3A_1055, %dma_wait3A_1056] : memref<10x128xf32, #tpu.memory_space<vmem>> -> memref<1x128xf32, #tpu.memory_space<vmem>>
        %dma_wait3A_1058 = arith.constant 0 : i32
        %dma_wait3A_1059 = arith.constant 0 : i32
        %dma_wait3A_1060 = tpu.memref_slice %arg6[%dma_wait3A_1054, %dma_wait3A_1058, %dma_wait3A_1059] : memref<200x1x128xi32, #tpu.memory_space<vmem>> -> memref<1x1x128xi32, #tpu.memory_space<vmem>>
        %dma_wait3A_1061 = tpu.memref_squeeze %dma_wait3A_1060 : memref<1x1x128xi32, #tpu.memory_space<vmem>> -> memref<1x128xi32, #tpu.memory_space<vmem>>
        %dma_wait3A_1062 = arith.constant 0 : i32
        %dma_wait3A_1063 = arith.constant 0 : i32
        %dma_wait3A_1064 = tpu.memref_slice %arg11[%dma_wait3A_1062, %dma_wait3A_1063] : memref<1x1000448xf32, #tpu.memory_space<vmem_shared>> -> memref<1x1000448xf32, #tpu.memory_space<vmem_shared>>
        tpu.wait_indirect_dma semaphore(%arg14 : memref<!tpu.dma_semaphore, #tpu.memory_space<semaphore_mem>>) src(%dma_wait3A_1064 : memref<1x1000448xf32, #tpu.memory_space<vmem_shared>>) dst(%dma_wait3A_1057 : memref<1x128xf32, #tpu.memory_space<vmem>>)
        %sub3A = arith.constant 10 : i32
        %sub3A_1065 = arith.subi %mul3A_599, %sub3A : i32
        %add3A_1066 = arith.constant 128 : i32
        %add3A_1067 = arith.addi %mul3A_0, %add3A_1066 : i32
        %dma_start3A_1068 = tpu.memref_slice %arg4[%sub3A_1065, %add3A_60, %mul3A_0] : memref<200x64x4096xf32, #tpu.memory_space<hbm>> -> memref<10x1x128xf32, #tpu.memory_space<hbm>>
        %dma_start3A_1069 = tpu.memref_squeeze %dma_start3A_1068 : memref<10x1x128xf32, #tpu.memory_space<hbm>> -> memref<10x128xf32, #tpu.memory_space<hbm>>
        %dma_start3A_1070 = tpu.memref_slice %arg4[%sub3A_1065, %add3A_60, %mul3A_0] : memref<200x64x4096xf32, #tpu.memory_space<hbm>> -> memref<10x1x128xf32, #tpu.memory_space<hbm>>
        %dma_start3A_1071 = tpu.memref_squeeze %dma_start3A_1070 : memref<10x1x128xf32, #tpu.memory_space<hbm>> -> memref<10x128xf32, #tpu.memory_space<hbm>>
        tpu.enqueue_dma source(%arg7 : memref<10x128xf32, #tpu.memory_space<vmem>>) target(%dma_start3A_1071 : memref<10x128xf32, #tpu.memory_space<hbm>>) target_semaphore(%arg16 : memref<!tpu.dma_semaphore, #tpu.memory_space<semaphore_mem>>)
        %dma_start3A_1072 = tpu.memref_slice %arg4[%sub3A_1065, %add3A_60, %add3A_1067] : memref<200x64x4096xf32, #tpu.memory_space<hbm>> -> memref<10x1x128xf32, #tpu.memory_space<hbm>>
        %dma_start3A_1073 = tpu.memref_squeeze %dma_start3A_1072 : memref<10x1x128xf32, #tpu.memory_space<hbm>> -> memref<10x128xf32, #tpu.memory_space<hbm>>
        %dma_start3A_1074 = tpu.memref_slice %arg4[%sub3A_1065, %add3A_60, %add3A_1067] : memref<200x64x4096xf32, #tpu.memory_space<hbm>> -> memref<10x1x128xf32, #tpu.memory_space<hbm>>
        %dma_start3A_1075 = tpu.memref_squeeze %dma_start3A_1074 : memref<10x1x128xf32, #tpu.memory_space<hbm>> -> memref<10x128xf32, #tpu.memory_space<hbm>>
        tpu.enqueue_dma source(%arg8 : memref<10x128xf32, #tpu.memory_space<vmem>>) target(%dma_start3A_1075 : memref<10x128xf32, #tpu.memory_space<hbm>>) target_semaphore(%arg16 : memref<!tpu.dma_semaphore, #tpu.memory_space<semaphore_mem>>)
      }
      %scan3A_74 = arith.constant 10 : i32
      %dma_wait3A_75 = arith.constant 0 : i32
      %dma_wait3A_76 = arith.constant 0 : i32
      %dma_wait3A_77 = arith.constant 0 : i32
      %dma_wait3A_78 = tpu.memref_slice %arg9[%dma_wait3A_76, %dma_wait3A_77] : memref<10x128xf32, #tpu.memory_space<vmem>> -> memref<1x128xf32, #tpu.memory_space<vmem>>
      %dma_wait3A_79 = arith.constant 0 : i32
      %dma_wait3A_80 = arith.constant 0 : i32
      %dma_wait3A_81 = tpu.memref_slice %arg5[%dma_wait3A_75, %dma_wait3A_79, %dma_wait3A_80] : memref<200x1x128xi32, #tpu.memory_space<vmem>> -> memref<1x1x128xi32, #tpu.memory_space<vmem>>
      %dma_wait3A_82 = tpu.memref_squeeze %dma_wait3A_81 : memref<1x1x128xi32, #tpu.memory_space<vmem>> -> memref<1x128xi32, #tpu.memory_space<vmem>>
      %dma_wait3A_83 = arith.constant 0 : i32
      %dma_wait3A_84 = arith.constant 0 : i32
      %dma_wait3A_85 = tpu.memref_slice %arg11[%dma_wait3A_83, %dma_wait3A_84] : memref<1x1000448xf32, #tpu.memory_space<vmem_shared>> -> memref<1x1000448xf32, #tpu.memory_space<vmem_shared>>
      tpu.wait_indirect_dma semaphore(%arg15 : memref<!tpu.dma_semaphore, #tpu.memory_space<semaphore_mem>>) src(%dma_wait3A_85 : memref<1x1000448xf32, #tpu.memory_space<vmem_shared>>) dst(%dma_wait3A_78 : memref<1x128xf32, #tpu.memory_space<vmem>>)
      %dma_wait3A_86 = arith.constant 0 : i32
      %dma_wait3A_87 = arith.constant 0 : i32
      %dma_wait3A_88 = arith.constant 0 : i32
      %dma_wait3A_89 = tpu.memref_slice %arg10[%dma_wait3A_87, %dma_wait3A_88] : memref<10x128xf32, #tpu.memory_space<vmem>> -> memref<1x128xf32, #tpu.memory_space<vmem>>
      %dma_wait3A_90 = arith.constant 0 : i32
      %dma_wait3A_91 = arith.constant 0 : i32
      %dma_wait3A_92 = tpu.memref_slice %arg6[%dma_wait3A_86, %dma_wait3A_90, %dma_wait3A_91] : memref<200x1x128xi32, #tpu.memory_space<vmem>> -> memref<1x1x128xi32, #tpu.memory_space<vmem>>
      %dma_wait3A_93 = tpu.memref_squeeze %dma_wait3A_92 : memref<1x1x128xi32, #tpu.memory_space<vmem>> -> memref<1x128xi32, #tpu.memory_space<vmem>>
      %dma_wait3A_94 = arith.constant 0 : i32
      %dma_wait3A_95 = arith.constant 0 : i32
      %dma_wait3A_96 = tpu.memref_slice %arg11[%dma_wait3A_94, %dma_wait3A_95] : memref<1x1000448xf32, #tpu.memory_space<vmem_shared>> -> memref<1x1000448xf32, #tpu.memory_space<vmem_shared>>
      tpu.wait_indirect_dma semaphore(%arg15 : memref<!tpu.dma_semaphore, #tpu.memory_space<semaphore_mem>>) src(%dma_wait3A_96 : memref<1x1000448xf32, #tpu.memory_space<vmem_shared>>) dst(%dma_wait3A_89 : memref<1x128xf32, #tpu.memory_space<vmem>>)
      %dma_wait3A_97 = arith.constant 0 : i32
      %dma_wait3A_98 = arith.constant 1 : i32
      %dma_wait3A_99 = arith.constant 0 : i32
      %dma_wait3A_100 = tpu.memref_slice %arg9[%dma_wait3A_98, %dma_wait3A_99] : memref<10x128xf32, #tpu.memory_space<vmem>> -> memref<1x128xf32, #tpu.memory_space<vmem>>
      %dma_wait3A_101 = arith.constant 0 : i32
      %dma_wait3A_102 = arith.constant 0 : i32
      %dma_wait3A_103 = tpu.memref_slice %arg5[%dma_wait3A_97, %dma_wait3A_101, %dma_wait3A_102] : memref<200x1x128xi32, #tpu.memory_space<vmem>> -> memref<1x1x128xi32, #tpu.memory_space<vmem>>
      %dma_wait3A_104 = tpu.memref_squeeze %dma_wait3A_103 : memref<1x1x128xi32, #tpu.memory_space<vmem>> -> memref<1x128xi32, #tpu.memory_space<vmem>>
      %dma_wait3A_105 = arith.constant 0 : i32
      %dma_wait3A_106 = arith.constant 0 : i32
      %dma_wait3A_107 = tpu.memref_slice %arg11[%dma_wait3A_105, %dma_wait3A_106] : memref<1x1000448xf32, #tpu.memory_space<vmem_shared>> -> memref<1x1000448xf32, #tpu.memory_space<vmem_shared>>
      tpu.wait_indirect_dma semaphore(%arg15 : memref<!tpu.dma_semaphore, #tpu.memory_space<semaphore_mem>>) src(%dma_wait3A_107 : memref<1x1000448xf32, #tpu.memory_space<vmem_shared>>) dst(%dma_wait3A_100 : memref<1x128xf32, #tpu.memory_space<vmem>>)
      %dma_wait3A_108 = arith.constant 0 : i32
      %dma_wait3A_109 = arith.constant 1 : i32
      %dma_wait3A_110 = arith.constant 0 : i32
      %dma_wait3A_111 = tpu.memref_slice %arg10[%dma_wait3A_109, %dma_wait3A_110] : memref<10x128xf32, #tpu.memory_space<vmem>> -> memref<1x128xf32, #tpu.memory_space<vmem>>
      %dma_wait3A_112 = arith.constant 0 : i32
      %dma_wait3A_113 = arith.constant 0 : i32
      %dma_wait3A_114 = tpu.memref_slice %arg6[%dma_wait3A_108, %dma_wait3A_112, %dma_wait3A_113] : memref<200x1x128xi32, #tpu.memory_space<vmem>> -> memref<1x1x128xi32, #tpu.memory_space<vmem>>
      %dma_wait3A_115 = tpu.memref_squeeze %dma_wait3A_114 : memref<1x1x128xi32, #tpu.memory_space<vmem>> -> memref<1x128xi32, #tpu.memory_space<vmem>>
      %dma_wait3A_116 = arith.constant 0 : i32
      %dma_wait3A_117 = arith.constant 0 : i32
      %dma_wait3A_118 = tpu.memref_slice %arg11[%dma_wait3A_116, %dma_wait3A_117] : memref<1x1000448xf32, #tpu.memory_space<vmem_shared>> -> memref<1x1000448xf32, #tpu.memory_space<vmem_shared>>
      tpu.wait_indirect_dma semaphore(%arg15 : memref<!tpu.dma_semaphore, #tpu.memory_space<semaphore_mem>>) src(%dma_wait3A_118 : memref<1x1000448xf32, #tpu.memory_space<vmem_shared>>) dst(%dma_wait3A_111 : memref<1x128xf32, #tpu.memory_space<vmem>>)
      %dma_wait3A_119 = arith.constant 0 : i32
      %dma_wait3A_120 = arith.constant 2 : i32
      %dma_wait3A_121 = arith.constant 0 : i32
      %dma_wait3A_122 = tpu.memref_slice %arg9[%dma_wait3A_120, %dma_wait3A_121] : memref<10x128xf32, #tpu.memory_space<vmem>> -> memref<1x128xf32, #tpu.memory_space<vmem>>
      %dma_wait3A_123 = arith.constant 0 : i32
      %dma_wait3A_124 = arith.constant 0 : i32
      %dma_wait3A_125 = tpu.memref_slice %arg5[%dma_wait3A_119, %dma_wait3A_123, %dma_wait3A_124] : memref<200x1x128xi32, #tpu.memory_space<vmem>> -> memref<1x1x128xi32, #tpu.memory_space<vmem>>
      %dma_wait3A_126 = tpu.memref_squeeze %dma_wait3A_125 : memref<1x1x128xi32, #tpu.memory_space<vmem>> -> memref<1x128xi32, #tpu.memory_space<vmem>>
      %dma_wait3A_127 = arith.constant 0 : i32
      %dma_wait3A_128 = arith.constant 0 : i32
      %dma_wait3A_129 = tpu.memref_slice %arg11[%dma_wait3A_127, %dma_wait3A_128] : memref<1x1000448xf32, #tpu.memory_space<vmem_shared>> -> memref<1x1000448xf32, #tpu.memory_space<vmem_shared>>
      tpu.wait_indirect_dma semaphore(%arg15 : memref<!tpu.dma_semaphore, #tpu.memory_space<semaphore_mem>>) src(%dma_wait3A_129 : memref<1x1000448xf32, #tpu.memory_space<vmem_shared>>) dst(%dma_wait3A_122 : memref<1x128xf32, #tpu.memory_space<vmem>>)
      %dma_wait3A_130 = arith.constant 0 : i32
      %dma_wait3A_131 = arith.constant 2 : i32
      %dma_wait3A_132 = arith.constant 0 : i32
      %dma_wait3A_133 = tpu.memref_slice %arg10[%dma_wait3A_131, %dma_wait3A_132] : memref<10x128xf32, #tpu.memory_space<vmem>> -> memref<1x128xf32, #tpu.memory_space<vmem>>
      %dma_wait3A_134 = arith.constant 0 : i32
      %dma_wait3A_135 = arith.constant 0 : i32
      %dma_wait3A_136 = tpu.memref_slice %arg6[%dma_wait3A_130, %dma_wait3A_134, %dma_wait3A_135] : memref<200x1x128xi32, #tpu.memory_space<vmem>> -> memref<1x1x128xi32, #tpu.memory_space<vmem>>
      %dma_wait3A_137 = tpu.memref_squeeze %dma_wait3A_136 : memref<1x1x128xi32, #tpu.memory_space<vmem>> -> memref<1x128xi32, #tpu.memory_space<vmem>>
      %dma_wait3A_138 = arith.constant 0 : i32
      %dma_wait3A_139 = arith.constant 0 : i32
      %dma_wait3A_140 = tpu.memref_slice %arg11[%dma_wait3A_138, %dma_wait3A_139] : memref<1x1000448xf32, #tpu.memory_space<vmem_shared>> -> memref<1x1000448xf32, #tpu.memory_space<vmem_shared>>
      tpu.wait_indirect_dma semaphore(%arg15 : memref<!tpu.dma_semaphore, #tpu.memory_space<semaphore_mem>>) src(%dma_wait3A_140 : memref<1x1000448xf32, #tpu.memory_space<vmem_shared>>) dst(%dma_wait3A_133 : memref<1x128xf32, #tpu.memory_space<vmem>>)
      %dma_wait3A_141 = arith.constant 0 : i32
      %dma_wait3A_142 = arith.constant 3 : i32
      %dma_wait3A_143 = arith.constant 0 : i32
      %dma_wait3A_144 = tpu.memref_slice %arg9[%dma_wait3A_142, %dma_wait3A_143] : memref<10x128xf32, #tpu.memory_space<vmem>> -> memref<1x128xf32, #tpu.memory_space<vmem>>
      %dma_wait3A_145 = arith.constant 0 : i32
      %dma_wait3A_146 = arith.constant 0 : i32
      %dma_wait3A_147 = tpu.memref_slice %arg5[%dma_wait3A_141, %dma_wait3A_145, %dma_wait3A_146] : memref<200x1x128xi32, #tpu.memory_space<vmem>> -> memref<1x1x128xi32, #tpu.memory_space<vmem>>
      %dma_wait3A_148 = tpu.memref_squeeze %dma_wait3A_147 : memref<1x1x128xi32, #tpu.memory_space<vmem>> -> memref<1x128xi32, #tpu.memory_space<vmem>>
      %dma_wait3A_149 = arith.constant 0 : i32
      %dma_wait3A_150 = arith.constant 0 : i32
      %dma_wait3A_151 = tpu.memref_slice %arg11[%dma_wait3A_149, %dma_wait3A_150] : memref<1x1000448xf32, #tpu.memory_space<vmem_shared>> -> memref<1x1000448xf32, #tpu.memory_space<vmem_shared>>
      tpu.wait_indirect_dma semaphore(%arg15 : memref<!tpu.dma_semaphore, #tpu.memory_space<semaphore_mem>>) src(%dma_wait3A_151 : memref<1x1000448xf32, #tpu.memory_space<vmem_shared>>) dst(%dma_wait3A_144 : memref<1x128xf32, #tpu.memory_space<vmem>>)
      %dma_wait3A_152 = arith.constant 0 : i32
      %dma_wait3A_153 = arith.constant 3 : i32
      %dma_wait3A_154 = arith.constant 0 : i32
      %dma_wait3A_155 = tpu.memref_slice %arg10[%dma_wait3A_153, %dma_wait3A_154] : memref<10x128xf32, #tpu.memory_space<vmem>> -> memref<1x128xf32, #tpu.memory_space<vmem>>
      %dma_wait3A_156 = arith.constant 0 : i32
      %dma_wait3A_157 = arith.constant 0 : i32
      %dma_wait3A_158 = tpu.memref_slice %arg6[%dma_wait3A_152, %dma_wait3A_156, %dma_wait3A_157] : memref<200x1x128xi32, #tpu.memory_space<vmem>> -> memref<1x1x128xi32, #tpu.memory_space<vmem>>
      %dma_wait3A_159 = tpu.memref_squeeze %dma_wait3A_158 : memref<1x1x128xi32, #tpu.memory_space<vmem>> -> memref<1x128xi32, #tpu.memory_space<vmem>>
      %dma_wait3A_160 = arith.constant 0 : i32
      %dma_wait3A_161 = arith.constant 0 : i32
      %dma_wait3A_162 = tpu.memref_slice %arg11[%dma_wait3A_160, %dma_wait3A_161] : memref<1x1000448xf32, #tpu.memory_space<vmem_shared>> -> memref<1x1000448xf32, #tpu.memory_space<vmem_shared>>
      tpu.wait_indirect_dma semaphore(%arg15 : memref<!tpu.dma_semaphore, #tpu.memory_space<semaphore_mem>>) src(%dma_wait3A_162 : memref<1x1000448xf32, #tpu.memory_space<vmem_shared>>) dst(%dma_wait3A_155 : memref<1x128xf32, #tpu.memory_space<vmem>>)
      %dma_wait3A_163 = arith.constant 0 : i32
      %dma_wait3A_164 = arith.constant 4 : i32
      %dma_wait3A_165 = arith.constant 0 : i32
      %dma_wait3A_166 = tpu.memref_slice %arg9[%dma_wait3A_164, %dma_wait3A_165] : memref<10x128xf32, #tpu.memory_space<vmem>> -> memref<1x128xf32, #tpu.memory_space<vmem>>
      %dma_wait3A_167 = arith.constant 0 : i32
      %dma_wait3A_168 = arith.constant 0 : i32
      %dma_wait3A_169 = tpu.memref_slice %arg5[%dma_wait3A_163, %dma_wait3A_167, %dma_wait3A_168] : memref<200x1x128xi32, #tpu.memory_space<vmem>> -> memref<1x1x128xi32, #tpu.memory_space<vmem>>
      %dma_wait3A_170 = tpu.memref_squeeze %dma_wait3A_169 : memref<1x1x128xi32, #tpu.memory_space<vmem>> -> memref<1x128xi32, #tpu.memory_space<vmem>>
      %dma_wait3A_171 = arith.constant 0 : i32
      %dma_wait3A_172 = arith.constant 0 : i32
      %dma_wait3A_173 = tpu.memref_slice %arg11[%dma_wait3A_171, %dma_wait3A_172] : memref<1x1000448xf32, #tpu.memory_space<vmem_shared>> -> memref<1x1000448xf32, #tpu.memory_space<vmem_shared>>
      tpu.wait_indirect_dma semaphore(%arg15 : memref<!tpu.dma_semaphore, #tpu.memory_space<semaphore_mem>>) src(%dma_wait3A_173 : memref<1x1000448xf32, #tpu.memory_space<vmem_shared>>) dst(%dma_wait3A_166 : memref<1x128xf32, #tpu.memory_space<vmem>>)
      %dma_wait3A_174 = arith.constant 0 : i32
      %dma_wait3A_175 = arith.constant 4 : i32
      %dma_wait3A_176 = arith.constant 0 : i32
      %dma_wait3A_177 = tpu.memref_slice %arg10[%dma_wait3A_175, %dma_wait3A_176] : memref<10x128xf32, #tpu.memory_space<vmem>> -> memref<1x128xf32, #tpu.memory_space<vmem>>
      %dma_wait3A_178 = arith.constant 0 : i32
      %dma_wait3A_179 = arith.constant 0 : i32
      %dma_wait3A_180 = tpu.memref_slice %arg6[%dma_wait3A_174, %dma_wait3A_178, %dma_wait3A_179] : memref<200x1x128xi32, #tpu.memory_space<vmem>> -> memref<1x1x128xi32, #tpu.memory_space<vmem>>
      %dma_wait3A_181 = tpu.memref_squeeze %dma_wait3A_180 : memref<1x1x128xi32, #tpu.memory_space<vmem>> -> memref<1x128xi32, #tpu.memory_space<vmem>>
      %dma_wait3A_182 = arith.constant 0 : i32
      %dma_wait3A_183 = arith.constant 0 : i32
      %dma_wait3A_184 = tpu.memref_slice %arg11[%dma_wait3A_182, %dma_wait3A_183] : memref<1x1000448xf32, #tpu.memory_space<vmem_shared>> -> memref<1x1000448xf32, #tpu.memory_space<vmem_shared>>
      tpu.wait_indirect_dma semaphore(%arg15 : memref<!tpu.dma_semaphore, #tpu.memory_space<semaphore_mem>>) src(%dma_wait3A_184 : memref<1x1000448xf32, #tpu.memory_space<vmem_shared>>) dst(%dma_wait3A_177 : memref<1x128xf32, #tpu.memory_space<vmem>>)
      %dma_wait3A_185 = arith.constant 0 : i32
      %dma_wait3A_186 = arith.constant 5 : i32
      %dma_wait3A_187 = arith.constant 0 : i32
      %dma_wait3A_188 = tpu.memref_slice %arg9[%dma_wait3A_186, %dma_wait3A_187] : memref<10x128xf32, #tpu.memory_space<vmem>> -> memref<1x128xf32, #tpu.memory_space<vmem>>
      %dma_wait3A_189 = arith.constant 0 : i32
      %dma_wait3A_190 = arith.constant 0 : i32
      %dma_wait3A_191 = tpu.memref_slice %arg5[%dma_wait3A_185, %dma_wait3A_189, %dma_wait3A_190] : memref<200x1x128xi32, #tpu.memory_space<vmem>> -> memref<1x1x128xi32, #tpu.memory_space<vmem>>
      %dma_wait3A_192 = tpu.memref_squeeze %dma_wait3A_191 : memref<1x1x128xi32, #tpu.memory_space<vmem>> -> memref<1x128xi32, #tpu.memory_space<vmem>>
      %dma_wait3A_193 = arith.constant 0 : i32
      %dma_wait3A_194 = arith.constant 0 : i32
      %dma_wait3A_195 = tpu.memref_slice %arg11[%dma_wait3A_193, %dma_wait3A_194] : memref<1x1000448xf32, #tpu.memory_space<vmem_shared>> -> memref<1x1000448xf32, #tpu.memory_space<vmem_shared>>
      tpu.wait_indirect_dma semaphore(%arg15 : memref<!tpu.dma_semaphore, #tpu.memory_space<semaphore_mem>>) src(%dma_wait3A_195 : memref<1x1000448xf32, #tpu.memory_space<vmem_shared>>) dst(%dma_wait3A_188 : memref<1x128xf32, #tpu.memory_space<vmem>>)
      %dma_wait3A_196 = arith.constant 0 : i32
      %dma_wait3A_197 = arith.constant 5 : i32
      %dma_wait3A_198 = arith.constant 0 : i32
      %dma_wait3A_199 = tpu.memref_slice %arg10[%dma_wait3A_197, %dma_wait3A_198] : memref<10x128xf32, #tpu.memory_space<vmem>> -> memref<1x128xf32, #tpu.memory_space<vmem>>
      %dma_wait3A_200 = arith.constant 0 : i32
      %dma_wait3A_201 = arith.constant 0 : i32
      %dma_wait3A_202 = tpu.memref_slice %arg6[%dma_wait3A_196, %dma_wait3A_200, %dma_wait3A_201] : memref<200x1x128xi32, #tpu.memory_space<vmem>> -> memref<1x1x128xi32, #tpu.memory_space<vmem>>
      %dma_wait3A_203 = tpu.memref_squeeze %dma_wait3A_202 : memref<1x1x128xi32, #tpu.memory_space<vmem>> -> memref<1x128xi32, #tpu.memory_space<vmem>>
      %dma_wait3A_204 = arith.constant 0 : i32
      %dma_wait3A_205 = arith.constant 0 : i32
      %dma_wait3A_206 = tpu.memref_slice %arg11[%dma_wait3A_204, %dma_wait3A_205] : memref<1x1000448xf32, #tpu.memory_space<vmem_shared>> -> memref<1x1000448xf32, #tpu.memory_space<vmem_shared>>
      tpu.wait_indirect_dma semaphore(%arg15 : memref<!tpu.dma_semaphore, #tpu.memory_space<semaphore_mem>>) src(%dma_wait3A_206 : memref<1x1000448xf32, #tpu.memory_space<vmem_shared>>) dst(%dma_wait3A_199 : memref<1x128xf32, #tpu.memory_space<vmem>>)
      %dma_wait3A_207 = arith.constant 0 : i32
      %dma_wait3A_208 = arith.constant 6 : i32
      %dma_wait3A_209 = arith.constant 0 : i32
      %dma_wait3A_210 = tpu.memref_slice %arg9[%dma_wait3A_208, %dma_wait3A_209] : memref<10x128xf32, #tpu.memory_space<vmem>> -> memref<1x128xf32, #tpu.memory_space<vmem>>
      %dma_wait3A_211 = arith.constant 0 : i32
      %dma_wait3A_212 = arith.constant 0 : i32
      %dma_wait3A_213 = tpu.memref_slice %arg5[%dma_wait3A_207, %dma_wait3A_211, %dma_wait3A_212] : memref<200x1x128xi32, #tpu.memory_space<vmem>> -> memref<1x1x128xi32, #tpu.memory_space<vmem>>
      %dma_wait3A_214 = tpu.memref_squeeze %dma_wait3A_213 : memref<1x1x128xi32, #tpu.memory_space<vmem>> -> memref<1x128xi32, #tpu.memory_space<vmem>>
      %dma_wait3A_215 = arith.constant 0 : i32
      %dma_wait3A_216 = arith.constant 0 : i32
      %dma_wait3A_217 = tpu.memref_slice %arg11[%dma_wait3A_215, %dma_wait3A_216] : memref<1x1000448xf32, #tpu.memory_space<vmem_shared>> -> memref<1x1000448xf32, #tpu.memory_space<vmem_shared>>
      tpu.wait_indirect_dma semaphore(%arg15 : memref<!tpu.dma_semaphore, #tpu.memory_space<semaphore_mem>>) src(%dma_wait3A_217 : memref<1x1000448xf32, #tpu.memory_space<vmem_shared>>) dst(%dma_wait3A_210 : memref<1x128xf32, #tpu.memory_space<vmem>>)
      %dma_wait3A_218 = arith.constant 0 : i32
      %dma_wait3A_219 = arith.constant 6 : i32
      %dma_wait3A_220 = arith.constant 0 : i32
      %dma_wait3A_221 = tpu.memref_slice %arg10[%dma_wait3A_219, %dma_wait3A_220] : memref<10x128xf32, #tpu.memory_space<vmem>> -> memref<1x128xf32, #tpu.memory_space<vmem>>
      %dma_wait3A_222 = arith.constant 0 : i32
      %dma_wait3A_223 = arith.constant 0 : i32
      %dma_wait3A_224 = tpu.memref_slice %arg6[%dma_wait3A_218, %dma_wait3A_222, %dma_wait3A_223] : memref<200x1x128xi32, #tpu.memory_space<vmem>> -> memref<1x1x128xi32, #tpu.memory_space<vmem>>
      %dma_wait3A_225 = tpu.memref_squeeze %dma_wait3A_224 : memref<1x1x128xi32, #tpu.memory_space<vmem>> -> memref<1x128xi32, #tpu.memory_space<vmem>>
      %dma_wait3A_226 = arith.constant 0 : i32
      %dma_wait3A_227 = arith.constant 0 : i32
      %dma_wait3A_228 = tpu.memref_slice %arg11[%dma_wait3A_226, %dma_wait3A_227] : memref<1x1000448xf32, #tpu.memory_space<vmem_shared>> -> memref<1x1000448xf32, #tpu.memory_space<vmem_shared>>
      tpu.wait_indirect_dma semaphore(%arg15 : memref<!tpu.dma_semaphore, #tpu.memory_space<semaphore_mem>>) src(%dma_wait3A_228 : memref<1x1000448xf32, #tpu.memory_space<vmem_shared>>) dst(%dma_wait3A_221 : memref<1x128xf32, #tpu.memory_space<vmem>>)
      %dma_wait3A_229 = arith.constant 0 : i32
      %dma_wait3A_230 = arith.constant 7 : i32
      %dma_wait3A_231 = arith.constant 0 : i32
      %dma_wait3A_232 = tpu.memref_slice %arg9[%dma_wait3A_230, %dma_wait3A_231] : memref<10x128xf32, #tpu.memory_space<vmem>> -> memref<1x128xf32, #tpu.memory_space<vmem>>
      %dma_wait3A_233 = arith.constant 0 : i32
      %dma_wait3A_234 = arith.constant 0 : i32
      %dma_wait3A_235 = tpu.memref_slice %arg5[%dma_wait3A_229, %dma_wait3A_233, %dma_wait3A_234] : memref<200x1x128xi32, #tpu.memory_space<vmem>> -> memref<1x1x128xi32, #tpu.memory_space<vmem>>
      %dma_wait3A_236 = tpu.memref_squeeze %dma_wait3A_235 : memref<1x1x128xi32, #tpu.memory_space<vmem>> -> memref<1x128xi32, #tpu.memory_space<vmem>>
      %dma_wait3A_237 = arith.constant 0 : i32
      %dma_wait3A_238 = arith.constant 0 : i32
      %dma_wait3A_239 = tpu.memref_slice %arg11[%dma_wait3A_237, %dma_wait3A_238] : memref<1x1000448xf32, #tpu.memory_space<vmem_shared>> -> memref<1x1000448xf32, #tpu.memory_space<vmem_shared>>
      tpu.wait_indirect_dma semaphore(%arg15 : memref<!tpu.dma_semaphore, #tpu.memory_space<semaphore_mem>>) src(%dma_wait3A_239 : memref<1x1000448xf32, #tpu.memory_space<vmem_shared>>) dst(%dma_wait3A_232 : memref<1x128xf32, #tpu.memory_space<vmem>>)
      %dma_wait3A_240 = arith.constant 0 : i32
      %dma_wait3A_241 = arith.constant 7 : i32
      %dma_wait3A_242 = arith.constant 0 : i32
      %dma_wait3A_243 = tpu.memref_slice %arg10[%dma_wait3A_241, %dma_wait3A_242] : memref<10x128xf32, #tpu.memory_space<vmem>> -> memref<1x128xf32, #tpu.memory_space<vmem>>
      %dma_wait3A_244 = arith.constant 0 : i32
      %dma_wait3A_245 = arith.constant 0 : i32
      %dma_wait3A_246 = tpu.memref_slice %arg6[%dma_wait3A_240, %dma_wait3A_244, %dma_wait3A_245] : memref<200x1x128xi32, #tpu.memory_space<vmem>> -> memref<1x1x128xi32, #tpu.memory_space<vmem>>
      %dma_wait3A_247 = tpu.memref_squeeze %dma_wait3A_246 : memref<1x1x128xi32, #tpu.memory_space<vmem>> -> memref<1x128xi32, #tpu.memory_space<vmem>>
      %dma_wait3A_248 = arith.constant 0 : i32
      %dma_wait3A_249 = arith.constant 0 : i32
      %dma_wait3A_250 = tpu.memref_slice %arg11[%dma_wait3A_248, %dma_wait3A_249] : memref<1x1000448xf32, #tpu.memory_space<vmem_shared>> -> memref<1x1000448xf32, #tpu.memory_space<vmem_shared>>
      tpu.wait_indirect_dma semaphore(%arg15 : memref<!tpu.dma_semaphore, #tpu.memory_space<semaphore_mem>>) src(%dma_wait3A_250 : memref<1x1000448xf32, #tpu.memory_space<vmem_shared>>) dst(%dma_wait3A_243 : memref<1x128xf32, #tpu.memory_space<vmem>>)
      %dma_wait3A_251 = arith.constant 0 : i32
      %dma_wait3A_252 = arith.constant 8 : i32
      %dma_wait3A_253 = arith.constant 0 : i32
      %dma_wait3A_254 = tpu.memref_slice %arg9[%dma_wait3A_252, %dma_wait3A_253] : memref<10x128xf32, #tpu.memory_space<vmem>> -> memref<1x128xf32, #tpu.memory_space<vmem>>
      %dma_wait3A_255 = arith.constant 0 : i32
      %dma_wait3A_256 = arith.constant 0 : i32
      %dma_wait3A_257 = tpu.memref_slice %arg5[%dma_wait3A_251, %dma_wait3A_255, %dma_wait3A_256] : memref<200x1x128xi32, #tpu.memory_space<vmem>> -> memref<1x1x128xi32, #tpu.memory_space<vmem>>
      %dma_wait3A_258 = tpu.memref_squeeze %dma_wait3A_257 : memref<1x1x128xi32, #tpu.memory_space<vmem>> -> memref<1x128xi32, #tpu.memory_space<vmem>>
      %dma_wait3A_259 = arith.constant 0 : i32
      %dma_wait3A_260 = arith.constant 0 : i32
      %dma_wait3A_261 = tpu.memref_slice %arg11[%dma_wait3A_259, %dma_wait3A_260] : memref<1x1000448xf32, #tpu.memory_space<vmem_shared>> -> memref<1x1000448xf32, #tpu.memory_space<vmem_shared>>
      tpu.wait_indirect_dma semaphore(%arg15 : memref<!tpu.dma_semaphore, #tpu.memory_space<semaphore_mem>>) src(%dma_wait3A_261 : memref<1x1000448xf32, #tpu.memory_space<vmem_shared>>) dst(%dma_wait3A_254 : memref<1x128xf32, #tpu.memory_space<vmem>>)
      %dma_wait3A_262 = arith.constant 0 : i32
      %dma_wait3A_263 = arith.constant 8 : i32
      %dma_wait3A_264 = arith.constant 0 : i32
      %dma_wait3A_265 = tpu.memref_slice %arg10[%dma_wait3A_263, %dma_wait3A_264] : memref<10x128xf32, #tpu.memory_space<vmem>> -> memref<1x128xf32, #tpu.memory_space<vmem>>
      %dma_wait3A_266 = arith.constant 0 : i32
      %dma_wait3A_267 = arith.constant 0 : i32
      %dma_wait3A_268 = tpu.memref_slice %arg6[%dma_wait3A_262, %dma_wait3A_266, %dma_wait3A_267] : memref<200x1x128xi32, #tpu.memory_space<vmem>> -> memref<1x1x128xi32, #tpu.memory_space<vmem>>
      %dma_wait3A_269 = tpu.memref_squeeze %dma_wait3A_268 : memref<1x1x128xi32, #tpu.memory_space<vmem>> -> memref<1x128xi32, #tpu.memory_space<vmem>>
      %dma_wait3A_270 = arith.constant 0 : i32
      %dma_wait3A_271 = arith.constant 0 : i32
      %dma_wait3A_272 = tpu.memref_slice %arg11[%dma_wait3A_270, %dma_wait3A_271] : memref<1x1000448xf32, #tpu.memory_space<vmem_shared>> -> memref<1x1000448xf32, #tpu.memory_space<vmem_shared>>
      tpu.wait_indirect_dma semaphore(%arg15 : memref<!tpu.dma_semaphore, #tpu.memory_space<semaphore_mem>>) src(%dma_wait3A_272 : memref<1x1000448xf32, #tpu.memory_space<vmem_shared>>) dst(%dma_wait3A_265 : memref<1x128xf32, #tpu.memory_space<vmem>>)
      %dma_wait3A_273 = arith.constant 0 : i32
      %dma_wait3A_274 = arith.constant 9 : i32
      %dma_wait3A_275 = arith.constant 0 : i32
      %dma_wait3A_276 = tpu.memref_slice %arg9[%dma_wait3A_274, %dma_wait3A_275] : memref<10x128xf32, #tpu.memory_space<vmem>> -> memref<1x128xf32, #tpu.memory_space<vmem>>
      %dma_wait3A_277 = arith.constant 0 : i32
      %dma_wait3A_278 = arith.constant 0 : i32
      %dma_wait3A_279 = tpu.memref_slice %arg5[%dma_wait3A_273, %dma_wait3A_277, %dma_wait3A_278] : memref<200x1x128xi32, #tpu.memory_space<vmem>> -> memref<1x1x128xi32, #tpu.memory_space<vmem>>
      %dma_wait3A_280 = tpu.memref_squeeze %dma_wait3A_279 : memref<1x1x128xi32, #tpu.memory_space<vmem>> -> memref<1x128xi32, #tpu.memory_space<vmem>>
      %dma_wait3A_281 = arith.constant 0 : i32
      %dma_wait3A_282 = arith.constant 0 : i32
      %dma_wait3A_283 = tpu.memref_slice %arg11[%dma_wait3A_281, %dma_wait3A_282] : memref<1x1000448xf32, #tpu.memory_space<vmem_shared>> -> memref<1x1000448xf32, #tpu.memory_space<vmem_shared>>
      tpu.wait_indirect_dma semaphore(%arg15 : memref<!tpu.dma_semaphore, #tpu.memory_space<semaphore_mem>>) src(%dma_wait3A_283 : memref<1x1000448xf32, #tpu.memory_space<vmem_shared>>) dst(%dma_wait3A_276 : memref<1x128xf32, #tpu.memory_space<vmem>>)
      %dma_wait3A_284 = arith.constant 0 : i32
      %dma_wait3A_285 = arith.constant 9 : i32
      %dma_wait3A_286 = arith.constant 0 : i32
      %dma_wait3A_287 = tpu.memref_slice %arg10[%dma_wait3A_285, %dma_wait3A_286] : memref<10x128xf32, #tpu.memory_space<vmem>> -> memref<1x128xf32, #tpu.memory_space<vmem>>
      %dma_wait3A_288 = arith.constant 0 : i32
      %dma_wait3A_289 = arith.constant 0 : i32
      %dma_wait3A_290 = tpu.memref_slice %arg6[%dma_wait3A_284, %dma_wait3A_288, %dma_wait3A_289] : memref<200x1x128xi32, #tpu.memory_space<vmem>> -> memref<1x1x128xi32, #tpu.memory_space<vmem>>
      %dma_wait3A_291 = tpu.memref_squeeze %dma_wait3A_290 : memref<1x1x128xi32, #tpu.memory_space<vmem>> -> memref<1x128xi32, #tpu.memory_space<vmem>>
      %dma_wait3A_292 = arith.constant 0 : i32
      %dma_wait3A_293 = arith.constant 0 : i32
      %dma_wait3A_294 = tpu.memref_slice %arg11[%dma_wait3A_292, %dma_wait3A_293] : memref<1x1000448xf32, #tpu.memory_space<vmem_shared>> -> memref<1x1000448xf32, #tpu.memory_space<vmem_shared>>
      tpu.wait_indirect_dma semaphore(%arg15 : memref<!tpu.dma_semaphore, #tpu.memory_space<semaphore_mem>>) src(%dma_wait3A_294 : memref<1x1000448xf32, #tpu.memory_space<vmem_shared>>) dst(%dma_wait3A_287 : memref<1x128xf32, #tpu.memory_space<vmem>>)
      %add3A_295 = arith.constant 128 : i32
      %add3A_296 = arith.addi %mul3A_0, %add3A_295 : i32
      %dma_start3A_297 = arith.constant 190 : i32
      %dma_start3A_298 = tpu.memref_slice %arg4[%dma_start3A_297, %add3A_60, %mul3A_0] : memref<200x64x4096xf32, #tpu.memory_space<hbm>> -> memref<10x1x128xf32, #tpu.memory_space<hbm>>
      %dma_start3A_299 = tpu.memref_squeeze %dma_start3A_298 : memref<10x1x128xf32, #tpu.memory_space<hbm>> -> memref<10x128xf32, #tpu.memory_space<hbm>>
      %dma_start3A_300 = arith.constant 190 : i32
      %dma_start3A_301 = tpu.memref_slice %arg4[%dma_start3A_300, %add3A_60, %mul3A_0] : memref<200x64x4096xf32, #tpu.memory_space<hbm>> -> memref<10x1x128xf32, #tpu.memory_space<hbm>>
      %dma_start3A_302 = tpu.memref_squeeze %dma_start3A_301 : memref<10x1x128xf32, #tpu.memory_space<hbm>> -> memref<10x128xf32, #tpu.memory_space<hbm>>
      tpu.enqueue_dma source(%arg9 : memref<10x128xf32, #tpu.memory_space<vmem>>) target(%dma_start3A_302 : memref<10x128xf32, #tpu.memory_space<hbm>>) target_semaphore(%arg16 : memref<!tpu.dma_semaphore, #tpu.memory_space<semaphore_mem>>)
      %dma_start3A_303 = arith.constant 190 : i32
      %dma_start3A_304 = tpu.memref_slice %arg4[%dma_start3A_303, %add3A_60, %add3A_296] : memref<200x64x4096xf32, #tpu.memory_space<hbm>> -> memref<10x1x128xf32, #tpu.memory_space<hbm>>
      %dma_start3A_305 = tpu.memref_squeeze %dma_start3A_304 : memref<10x1x128xf32, #tpu.memory_space<hbm>> -> memref<10x128xf32, #tpu.memory_space<hbm>>
      %dma_start3A_306 = arith.constant 190 : i32
      %dma_start3A_307 = tpu.memref_slice %arg4[%dma_start3A_306, %add3A_60, %add3A_296] : memref<200x64x4096xf32, #tpu.memory_space<hbm>> -> memref<10x1x128xf32, #tpu.memory_space<hbm>>
      %dma_start3A_308 = tpu.memref_squeeze %dma_start3A_307 : memref<10x1x128xf32, #tpu.memory_space<hbm>> -> memref<10x128xf32, #tpu.memory_space<hbm>>
      tpu.enqueue_dma source(%arg10 : memref<10x128xf32, #tpu.memory_space<vmem>>) target(%dma_start3A_308 : memref<10x128xf32, #tpu.memory_space<hbm>>) target_semaphore(%arg16 : memref<!tpu.dma_semaphore, #tpu.memory_space<semaphore_mem>>)
      %add3A_309 = arith.constant 128 : i32
      %add3A_310 = arith.addi %mul3A_0, %add3A_309 : i32
      %dma_wait3A_311 = arith.constant 180 : i32
      %dma_wait3A_312 = tpu.memref_slice %arg4[%dma_wait3A_311, %add3A_60, %mul3A_0] : memref<200x64x4096xf32, #tpu.memory_space<hbm>> -> memref<10x1x128xf32, #tpu.memory_space<hbm>>
      %dma_wait3A_313 = tpu.memref_squeeze %dma_wait3A_312 : memref<10x1x128xf32, #tpu.memory_space<hbm>> -> memref<10x128xf32, #tpu.memory_space<hbm>>
      %dma_wait3A_314 = arith.constant 180 : i32
      %dma_wait3A_315 = tpu.memref_slice %arg4[%dma_wait3A_314, %add3A_60, %mul3A_0] : memref<200x64x4096xf32, #tpu.memory_space<hbm>> -> memref<10x1x128xf32, #tpu.memory_space<hbm>>
      %dma_wait3A_316 = tpu.memref_squeeze %dma_wait3A_315 : memref<10x1x128xf32, #tpu.memory_space<hbm>> -> memref<10x128xf32, #tpu.memory_space<hbm>>
      tpu.wait_dma2 semaphore(%arg16 : memref<!tpu.dma_semaphore, #tpu.memory_space<semaphore_mem>>) src(%arg7 : memref<10x128xf32, #tpu.memory_space<vmem>>) dst(%dma_wait3A_316 : memref<10x128xf32, #tpu.memory_space<hbm>>)
      %dma_wait3A_317 = arith.constant 180 : i32
      %dma_wait3A_318 = tpu.memref_slice %arg4[%dma_wait3A_317, %add3A_60, %add3A_310] : memref<200x64x4096xf32, #tpu.memory_space<hbm>> -> memref<10x1x128xf32, #tpu.memory_space<hbm>>
      %dma_wait3A_319 = tpu.memref_squeeze %dma_wait3A_318 : memref<10x1x128xf32, #tpu.memory_space<hbm>> -> memref<10x128xf32, #tpu.memory_space<hbm>>
      %dma_wait3A_320 = arith.constant 180 : i32
      %dma_wait3A_321 = tpu.memref_slice %arg4[%dma_wait3A_320, %add3A_60, %add3A_310] : memref<200x64x4096xf32, #tpu.memory_space<hbm>> -> memref<10x1x128xf32, #tpu.memory_space<hbm>>
      %dma_wait3A_322 = tpu.memref_squeeze %dma_wait3A_321 : memref<10x1x128xf32, #tpu.memory_space<hbm>> -> memref<10x128xf32, #tpu.memory_space<hbm>>
      tpu.wait_dma2 semaphore(%arg16 : memref<!tpu.dma_semaphore, #tpu.memory_space<semaphore_mem>>) src(%arg8 : memref<10x128xf32, #tpu.memory_space<vmem>>) dst(%dma_wait3A_322 : memref<10x128xf32, #tpu.memory_space<hbm>>)
      %add3A_323 = arith.constant 128 : i32
      %add3A_324 = arith.addi %mul3A_0, %add3A_323 : i32
      %dma_wait3A_325 = arith.constant 190 : i32
      %dma_wait3A_326 = tpu.memref_slice %arg4[%dma_wait3A_325, %add3A_60, %mul3A_0] : memref<200x64x4096xf32, #tpu.memory_space<hbm>> -> memref<10x1x128xf32, #tpu.memory_space<hbm>>
      %dma_wait3A_327 = tpu.memref_squeeze %dma_wait3A_326 : memref<10x1x128xf32, #tpu.memory_space<hbm>> -> memref<10x128xf32, #tpu.memory_space<hbm>>
      %dma_wait3A_328 = arith.constant 190 : i32
      %dma_wait3A_329 = tpu.memref_slice %arg4[%dma_wait3A_328, %add3A_60, %mul3A_0] : memref<200x64x4096xf32, #tpu.memory_space<hbm>> -> memref<10x1x128xf32, #tpu.memory_space<hbm>>
      %dma_wait3A_330 = tpu.memref_squeeze %dma_wait3A_329 : memref<10x1x128xf32, #tpu.memory_space<hbm>> -> memref<10x128xf32, #tpu.memory_space<hbm>>
      tpu.wait_dma2 semaphore(%arg16 : memref<!tpu.dma_semaphore, #tpu.memory_space<semaphore_mem>>) src(%arg9 : memref<10x128xf32, #tpu.memory_space<vmem>>) dst(%dma_wait3A_330 : memref<10x128xf32, #tpu.memory_space<hbm>>)
      %dma_wait3A_331 = arith.constant 190 : i32
      %dma_wait3A_332 = tpu.memref_slice %arg4[%dma_wait3A_331, %add3A_60, %add3A_324] : memref<200x64x4096xf32, #tpu.memory_space<hbm>> -> memref<10x1x128xf32, #tpu.memory_space<hbm>>
      %dma_wait3A_333 = tpu.memref_squeeze %dma_wait3A_332 : memref<10x1x128xf32, #tpu.memory_space<hbm>> -> memref<10x128xf32, #tpu.memory_space<hbm>>
      %dma_wait3A_334 = arith.constant 190 : i32
      %dma_wait3A_335 = tpu.memref_slice %arg4[%dma_wait3A_334, %add3A_60, %add3A_324] : memref<200x64x4096xf32, #tpu.memory_space<hbm>> -> memref<10x1x128xf32, #tpu.memory_space<hbm>>
      %dma_wait3A_336 = tpu.memref_squeeze %dma_wait3A_335 : memref<10x1x128xf32, #tpu.memory_space<hbm>> -> memref<10x128xf32, #tpu.memory_space<hbm>>
      tpu.wait_dma2 semaphore(%arg16 : memref<!tpu.dma_semaphore, #tpu.memory_space<semaphore_mem>>) src(%arg10 : memref<10x128xf32, #tpu.memory_space<vmem>>) dst(%dma_wait3A_336 : memref<10x128xf32, #tpu.memory_space<hbm>>)
      %barrier3A_337 = arith.constant 0 : index
      tpu.barrier barrier_id(%barrier3A_337)
    }
    %scan3A_56 = arith.constant 32 : i32
    return
  }
}

</mosaic_0001>

<sc_bundles>
// kernel: kernel.3.cloned.1.call-start
scs
__scs_entry_jumppad:
0x0: {  	(pc) =	sbr.rel $0x88, $3  }
0x1: {  	(tag) =	ssettag $0x0;
	lr =	simm.s32 $0x1  }
0x2: {  	[smem:$0x3F9F] =	sst lr;
	_ =	strace $0xD0000000  }
0x3: {  	_ = 	snop  }
0x4: {  	_ = 	snop  }
0x5: {  	_ = 	snop  }
0x6: {  	_ = 	snop  }
0x7: {  	_ = 	snop  }
__scs_overlays_trampoline_lowered:
0x8: {  	[smem:$0x3FAE] =	sst s0  }
0x9: {  	[smem:$0x3FAF] =	sst s1  }
0xa: {  	[smem:$0x3FB0] =	sst s2  }
0xb: {  	[smem:$0x3FB1] =	sst s3  }
0xc: {  	[smem:$0x3FB2] =	sst s4  }
0xd: {  	[smem:$0x3FB3] =	sst s5  }
0xe: {  	[smem:$0x3FB4] =	sst s6  }
0xf: {  	[smem:$0x3FB5] =	sst s7  }
0x10: {  	[smem:$0x3FB6] =	sst s8  }
0x11: {  	[smem:$0x3FB7] =	sst s9;
	s0 =	simm.s32 @!p0 $0x0  }
0x12: {  	s1 =	sld [smem:$0x3F9D];
	s0 =	simm.s32 @p0 $0x1  }
0x13: {  	[smem:$0x3FB8] =	sst s0;
	s0 =	simm.s32 @!p1 $0x0  }
0x14: {  	s2 =	sld [smem:$0x3F9C];
	s0 =	simm.s32 @p1 $0x1  }
0x15: {  	[smem:$0x3FB9] =	sst s0;
	s0 =	simm.s32 @!p2 $0x0  }
0x16: {  	s3 =	sld [smem:$0x3FDB];
	s0 =	simm.s32 @p2 $0x1  }
0x17: {  	s4 =	simm.s32 $0x1BF5;
	[smem:$0x3FBB] =	sst s0  }
0x18: {  	s0 =	sld [smem:$0x3F9E];
	_ =	swait.ge [sflag:s4], $0x0  }
0x19: {  	s7 =	sld [smem:$0x3F9F]  }
0x1a: {  	s8 =	sadd.s32 $0xFFFFE003, lr  }
0x1b: {  	s9 =	sadd.s32 $0xFFFFFEF7, lr;
	s5 =	simm.s32 $0xFFFFFFFF;
	p2 =	slt.u32 s8, $0xFFFFF086  }
0x1c: {  	p1 =	slt.u32 s9, $0xF7A;
	s5 =	simm.s32 @!p2 $0x0  }
0x1d: {  	s5 =	simm.s32 @p1 $0x1;
	p0 =	seq.s32 s7, s2  }
0x1e: {  	s7 =	smul.u32 @!p0 $0xF7A, s2;
	p2 =	seq.s32 @!p0 s5, $0x0  }
0x1f: {  	s9 =	smul.u32 $0xF7A, s1;
	s8 =	simm.s32 @!p0 $0x1BF5;
	p2 =	por !p2, p0  }
0x20: {  	[sflag:s8] =	ssyncset.s32 @!p0 $0xFFFFF086;
	s6 =	sadd.s32 @!p0 s3, s7;
	s7 =	simm.s32 @!p0 $0x108  }
0x21: {  	s3 =	sadd.s32 s3, s9;
	s6 =	sadd.s32 @!p0 $0x88, s6;
	s7 =	simm.s32 @p2 $0x1082  }
0x22: {  	[simem:s7], [sflag:s8] =	dma.local @!p0 [hbm:s6], $0xF7A  }
0x23: {  	s9 =	sor.u32 $0xD0000000, s2;
	s6 =	simm.s32 $0x108;
	_ =	swait.ge @!p0 [sflag:s8], $0x0  }
0x24: {  	s3 =	sadd.s32 $0x88, s3;
	s6 =	simm.s32 @!p1 $0x1082;
	[sflag:s4] =	ssyncset.s32 $0xFFFFF086  }
0x25: {  	[simem:s6], [sflag:s4] =	dma.local [hbm:s3], $0xF7A  }
0x26: {  	[smem:$0x3F9F] =	sst s1;
	(tag) =	ssettag s2;
	_ =	strace s9  }
0x27: {  	s1 =	sld [smem:$0x3FAF]  }
0x28: {  	s2 =	sld [smem:$0x3FB0]  }
0x29: {  	s4 =	sld [smem:$0x3FB2]  }
0x2a: {  	p0 =	seq.s32 s5, $0x0;
	s5 =	sld [smem:$0x3FB3]  }
0x2b: {  	s6 =	sld [smem:$0x3FB4]  }
0x2c: {  	s7 =	sld [smem:$0x3FB5]  }
0x2d: {  	s3 =	simm.s32 $0x108;
	s8 =	sld [smem:$0x3FB6]  }
0x2e: {  	s3 =	simm.s32 @!p0 $0x1082;
	s9 =	sld [smem:$0x3FB7]  }
0x2f: {  	lr =	sadd.s32 s0, s3;
	s0 =	sld [smem:$0x3FAE]  }
0x30: {  	s3 =	sld [smem:$0x3FB1]  }
0x31: {  	[smem:$0x3FBA] =	sst s10  }
0x32: {  	s10 =	sld [smem:$0x3FB8];
	_ =	sdelay $0x3  }
0x33: {  	p0 =	seq.s32 s10, $0x1;
	s10 =	sld [smem:$0x3FBA];
	_ =	sdelay $0x3  }
0x34: {  	[smem:$0x3FBA] =	sst s10  }
0x35: {  	s10 =	sld [smem:$0x3FB9];
	_ =	sdelay $0x3  }
0x36: {  	p1 =	seq.s32 s10, $0x1;
	s10 =	sld [smem:$0x3FBA];
	_ =	sdelay $0x3  }
0x37: {  	[smem:$0x3FBA] =	sst s10  }
0x38: {  	s10 =	sld [smem:$0x3FBB]  }
0x39: {  	_ = 	snop;
	(pc) =	sbr.ind lr, $3  }
0x3a: {  	_ = 	snop  }
0x3b: {  	_ = 	snop  }
0x3c: {  	p2 =	seq.s32 s10, $0x1;
	s10 =	sld [smem:$0x3FBA]  }
0x3d: {  	_ =	shalt  }
0x3e: {  	_ =	shalt  }
0x3f: {  	_ =	shalt  }
0x40: {  	_ =	shalt  }
0x41: {  	_ =	shalt  }
0x42: {  	_ =	shalt  }
0x43: {  	_ =	shalt  }
0x44: {  	_ =	shalt  }
0x45: {  	_ =	shalt  }
0x46: {  	_ =	shalt  }
0x47: {  	_ =	shalt  }
0x48: {  	_ =	shalt  }
0x49: {  	_ =	shalt  }
0x4a: {  	_ =	shalt  }
0x4b: {  	_ =	shalt  }
0x4c: {  	_ =	shalt  }
0x4d: {  	_ =	shalt  }
0x4e: {  	_ =	shalt  }
0x4f: {  	_ =	shalt  }
0x50: {  	_ =	shalt  }
0x51: {  	_ =	shalt  }
0x52: {  	_ =	shalt  }
0x53: {  	_ =	shalt  }
0x54: {  	_ =	shalt  }
0x55: {  	_ =	shalt  }
0x56: {  	_ =	shalt  }
0x57: {  	_ =	shalt  }
0x58: {  	_ =	shalt  }
0x59: {  	_ =	shalt  }
0x5a: {  	_ =	shalt  }
0x5b: {  	_ =	shalt  }
0x5c: {  	_ =	shalt  }
0x5d: {  	_ =	shalt  }
0x5e: {  	_ =	shalt  }
0x5f: {  	_ =	shalt  }
0x60: {  	_ =	shalt  }
0x61: {  	_ =	shalt  }
0x62: {  	_ =	shalt  }
0x63: {  	_ =	shalt  }
0x64: {  	_ =	shalt  }
0x65: {  	_ =	shalt  }
0x66: {  	_ =	shalt  }
0x67: {  	_ =	shalt  }
0x68: {  	_ =	shalt  }
0x69: {  	_ =	shalt  }
0x6a: {  	_ =	shalt  }
0x6b: {  	_ =	shalt  }
0x6c: {  	_ =	shalt  }
0x6d: {  	_ =	shalt  }
0x6e: {  	_ =	shalt  }
0x6f: {  	_ =	shalt  }
0x70: {  	_ =	shalt  }
0x71: {  	_ =	shalt  }
0x72: {  	_ =	shalt  }
0x73: {  	_ =	shalt  }
0x74: {  	_ =	shalt  }
0x75: {  	_ =	shalt  }
0x76: {  	_ =	shalt  }
0x77: {  	_ =	shalt  }
0x78: {  	_ =	shalt  }
0x79: {  	_ =	shalt  }
0x7a: {  	_ =	shalt  }
0x7b: {  	_ =	shalt  }
0x7c: {  	_ =	shalt  }
0x7d: {  	_ =	shalt  }
0x7e: {  	_ =	shalt  }
0x7f: {  	_ =	shalt  }
0x80: {  	_ =	shalt  }
0x81: {  	_ =	shalt  }
0x82: {  	_ =	shalt  }
0x83: {  	_ =	shalt  }
0x84: {  	_ =	shalt  }
0x85: {  	_ =	shalt  }
0x86: {  	_ =	shalt  }
0x87: {  	_ =	shalt  }
.Lfunc_end0:
.L_simem_size_0:
called_computation.1_lowered:
.L_overlay_start_0:
0x88: {  	s2 =	sld [smem:$0x3FD9]  }
0x89: {  	s3 =	sld [smem:$0x3FFE];
	_ =	sdelay $0x1  }
0x8a: {  	s1 =	srdreg.scid  }
0x8b: {  	s0 =	sand.u32 $0x1, s1  }
0x8c: {  	s17 =	sshll.u32 s0, $0xA;
	s2 =	sadd.s32 s3, s2  }
0x8d: {  	s2 =	sadd.s32 s2, s17  }
0x8e: {  	[smem:$0x3FC6] =	sst s2  }
0x8f: {  	_ = 	snop  }
0x90: {  	s2 =	sld [smem:$0x3FC9]  }
0x91: {  	s18 =	sld [smem:$0x3FD0];
	(tm) =	ssettm $0x1  }
0x92: {  	s4 =	sld [smem:$0x3FFB];
	_ =	sdelay $0x3  }
0x93: {  	_ =	strace s4  }
0x94: {  	s4 =	sld [smem:$0x3FFC];
	_ =	sdelay $0x3  }
0x95: {  	_ =	strace s4  }
0x96: {  	s4 =	sld [smem:$0x3FFD];
	_ =	sdelay $0x3  }
0x97: {  	_ =	strace s4  }
0x98: {  	_ =	strace $0x8FFFFFFF  }
0x99: {  	s19 =	sld [smem:$0x3FDB];
	_ =	sdelay $0x1  }
0x9a: {  	s5 =	simm.s32 $_scs_section_size  }
0x9b: {  	s6 =	simm.s32 $_size__tile_overlayer_lowered;
	s7 =	simm.s32 $_tile_overlayer_lowered  }
0x9c: {  	s22 =	simm.s32 $0x1BFF;
	s21 =	sshll.u32 s7, $0x1;
	s4 =	sadd.s32 s5, s19  }
0x9d: {  	s8 =	simm.s32 $0x0;
	s20 =	sshll.u32 s6, $0x1;
	s6 =	sadd.s32 s21, s4  }
0x9e: {  	[timem:s8], [sflag:s22] =	dma.local [hbm:s6], s20  }
0x9f: {  	_ =	swait.ge [sflag:s22], s20  }
0xa0: {  	s5 =	ssub.s32 $0x0, s20;
	[sflag:s22] =	ssyncset.done $0x0  }
0xa1: {  	[sflag:s22] =	ssyncadd.s32 s5;
	_ =	sdelay $0x1  }
0xa2: {  	s23 =	simm.s32 $0x1B8B  }
0xa3: {  	_ =	swait.ge [sflag:s23], $0x1  }
0xa4: {  	[sflag:s23] =	ssyncset.done $0x0  }
0xa5: {  	s25 =	simm.s32 $0x1B8E;
	s24 =	sld [smem:$0x3FFE];
	[sflag:s23] =	ssyncadd.s32 $0xFFFFFFFF  }
0xa6: {  	s26 =	simm.s32 $execute0_lowered;
	[smem:$0x3FD2] =	sst s25  }
0xa7: {  	s6 =	sshll.u32 s26, $0x1;
	_ =	strace $0x80000049;
	[dreg:$0x1] =	wrdreg $0xFFFFFFFF  }
0xa8: {  	s28 =	simm.s32 $_size_execute0_lowered;
	s4 =	sadd.s32 s4, s6;
	[dreg:$0x0] =	wrdreg $0x0  }
0xa9: {  	s6 =	sshll.u32 s28, $0x1;
	[dreg:$0x2] =	wrdreg s4  }
0xaa: {  	[dreg:$0x3] =	wrdreg s6  }
0xab: {  	[dreg:$0x4] =	wrdreg $0xC0  }
0xac: {  	_ =	task [dreg:s8], $0x5FFFF  }
0xad: {  	[dreg:$0x1] =	wrdreg $0xFFFFFFFF  }
0xae: {  	[dreg:$0x0] =	wrdreg $0x60  }
0xaf: {  	[dreg:$0x2] =	wrdreg s2  }
0xb0: {  	[dreg:$0x3] =	wrdreg s24  }
0xb1: {  	[dreg:$0x4] =	wrdreg s18  }
0xb2: {  	[dreg:$0x5] =	wrdreg $0xE8000  }
0xb3: {  	[dreg:$0x6] =	wrdreg $0x9  }
0xb4: {  	_ =	task.clear_ibuf [dreg:s8], $0x7FFFF;
	_ =	strace $0x90000049  }
0xb5: {  	s29 =	simm.s32 $0x9;
	_ =	strace $0x8000004B  }
0xb6: {  	_ =	swait.ge [sflag:s29], $0x1  }
0xb7: {  	[sflag:s29] =	ssyncadd.s32 $0xFFFFFFFF  }
0xb8: {  	_ =	strace $0x9000004B  }
0xb9: {  	_ =	sfence  }
0xba: {  	s30 =	sld [smem:$0x0];
	_ =	sdelay $0x2  }
0xbb: {  	s31 =	sshll.u32 s1, $0xD;
	s1 =	sshrl.u32 s1, $0x2  }
0xbc: {  	s3 =	sand.u32 $0x4000, s31;
	s1 =	sadd.s32 s1, s30  }
0xbd: {  	s0 =	sor.u32 s3, s0;
	s1 =	sshll.u32 s1, $0x11  }
0xbe: {  	s0 =	sor.u32 s1, s0  }
0xbf: {  	s0 =	sadd.s32 $0x8F2B, s0  }
0xc0: {  	[sflag:s0] =	ssyncadd.remote.s32 $0x1  }
0xc1: {  	_ =	sfence.sel $0xFFFF  }
0xc2: {  	[dreg:$0x0] =	wrdreg $0xFFFFFFFF;
	(pc) =	sbr.abs _section_cstart, $3  }
0xc3: {  	[dreg:$0x1] =	wrdreg $0xFFFFFFFF  }
0xc4: {  	_ =	task.clear_ibuf [dreg:s8], $0x2FFFF;
	_ =	strace $0x9FFFFFFF  }
0xc5: {  	(tm) =	ssettm $0x7FFFFFFF  }
tec
execute0_lowered:
.L_overlay_start_1:
0x0: {  	(tag) =	ssettag $0x1  }
0x1: {  	s0 =	rddreg [dreg:$0x0]  }
0x2: {  	s3 =	rddreg [dreg:$0x1]  }
0x3: {  	s1 =	rddreg [dreg:$0x2]  }
0x4: {  	s2 =	rddreg [dreg:$0x3];
	s5 =	simm.s32 $0x0;
	s4 =	srdreg.scid  }
0x5: {  	s8 =	stileid.u32;
	s10 =	simm.s32 $0xD800;
	s11 =	simm.s32 $0xE000  }
0x6: {  	s28 =	simm.s32 $0xE280;
	s29 =	simm.s32 $0xDB00;
	s30 =	simm.s32 $0xE300  }
0x7: {  	s31 =	simm.s32 $0xDB80;
	s16 =	simm.s32 $0xDC80;
	s9 =	simm.s32 $0x3  }
0x8: {  	s14 =	simm.s32 $0x40000;
	s15 =	simm.s32 $0x4;
	s12 =	simm.s32 $0x5  }
0x9: {  	[smem:$0x7FF] =	sst s5;
	s4 =	sand.u32 $0x1, s4;
	s3 =	sadd.s32 $0xF43C00, s3  }
0xa: {  	s19 =	sshll.u32 s8, $0xB;
	s6 =	sshll.u32 s8, $0x8;
	s7 =	smul.u32 $0x3D000, s8  }
0xb: {  	s25 =	smul.u32 $0x1E8, s8;
	s5 =	sadd.s32 $0xE4C00, s2;
	p0 =	seq.s32 s8, $0xF  }
0xc: {  	_ =	strace $0x8000004A;
	s17 =	ssub.s32 $0x2, s4;
	[dreg:$0x5] =	wrdreg s3  }
0xd: {  	s20 =	sor.u32 $0x400, s19;
	s21 =	sadd.s32 s0, s6;
	[dreg:$0x6] =	wrdreg s19  }
0xe: {  	s23 =	sshll.u32 s4, $0x5;
	s26 =	sshll.u32 s4, $0x11;
	[dreg:$0x8] =	wrdreg s21  }
0xf: {  	s4 =	simm.s32 $0xDC00;
	s6 =	simm.s32 $0x0;
	[dreg:$0xa] =	wrdreg s23  }
0x10: {  	s18 =	sshrl.u32 s17, $0x1;
	s22 =	sshrl.u32 s20, $0x3;
	[dreg:$0xb] =	wrdreg s25  }
0x11: {  	s24 =	sshrl.u32 s7, $0x2;
	[dreg:$0xd] =	wrdreg s26;
	s21 =	simm.s32 $0x80  }
0x12: {  	s23 =	simm.s32 $0xD000;
	s26 =	simm.s32 $0xDA80;
	[dreg:$0x7] =	wrdreg s20  }
0x13: {  	s3 =	ssub.s32 s17, s18;
	s0 =	sadd.s32 s0, s22;
	s22 =	simm.s32 $0xC800  }
.Ltmp0:
0x14: {  	[dreg:$0x9] =	wrdreg s0;
	s3 =	smax.u32 s3, $0x1;
	(pc) =	sbr.rel .LBB2_1-.Ltmp0, $4  }
0x15: {  	s0 =	sadd.s32 s24, s2;
	[dreg:$0xc] =	wrdreg s3;
	s3 =	sshrl.u32 @p0 s5, $0x3  }
0x16: {  	s0 =	sshrl.u32 @!p0 s0, $0x3;
	[dreg:$0xe] =	wrdreg s3;
	s3 =	sshll.u32 @!p0 s8, $0x6  }
0x17: {  	[dreg:$0x10] =	wrdreg s0;
	s0 =	simm.s32 $0xE380;
	s3 =	sor.u32 @!p0 $0x1C02, s3  }
0x18: {  	s8 =	simm.s32 $0xE480;
	[dreg:$0xf] =	wrdreg s3;
	s3 =	simm.s32 $0xE400  }
.LBB2_7:
0x19: {  	s6 =	rddreg [dreg:$0x11]  }
0x1a: {  	s5 =	rddreg [dreg:$0xc];
	s6 =	sadd.s32 $0x1, s6  }
0x1b: {  	p1 =	sne.s32 s6, s5  }
.Ltmp1:
0x1c: {  	_ = 	snop;
	(pc) =	sbr.rel @!p1 .LBB2_8-.Ltmp1, $1  }
0x1d: {  	_ =	sdelay $0x3  }
.LBB2_1:
0x1e: {  	[dreg:$0x11] =	wrdreg s6;
	s5 =	simm.s32 $0x0  }
0x1f: {  	s17 =	rddreg [dreg:$0x8];
	s7 =	simm.s32 $0x400;
	s13 =	simm.s32 $0x8000  }
0x20: {  	[tilespmem:s5], [sflag:$0x1] =	stream.strided.gather [hbm4b:s17+s7], $0x6400, s13, s7, $0x38;
	[tilespmem:$0x1DC40] =	vst v63  }
0x21: {  	s18 =	rddreg [dreg:$0x9];
	s24 =	simm.s32 $0x6400;
	s25 =	simm.s32 $0x1  }
0x22: {  	[tilespmem:s24], [sflag:$0x1] =	stream.strided.gather [hbm4b:s18+s7], $0x6400, s13, s7, $0x38;
	[tilespmem:$0x1DC40] =	vst v63  }
0x23: {  	_ =	swait.ge [sflag:s25], $0x6400  }
.Ltmp2:
0x24: {  	[sflag:s25] =	ssyncset.done $0x0;
	(pc) =	sbr.rel .LBB2_2-.Ltmp2, $4  }
0x25: {  	[sflag:s25] =	ssyncadd.s32 $0xFFFF9C00  }
0x26: {  	_ =	swait.ge [sflag:s25], $0x6400  }
0x27: {  	s18 =	simm.s32 $0x0;
	[sflag:s25] =	ssyncset.done $0x0  }
0x28: {  	s24 =	rddreg [dreg:$0xd];
	[sflag:s25] =	ssyncadd.s32 $0xFFFF9C00;
	s25 =	simm.s32 $0x0  }
.LBB2_6:
0x29: {  	_ =	swait.ge [sflag:s15], $0x80  }
0x2a: {  	[sflag:s15] =	ssyncset.done $0x0  }
0x2b: {  	[sflag:s15] =	ssyncadd.s32 $0xFFFFFF80  }
0x2c: {  	_ =	swait.ge [sflag:s15], $0x80  }
0x2d: {  	[sflag:s15] =	ssyncset.done $0x0  }
0x2e: {  	[sflag:s15] =	ssyncadd.s32 $0xFFFFFF80  }
0x2f: {  	_ =	swait.ge [sflag:s15], $0x80  }
0x30: {  	[sflag:s15] =	ssyncset.done $0x0  }
0x31: {  	[sflag:s15] =	ssyncadd.s32 $0xFFFFFF80  }
0x32: {  	_ =	swait.ge [sflag:s15], $0x80  }
0x33: {  	[sflag:s15] =	ssyncset.done $0x0  }
0x34: {  	[sflag:s15] =	ssyncadd.s32 $0xFFFFFF80  }
0x35: {  	_ =	swait.ge [sflag:s15], $0x80  }
0x36: {  	[sflag:s15] =	ssyncset.done $0x0  }
0x37: {  	[sflag:s15] =	ssyncadd.s32 $0xFFFFFF80  }
0x38: {  	_ =	swait.ge [sflag:s15], $0x80  }
0x39: {  	[sflag:s15] =	ssyncset.done $0x0  }
0x3a: {  	[sflag:s15] =	ssyncadd.s32 $0xFFFFFF80  }
0x3b: {  	_ =	swait.ge [sflag:s15], $0x80  }
0x3c: {  	[sflag:s15] =	ssyncset.done $0x0  }
0x3d: {  	[sflag:s15] =	ssyncadd.s32 $0xFFFFFF80  }
0x3e: {  	_ =	swait.ge [sflag:s15], $0x80  }
0x3f: {  	[sflag:s15] =	ssyncset.done $0x0  }
0x40: {  	[sflag:s15] =	ssyncadd.s32 $0xFFFFFF80  }
0x41: {  	_ =	swait.ge [sflag:s15], $0x80  }
0x42: {  	[sflag:s15] =	ssyncset.done $0x0  }
0x43: {  	[sflag:s15] =	ssyncadd.s32 $0xFFFFFF80  }
0x44: {  	_ =	swait.ge [sflag:s15], $0x80  }
0x45: {  	[sflag:s15] =	ssyncset.done $0x0  }
0x46: {  	[sflag:s15] =	ssyncadd.s32 $0xFFFFFF80  }
0x47: {  	_ =	swait.ge [sflag:s15], $0x80  }
0x48: {  	[sflag:s15] =	ssyncset.done $0x0  }
0x49: {  	[sflag:s15] =	ssyncadd.s32 $0xFFFFFF80  }
0x4a: {  	_ =	swait.ge [sflag:s15], $0x80  }
0x4b: {  	[sflag:s15] =	ssyncset.done $0x0  }
0x4c: {  	[sflag:s15] =	ssyncadd.s32 $0xFFFFFF80  }
0x4d: {  	_ =	swait.ge [sflag:s15], $0x80  }
0x4e: {  	[sflag:s15] =	ssyncset.done $0x0  }
0x4f: {  	[sflag:s15] =	ssyncadd.s32 $0xFFFFFF80  }
0x50: {  	_ =	swait.ge [sflag:s15], $0x80  }
0x51: {  	[sflag:s15] =	ssyncset.done $0x0  }
0x52: {  	[sflag:s15] =	ssyncadd.s32 $0xFFFFFF80  }
0x53: {  	_ =	swait.ge [sflag:s15], $0x80  }
0x54: {  	[sflag:s15] =	ssyncset.done $0x0  }
0x55: {  	[sflag:s15] =	ssyncadd.s32 $0xFFFFFF80  }
0x56: {  	_ =	swait.ge [sflag:s15], $0x80  }
0x57: {  	[sflag:s15] =	ssyncset.done $0x0  }
0x58: {  	[sflag:s15] =	ssyncadd.s32 $0xFFFFFF80  }
0x59: {  	_ =	swait.ge [sflag:s15], $0x80  }
0x5a: {  	[sflag:s15] =	ssyncset.done $0x0  }
0x5b: {  	[sflag:s15] =	ssyncadd.s32 $0xFFFFFF80  }
0x5c: {  	_ =	swait.ge [sflag:s15], $0x80  }
0x5d: {  	[sflag:s15] =	ssyncset.done $0x0  }
0x5e: {  	[sflag:s15] =	ssyncadd.s32 $0xFFFFFF80  }
0x5f: {  	_ =	swait.ge [sflag:s15], $0x80  }
0x60: {  	[sflag:s15] =	ssyncset.done $0x0  }
0x61: {  	s5 =	rddreg [dreg:$0x15];
	[sflag:s15] =	ssyncadd.s32 $0xFFFFFF80  }
0x62: {  	s5 =	sor.u32 s5, s6;
	_ =	swait.ge [sflag:s15], $0x80  }
0x63: {  	s5 =	sor.u32 $0x2F80000, s5;
	s19 =	rddreg [dreg:$0x6]  }
0x64: {  	s20 =	rddreg [dreg:$0x7];
	s25 =	sor.u32 s19, s5  }
0x65: {  	[sflag:s15] =	ssyncset.done $0x0;
	s5 =	sor.u32 s20, s5;
	s6 =	sshrl.u32 s25, $0x3  }
0x66: {  	[sflag:s15] =	ssyncadd.s32 $0xFFFFFF80;
	s5 =	sshrl.u32 s5, $0x3;
	s6 =	sadd.s32 s1, s6  }
0x67: {  	[hbm4b:s6+s21] =	stream.strided.scatter [tilespmem:s10], [sflag:$0x5], $0x500, s14, s21, $0x38;
	[tilespmem:$0x1DC40] =	vst v63  }
0x68: {  	s5 =	sadd.s32 s1, s5  }
0x69: {  	[hbm4b:s5+s21] =	stream.strided.scatter [tilespmem:s11], [sflag:$0x5], $0x500, s14, s21, $0x38;
	[tilespmem:$0x1DC40] =	vst v63  }
0x6a: {  	_ =	swait.ge [sflag:s12], $0x500  }
0x6b: {  	[sflag:s12] =	ssyncset.done $0x0  }
0x6c: {  	[sflag:s12] =	ssyncadd.s32 $0xFFFFFB00  }
0x6d: {  	_ =	swait.ge [sflag:s12], $0x500  }
0x6e: {  	[sflag:s12] =	ssyncset.done $0x0  }
0x6f: {  	[sflag:s12] =	ssyncadd.s32 $0xFFFFFB00  }
0x70: {  	_ =	swait.ge [sflag:s12], $0x500  }
0x71: {  	[sflag:s12] =	ssyncset.done $0x0  }
0x72: {  	[sflag:s12] =	ssyncadd.s32 $0xFFFFFB00  }
0x73: {  	_ =	swait.ge [sflag:s12], $0x500  }
0x74: {  	s25 =	rddreg [dreg:$0x14]  }
0x75: {  	s25 =	sadd.s32 $0x1, s25  }
0x76: {  	[sflag:s12] =	ssyncset.done $0x0;
	p1 =	sne.s32 s25, $0x20  }
.Ltmp3:
0x77: {  	[sflag:s12] =	ssyncadd.s32 $0xFFFFFB00;
	(pc) =	sbr.rel @!p1 .LBB2_7-.Ltmp3, $4  }
0x78: {  	[bflag:$0x0] =	sbarrier.arrive $0xFFFF  }
0x79: {  	s24 =	rddreg [dreg:$0x13]  }
0x7a: {  	s18 =	rddreg [dreg:$0x12]  }
0x7b: {  	s24 =	sadd.s32 $0x1000, s24;
	s18 =	sadd.s32 $0x1, s18  }
.LBB2_2:
0x7c: {  	s5 =	rddreg [dreg:$0xa]  }
0x7d: {  	s5 =	sadd.s32 s5, s25  }
0x7e: {  	s6 =	smul.u32 @p0 $0xF4400, s5;
	_ =	sdelay $0x1  }
0x7f: {  	s13 =	rddreg [dreg:$0x5];
	s6 =	sshrl.u32 @p0 s6, $0x3  }
0x80: {  	s6 =	sadd.s32 @p0 s13, s6  }
0x81: {  	s7 =	simm.s32 @p0 $0x1FC2;
	s17 =	rddreg [dreg:$0xe];
	s6 =	sadd.s32 @p0 $0x1C980, s6  }
0x82: {  	[spmem:s17], [sflag:s7] =	dma.local @p0 [hbm:s6], $0x1F00  }
0x83: {  	s7 =	simm.s32 @p0 $0x2  }
0x84: {  	s6 =	smul.u32 @!p0 $0x1E88, s5;
	_ =	swait.ge @p0 [sflag:s7], $0x1F00  }
0x85: {  	s17 =	rddreg [dreg:$0xb]  }
0x86: {  	[sflag:s7] =	ssyncset.done @p0 $0x0;
	s6 =	sadd.s32 @!p0 s17, s6  }
0x87: {  	[sflag:s7] =	ssyncadd.s32 @p0 $0xFFFFE100;
	s7 =	rddreg [dreg:$0xf];
	s6 =	sshll.u32 @!p0 s6, $0x4  }
0x88: {  	s5 =	sshll.u32 s5, $0xC;
	s6 =	sadd.s32 @!p0 s13, s6;
	s13 =	rddreg [dreg:$0x10]  }
0x89: {  	[spmem:s13], [sflag:s7] =	dma.local @!p0 [hbm:s6], $0x1E80  }
0x8a: {  	s17 =	sand.u32 $0x7, s18;
	[dreg:$0x12] =	wrdreg s18;
	s7 =	simm.s32 @!p0 $0x2  }
0x8b: {  	[dreg:$0x13] =	wrdreg s24;
	s18 =	sand.u32 $0xFFFF8000, s24;
	s6 =	sshll.u32 s17, $0x7  }
.Ltmp4:
0x8c: {  	s24 =	sshll.u32 s25, $0x7;
	_ =	swait.ge @!p0 [sflag:s7], $0x1E80;
	(pc) =	sbr.rel .LBB2_3-.Ltmp4, $4  }
0x8d: {  	s17 =	sadd.s32 $0xFFD80000, s18;
	s18 =	sadd.s32 s6, s19;
	[sflag:s7] =	ssyncset.done @!p0 $0x0  }
0x8e: {  	[dreg:$0x14] =	wrdreg s25;
	s6 =	sand.u32 $0x38000, s5;
	[sflag:s7] =	ssyncadd.s32 @!p0 $0xFFFFE180  }
0x8f: {  	s25 =	sand.u32 $0x380, s24;
	s5 =	simm.s32 $0x0;
	[bflag:$0x0] =	sbarrier.arrive $0xFFFF  }
0x90: {  	s19 =	sor.u32 s19, s25;
	s20 =	sor.u32 s20, s25;
	[dreg:$0x15] =	wrdreg s25  }
.LBB2_5:
0x91: {  	s24 =	sadd.s32 $0x500, s7  }
0x92: {  	[tilespmem:s10], [sflag:$0x4] =	stream.indirect.gather [spmem:s2], $0x1, s24, s21, $0xb8;
	[tilespmem:$0x1DC40] =	vst v63  }
0x93: {  	s25 =	sadd.s32 $0x6900, s7  }
0x94: {  	[tilespmem:s11], [sflag:$0x4] =	stream.indirect.gather [spmem:s2], $0x1, s25, s21, $0xb8;
	[tilespmem:$0x1DC40] =	vst v63  }
0x95: {  	s24 =	sadd.s32 $0x580, s7;
	s25 =	simm.s32 $0xD880  }
0x96: {  	[tilespmem:s25], [sflag:$0x4] =	stream.indirect.gather [spmem:s2], $0x1, s24, s21, $0xb8;
	[tilespmem:$0x1DC40] =	vst v63  }
0x97: {  	s24 =	sadd.s32 $0x6980, s7;
	s25 =	simm.s32 $0xE080  }
0x98: {  	[tilespmem:s25], [sflag:$0x4] =	stream.indirect.gather [spmem:s2], $0x1, s24, s21, $0xb8;
	[tilespmem:$0x1DC40] =	vst v63  }
0x99: {  	s24 =	sadd.s32 $0x600, s7;
	s25 =	simm.s32 $0xD900  }
0x9a: {  	[tilespmem:s25], [sflag:$0x4] =	stream.indirect.gather [spmem:s2], $0x1, s24, s21, $0xb8;
	[tilespmem:$0x1DC40] =	vst v63  }
0x9b: {  	s24 =	sadd.s32 $0x6A00, s7;
	s25 =	simm.s32 $0xE100  }
0x9c: {  	[tilespmem:s25], [sflag:$0x4] =	stream.indirect.gather [spmem:s2], $0x1, s24, s21, $0xb8;
	[tilespmem:$0x1DC40] =	vst v63  }
0x9d: {  	s24 =	sadd.s32 $0x680, s7;
	s25 =	simm.s32 $0xD980  }
0x9e: {  	[tilespmem:s25], [sflag:$0x4] =	stream.indirect.gather [spmem:s2], $0x1, s24, s21, $0xb8;
	[tilespmem:$0x1DC40] =	vst v63  }
0x9f: {  	s24 =	sadd.s32 $0x6A80, s7;
	s25 =	simm.s32 $0xE180  }
0xa0: {  	[tilespmem:s25], [sflag:$0x4] =	stream.indirect.gather [spmem:s2], $0x1, s24, s21, $0xb8;
	[tilespmem:$0x1DC40] =	vst v63  }
0xa1: {  	s24 =	sadd.s32 $0x700, s7;
	s25 =	simm.s32 $0xDA00  }
0xa2: {  	[tilespmem:s25], [sflag:$0x4] =	stream.indirect.gather [spmem:s2], $0x1, s24, s21, $0xb8;
	[tilespmem:$0x1DC40] =	vst v63  }
0xa3: {  	s24 =	sadd.s32 $0x6B00, s7;
	s25 =	simm.s32 $0xE200  }
0xa4: {  	[tilespmem:s25], [sflag:$0x4] =	stream.indirect.gather [spmem:s2], $0x1, s24, s21, $0xb8;
	[tilespmem:$0x1DC40] =	vst v63  }
0xa5: {  	s25 =	sadd.s32 $0x780, s7  }
0xa6: {  	[tilespmem:s26], [sflag:$0x4] =	stream.indirect.gather [spmem:s2], $0x1, s25, s21, $0xb8;
	[tilespmem:$0x1DC40] =	vst v63  }
0xa7: {  	s25 =	sadd.s32 $0x6B80, s7  }
0xa8: {  	[tilespmem:s28], [sflag:$0x4] =	stream.indirect.gather [spmem:s2], $0x1, s25, s21, $0xb8;
	[tilespmem:$0x1DC40] =	vst v63  }
0xa9: {  	s25 =	sadd.s32 $0x800, s7  }
0xaa: {  	[tilespmem:s29], [sflag:$0x4] =	stream.indirect.gather [spmem:s2], $0x1, s25, s21, $0xb8;
	[tilespmem:$0x1DC40] =	vst v63  }
0xab: {  	s25 =	sadd.s32 $0x6C00, s7  }
0xac: {  	[tilespmem:s30], [sflag:$0x4] =	stream.indirect.gather [spmem:s2], $0x1, s25, s21, $0xb8;
	[tilespmem:$0x1DC40] =	vst v63  }
0xad: {  	s25 =	sadd.s32 $0x880, s7  }
0xae: {  	[tilespmem:s31], [sflag:$0x4] =	stream.indirect.gather [spmem:s2], $0x1, s25, s21, $0xb8;
	[tilespmem:$0x1DC40] =	vst v63  }
0xaf: {  	s25 =	sadd.s32 $0x6C80, s7  }
0xb0: {  	[tilespmem:s0], [sflag:$0x4] =	stream.indirect.gather [spmem:s2], $0x1, s25, s21, $0xb8;
	[tilespmem:$0x1DC40] =	vst v63  }
0xb1: {  	s25 =	sadd.s32 $0x900, s7  }
0xb2: {  	[tilespmem:s4], [sflag:$0x4] =	stream.indirect.gather [spmem:s2], $0x1, s25, s21, $0xb8;
	[tilespmem:$0x1DC40] =	vst v63  }
0xb3: {  	s25 =	sadd.s32 $0x6D00, s7  }
0xb4: {  	[tilespmem:s3], [sflag:$0x4] =	stream.indirect.gather [spmem:s2], $0x1, s25, s21, $0xb8;
	[tilespmem:$0x1DC40] =	vst v63  }
0xb5: {  	s25 =	sadd.s32 $0x980, s7  }
0xb6: {  	[tilespmem:s16], [sflag:$0x4] =	stream.indirect.gather [spmem:s2], $0x1, s25, s21, $0xb8;
	[tilespmem:$0x1DC40] =	vst v63  }
0xb7: {  	s25 =	sadd.s32 $0x6D80, s7  }
0xb8: {  	[tilespmem:s8], [sflag:$0x4] =	stream.indirect.gather [spmem:s2], $0x1, s25, s21, $0xb8;
	[tilespmem:$0x1DC40] =	vst v63  }
0xb9: {  	_ =	swait.ge [sflag:s9], $0x80  }
0xba: {  	[sflag:s9] =	ssyncset.done $0x0  }
0xbb: {  	[sflag:s9] =	ssyncadd.s32 $0xFFFFFF80  }
0xbc: {  	_ =	swait.ge [sflag:s9], $0x80  }
0xbd: {  	[sflag:s9] =	ssyncset.done $0x0  }
0xbe: {  	[sflag:s9] =	ssyncadd.s32 $0xFFFFFF80  }
0xbf: {  	_ =	swait.ge [sflag:s9], $0x80  }
0xc0: {  	[sflag:s9] =	ssyncset.done $0x0  }
0xc1: {  	[sflag:s9] =	ssyncadd.s32 $0xFFFFFF80  }
0xc2: {  	_ =	swait.ge [sflag:s9], $0x80  }
0xc3: {  	[sflag:s9] =	ssyncset.done $0x0  }
0xc4: {  	[sflag:s9] =	ssyncadd.s32 $0xFFFFFF80  }
0xc5: {  	_ =	swait.ge [sflag:s9], $0x80  }
0xc6: {  	[sflag:s9] =	ssyncset.done $0x0  }
0xc7: {  	[sflag:s9] =	ssyncadd.s32 $0xFFFFFF80  }
0xc8: {  	_ =	swait.ge [sflag:s9], $0x80  }
0xc9: {  	[sflag:s9] =	ssyncset.done $0x0  }
0xca: {  	[sflag:s9] =	ssyncadd.s32 $0xFFFFFF80  }
0xcb: {  	_ =	swait.ge [sflag:s9], $0x80  }
0xcc: {  	[sflag:s9] =	ssyncset.done $0x0  }
0xcd: {  	[sflag:s9] =	ssyncadd.s32 $0xFFFFFF80  }
0xce: {  	_ =	swait.ge [sflag:s9], $0x80  }
0xcf: {  	[sflag:s9] =	ssyncset.done $0x0  }
0xd0: {  	[sflag:s9] =	ssyncadd.s32 $0xFFFFFF80  }
0xd1: {  	_ =	swait.ge [sflag:s9], $0x80  }
0xd2: {  	[sflag:s9] =	ssyncset.done $0x0  }
0xd3: {  	[sflag:s9] =	ssyncadd.s32 $0xFFFFFF80  }
0xd4: {  	_ =	swait.ge [sflag:s9], $0x80  }
0xd5: {  	[sflag:s9] =	ssyncset.done $0x0  }
0xd6: {  	[sflag:s9] =	ssyncadd.s32 $0xFFFFFF80  }
0xd7: {  	_ =	swait.ge [sflag:s9], $0x80  }
0xd8: {  	[sflag:s9] =	ssyncset.done $0x0  }
0xd9: {  	[sflag:s9] =	ssyncadd.s32 $0xFFFFFF80  }
0xda: {  	_ =	swait.ge [sflag:s9], $0x80  }
0xdb: {  	[sflag:s9] =	ssyncset.done $0x0  }
0xdc: {  	[sflag:s9] =	ssyncadd.s32 $0xFFFFFF80  }
0xdd: {  	_ =	swait.ge [sflag:s9], $0x80  }
0xde: {  	[sflag:s9] =	ssyncset.done $0x0  }
0xdf: {  	[sflag:s9] =	ssyncadd.s32 $0xFFFFFF80  }
0xe0: {  	_ =	swait.ge [sflag:s9], $0x80  }
0xe1: {  	[sflag:s9] =	ssyncset.done $0x0  }
0xe2: {  	[sflag:s9] =	ssyncadd.s32 $0xFFFFFF80  }
0xe3: {  	_ =	swait.ge [sflag:s9], $0x80  }
0xe4: {  	[sflag:s9] =	ssyncset.done $0x0  }
0xe5: {  	[sflag:s9] =	ssyncadd.s32 $0xFFFFFF80  }
0xe6: {  	_ =	swait.ge [sflag:s9], $0x80  }
0xe7: {  	[sflag:s9] =	ssyncset.done $0x0  }
0xe8: {  	[sflag:s9] =	ssyncadd.s32 $0xFFFFFF80  }
0xe9: {  	_ =	swait.ge [sflag:s9], $0x80  }
0xea: {  	[sflag:s9] =	ssyncset.done $0x0  }
0xeb: {  	[sflag:s9] =	ssyncadd.s32 $0xFFFFFF80  }
0xec: {  	_ =	swait.ge [sflag:s9], $0x80  }
0xed: {  	[sflag:s9] =	ssyncset.done $0x0  }
0xee: {  	[sflag:s9] =	ssyncadd.s32 $0xFFFFFF80  }
0xef: {  	_ =	swait.ge [sflag:s9], $0x80  }
0xf0: {  	[sflag:s9] =	ssyncset.done $0x0  }
0xf1: {  	s24 =	sor.u32 s13, s19;
	[sflag:s9] =	ssyncadd.s32 $0xFFFFFF80  }
0xf2: {  	s5 =	sadd.s32 $0x2800, s5;
	s7 =	sshrl.u32 s24, $0x3;
	_ =	swait.ge [sflag:s9], $0x80  }
0xf3: {  	p1 =	sne.s32 s5, $0x19000;
	s7 =	sadd.s32 s1, s7;
	[sflag:s9] =	ssyncset.done $0x0  }
.Ltmp5:
0xf4: {  	s25 =	sor.u32 s13, s20;
	[sflag:s9] =	ssyncadd.s32 $0xFFFFFF80;
	(pc) =	sbr.rel @!p1 .LBB2_6-.Ltmp5, $4  }
0xf5: {  	[hbm4b:s7+s21] =	stream.strided.scatter [tilespmem:s22], [sflag:$0x5], $0x500, s14, s21, $0x38;
	[tilespmem:$0x1DC40] =	vst v63  }
0xf6: {  	s7 =	sshrl.u32 s25, $0x3  }
0xf7: {  	s17 =	sadd.s32 $0x500000, s17;
	s7 =	sadd.s32 s1, s7  }
0xf8: {  	[hbm4b:s7+s21] =	stream.strided.scatter [tilespmem:s23], [sflag:$0x5], $0x500, s14, s21, $0x38;
	[tilespmem:$0x1DC40] =	vst v63  }
.LBB2_3:
0xf9: {  	p1 =	seq.s32 s5, $0x0  }
0xfa: {  	s7 =	simm.s32 @!p1 $0x5  }
0xfb: {  	_ =	swait.ge @!p1 [sflag:s7], $0x500  }
0xfc: {  	[sflag:s7] =	ssyncset.done @!p1 $0x0  }
0xfd: {  	[sflag:s7] =	ssyncadd.s32 @!p1 $0xFFFFFB00  }
0xfe: {  	_ =	swait.ge @!p1 [sflag:s7], $0x500  }
0xff: {  	[sflag:s7] =	ssyncset.done @!p1 $0x0  }
0x100: {  	[sflag:s7] =	ssyncadd.s32 @!p1 $0xFFFFFB00;
	s7 =	sshra.s32 s5, $0x2  }
0x101: {  	[tilespmem:s22], [sflag:$0x3] =	stream.indirect.gather [spmem:s2], $0x1, s7, s21, $0xb8;
	[tilespmem:$0x1DC40] =	vst v63  }
0x102: {  	s13 =	sadd.s32 $0x6400, s7  }
0x103: {  	[tilespmem:s23], [sflag:$0x3] =	stream.indirect.gather [spmem:s2], $0x1, s13, s21, $0xb8;
	[tilespmem:$0x1DC40] =	vst v63  }
0x104: {  	s24 =	simm.s32 $0xC880;
	s25 =	sadd.s32 $0x80, s7  }
0x105: {  	[tilespmem:s24], [sflag:$0x3] =	stream.indirect.gather [spmem:s2], $0x1, s25, s21, $0xb8;
	[tilespmem:$0x1DC40] =	vst v63  }
0x106: {  	s24 =	sadd.s32 $0x6480, s7;
	s25 =	simm.s32 $0xD080  }
0x107: {  	[tilespmem:s25], [sflag:$0x3] =	stream.indirect.gather [spmem:s2], $0x1, s24, s21, $0xb8;
	[tilespmem:$0x1DC40] =	vst v63  }
0x108: {  	s24 =	sadd.s32 $0x100, s7;
	s25 =	simm.s32 $0xC900  }
0x109: {  	[tilespmem:s25], [sflag:$0x3] =	stream.indirect.gather [spmem:s2], $0x1, s24, s21, $0xb8;
	[tilespmem:$0x1DC40] =	vst v63  }
0x10a: {  	s24 =	sadd.s32 $0x6500, s7;
	s25 =	simm.s32 $0xD100  }
0x10b: {  	[tilespmem:s25], [sflag:$0x3] =	stream.indirect.gather [spmem:s2], $0x1, s24, s21, $0xb8;
	[tilespmem:$0x1DC40] =	vst v63  }
0x10c: {  	s24 =	sadd.s32 $0x180, s7;
	s25 =	simm.s32 $0xC980  }
0x10d: {  	[tilespmem:s25], [sflag:$0x3] =	stream.indirect.gather [spmem:s2], $0x1, s24, s21, $0xb8;
	[tilespmem:$0x1DC40] =	vst v63  }
0x10e: {  	s24 =	sadd.s32 $0x6580, s7;
	s25 =	simm.s32 $0xD180  }
0x10f: {  	[tilespmem:s25], [sflag:$0x3] =	stream.indirect.gather [spmem:s2], $0x1, s24, s21, $0xb8;
	[tilespmem:$0x1DC40] =	vst v63  }
0x110: {  	s24 =	sadd.s32 $0x200, s7;
	s25 =	simm.s32 $0xCA00  }
0x111: {  	[tilespmem:s25], [sflag:$0x3] =	stream.indirect.gather [spmem:s2], $0x1, s24, s21, $0xb8;
	[tilespmem:$0x1DC40] =	vst v63  }
0x112: {  	s24 =	sadd.s32 $0x6600, s7;
	s25 =	simm.s32 $0xD200  }
0x113: {  	[tilespmem:s25], [sflag:$0x3] =	stream.indirect.gather [spmem:s2], $0x1, s24, s21, $0xb8;
	[tilespmem:$0x1DC40] =	vst v63  }
0x114: {  	s24 =	sadd.s32 $0x280, s7;
	s25 =	simm.s32 $0xCA80  }
0x115: {  	[tilespmem:s25], [sflag:$0x3] =	stream.indirect.gather [spmem:s2], $0x1, s24, s21, $0xb8;
	[tilespmem:$0x1DC40] =	vst v63  }
0x116: {  	s24 =	sadd.s32 $0x6680, s7;
	s25 =	simm.s32 $0xD280  }
0x117: {  	[tilespmem:s25], [sflag:$0x3] =	stream.indirect.gather [spmem:s2], $0x1, s24, s21, $0xb8;
	[tilespmem:$0x1DC40] =	vst v63  }
0x118: {  	s24 =	sadd.s32 $0x300, s7;
	s25 =	simm.s32 $0xCB00  }
0x119: {  	[tilespmem:s25], [sflag:$0x3] =	stream.indirect.gather [spmem:s2], $0x1, s24, s21, $0xb8;
	[tilespmem:$0x1DC40] =	vst v63  }
0x11a: {  	s24 =	sadd.s32 $0x6700, s7;
	s25 =	simm.s32 $0xD300  }
0x11b: {  	[tilespmem:s25], [sflag:$0x3] =	stream.indirect.gather [spmem:s2], $0x1, s24, s21, $0xb8;
	[tilespmem:$0x1DC40] =	vst v63  }
0x11c: {  	s24 =	sadd.s32 $0x380, s7;
	s25 =	simm.s32 $0xCB80  }
0x11d: {  	[tilespmem:s25], [sflag:$0x3] =	stream.indirect.gather [spmem:s2], $0x1, s24, s21, $0xb8;
	[tilespmem:$0x1DC40] =	vst v63  }
0x11e: {  	s24 =	sadd.s32 $0x6780, s7;
	s25 =	simm.s32 $0xD380  }
0x11f: {  	[tilespmem:s25], [sflag:$0x3] =	stream.indirect.gather [spmem:s2], $0x1, s24, s21, $0xb8;
	[tilespmem:$0x1DC40] =	vst v63  }
0x120: {  	s24 =	sadd.s32 $0x400, s7;
	s25 =	simm.s32 $0xCC00  }
0x121: {  	[tilespmem:s25], [sflag:$0x3] =	stream.indirect.gather [spmem:s2], $0x1, s24, s21, $0xb8;
	[tilespmem:$0x1DC40] =	vst v63  }
0x122: {  	s24 =	sadd.s32 $0x6800, s7;
	s25 =	simm.s32 $0xD400  }
0x123: {  	[tilespmem:s25], [sflag:$0x3] =	stream.indirect.gather [spmem:s2], $0x1, s24, s21, $0xb8;
	[tilespmem:$0x1DC40] =	vst v63  }
.Ltmp6:
0x124: {  	_ = 	snop;
	(pc) =	sbr.rel @p1 .LBB2_5-.Ltmp6, $4  }
0x125: {  	s24 =	sadd.s32 $0x480, s7;
	s25 =	simm.s32 $0xCC80  }
0x126: {  	[tilespmem:s25], [sflag:$0x3] =	stream.indirect.gather [spmem:s2], $0x1, s24, s21, $0xb8;
	[tilespmem:$0x1DC40] =	vst v63  }
0x127: {  	s13 =	smov.u32 s6;
	s24 =	sadd.s32 $0x6880, s7;
	s25 =	simm.s32 $0xD480  }
0x128: {  	[tilespmem:s25], [sflag:$0x3] =	stream.indirect.gather [spmem:s2], $0x1, s24, s21, $0xb8;
	[tilespmem:$0x1DC40] =	vst v63  }
0x129: {  	_ =	swait.ge [sflag:s15], $0x80  }
0x12a: {  	[sflag:s15] =	ssyncset.done $0x0  }
0x12b: {  	[sflag:s15] =	ssyncadd.s32 $0xFFFFFF80  }
0x12c: {  	_ =	swait.ge [sflag:s15], $0x80  }
0x12d: {  	[sflag:s15] =	ssyncset.done $0x0  }
0x12e: {  	[sflag:s15] =	ssyncadd.s32 $0xFFFFFF80  }
0x12f: {  	_ =	swait.ge [sflag:s15], $0x80  }
0x130: {  	[sflag:s15] =	ssyncset.done $0x0  }
0x131: {  	[sflag:s15] =	ssyncadd.s32 $0xFFFFFF80  }
0x132: {  	_ =	swait.ge [sflag:s15], $0x80  }
0x133: {  	[sflag:s15] =	ssyncset.done $0x0  }
0x134: {  	[sflag:s15] =	ssyncadd.s32 $0xFFFFFF80  }
0x135: {  	_ =	swait.ge [sflag:s15], $0x80  }
0x136: {  	[sflag:s15] =	ssyncset.done $0x0  }
0x137: {  	[sflag:s15] =	ssyncadd.s32 $0xFFFFFF80  }
0x138: {  	_ =	swait.ge [sflag:s15], $0x80  }
0x139: {  	[sflag:s15] =	ssyncset.done $0x0  }
0x13a: {  	[sflag:s15] =	ssyncadd.s32 $0xFFFFFF80  }
0x13b: {  	_ =	swait.ge [sflag:s15], $0x80  }
0x13c: {  	[sflag:s15] =	ssyncset.done $0x0  }
0x13d: {  	[sflag:s15] =	ssyncadd.s32 $0xFFFFFF80  }
0x13e: {  	_ =	swait.ge [sflag:s15], $0x80  }
0x13f: {  	[sflag:s15] =	ssyncset.done $0x0  }
0x140: {  	[sflag:s15] =	ssyncadd.s32 $0xFFFFFF80  }
0x141: {  	_ =	swait.ge [sflag:s15], $0x80  }
0x142: {  	[sflag:s15] =	ssyncset.done $0x0  }
0x143: {  	[sflag:s15] =	ssyncadd.s32 $0xFFFFFF80  }
0x144: {  	_ =	swait.ge [sflag:s15], $0x80  }
0x145: {  	[sflag:s15] =	ssyncset.done $0x0  }
0x146: {  	[sflag:s15] =	ssyncadd.s32 $0xFFFFFF80  }
0x147: {  	_ =	swait.ge [sflag:s15], $0x80  }
0x148: {  	[sflag:s15] =	ssyncset.done $0x0  }
0x149: {  	[sflag:s15] =	ssyncadd.s32 $0xFFFFFF80  }
0x14a: {  	_ =	swait.ge [sflag:s15], $0x80  }
0x14b: {  	[sflag:s15] =	ssyncset.done $0x0  }
0x14c: {  	[sflag:s15] =	ssyncadd.s32 $0xFFFFFF80  }
0x14d: {  	_ =	swait.ge [sflag:s15], $0x80  }
0x14e: {  	[sflag:s15] =	ssyncset.done $0x0  }
0x14f: {  	[sflag:s15] =	ssyncadd.s32 $0xFFFFFF80  }
0x150: {  	_ =	swait.ge [sflag:s15], $0x80  }
0x151: {  	[sflag:s15] =	ssyncset.done $0x0  }
0x152: {  	[sflag:s15] =	ssyncadd.s32 $0xFFFFFF80  }
0x153: {  	_ =	swait.ge [sflag:s15], $0x80  }
0x154: {  	[sflag:s15] =	ssyncset.done $0x0  }
0x155: {  	[sflag:s15] =	ssyncadd.s32 $0xFFFFFF80  }
0x156: {  	_ =	swait.ge [sflag:s15], $0x80  }
0x157: {  	[sflag:s15] =	ssyncset.done $0x0  }
0x158: {  	[sflag:s15] =	ssyncadd.s32 $0xFFFFFF80  }
0x159: {  	_ =	swait.ge [sflag:s15], $0x80  }
0x15a: {  	[sflag:s15] =	ssyncset.done $0x0  }
0x15b: {  	[sflag:s15] =	ssyncadd.s32 $0xFFFFFF80  }
0x15c: {  	_ =	swait.ge [sflag:s15], $0x80  }
0x15d: {  	[sflag:s15] =	ssyncset.done $0x0  }
0x15e: {  	[sflag:s15] =	ssyncadd.s32 $0xFFFFFF80  }
0x15f: {  	_ =	swait.ge [sflag:s15], $0x80  }
0x160: {  	[sflag:s15] =	ssyncset.done $0x0  }
0x161: {  	[sflag:s15] =	ssyncadd.s32 $0xFFFFFF80  }
0x162: {  	s13 =	sadd.s32 s17, s18;
	_ =	swait.ge [sflag:s15], $0x80  }
0x163: {  	s24 =	sshrl.u32 s13, $0x3;
	s13 =	sadd.s32 $0x400, s13;
	[sflag:s15] =	ssyncset.done $0x0  }
0x164: {  	s24 =	sadd.s32 s1, s24;
	s13 =	sshrl.u32 s13, $0x3;
	[sflag:s15] =	ssyncadd.s32 $0xFFFFFF80  }
0x165: {  	[hbm4b:s24+s21] =	stream.strided.scatter [tilespmem:s10], [sflag:$0x5], $0x500, s14, s21, $0x38;
	[tilespmem:$0x1DC40] =	vst v63  }
0x166: {  	s13 =	sadd.s32 s1, s13  }
0x167: {  	[hbm4b:s13+s21] =	stream.strided.scatter [tilespmem:s11], [sflag:$0x5], $0x500, s14, s21, $0x38;
	[tilespmem:$0x1DC40] =	vst v63  }
0x168: {  	_ =	swait.ge [sflag:s12], $0x500  }
.Ltmp7:
0x169: {  	[sflag:s12] =	ssyncset.done $0x0;
	(pc) =	sbr.rel .LBB2_5-.Ltmp7, $4  }
0x16a: {  	[sflag:s12] =	ssyncadd.s32 $0xFFFFFB00  }
0x16b: {  	_ =	swait.ge [sflag:s12], $0x500  }
0x16c: {  	[sflag:s12] =	ssyncset.done $0x0  }
0x16d: {  	s13 =	sadd.s32 $0x280000, s17;
	[sflag:s12] =	ssyncadd.s32 $0xFFFFFB00  }
.LBB2_8:
0x16e: {  	_ =	sfence.sel $0x180000  }
0x16f: {  	[bflag:$0x0] =	sbarrier.arrive $0xFFFF  }
0x170: {  	_ =	strace $0x9000004A  }
0x171: {  	s0 =	stileid.u32;
	[bflag:$0x2] =	sbarrier.arrive $0xFFFF  }
0x172: {  	p0 =	sne.s32 s0, $0x0;
	s0 =	rddreg [dreg:$0x4]  }
0x173: {  	s0 =	sadd.s32 @!p0 $0x100000, s0  }
0x174: {  	[sflag:s0] =	ssyncadd.tile.s32 @!p0 $0x1;
	_ =	shalt  }
.Lfunc_end2:
_tile_overlayer_lowered:
.L_overlay_start_2:
0x175: {  	(tag) =	ssettag $0x2  }
0x176: {  	s0 =	rddreg [dreg:$0x0];
	s2 =	stileid.u32  }
0x177: {  	s1 =	rddreg [dreg:$0x1];
	p0 =	sne.s32 s2, $0x0  }
0x178: {  	s3 =	rddreg [dreg:$0x2];
	[bflag:$0x3] =	sbarrier.arrive $0xFFFF;
	s2 =	simm.s32 @!p0 $0x1C06  }
0x179: {  	[timem:s3], [sflag:s2] =	dma.local @!p0 [hbm:s0], s1  }
0x17a: {  	s0 =	simm.s32 @!p0 $0x6  }
0x17b: {  	_ =	swait.ge @!p0 [sflag:s0], s1  }
0x17c: {  	s1 =	ssub.s32 @!p0 $0x0, s1;
	[sflag:s0] =	ssyncset.done @!p0 $0x0  }
0x17d: {  	[sflag:s0] =	ssyncadd.s32 @!p0 s1  }
0x17e: {  	[bflag:$0x3] =	sbarrier.arrive $0xFFFF  }
0x17f: {  	_ =	shalt  }

// kernel: sparse-core-data-format-call.cloned.1.call-start
scs
called_computation_lowered:
.L_overlay_start_0:
0x0: {  	s1 =	sld [smem:$0x3FD9]  }
0x1: {  	s2 =	sld [smem:$0x3FFE];
	_ =	sdelay $0x1  }
0x2: {  	s3 =	srdreg.scid  }
0x3: {  	s0 =	sand.u32 $0x1, s3  }
0x4: {  	s17 =	sshll.u32 s0, $0xA;
	s1 =	sadd.s32 s2, s1  }
0x5: {  	s1 =	sadd.s32 s1, s17  }
0x6: {  	[smem:$0x3FC6] =	sst s1  }
0x7: {  	_ = 	snop  }
0x8: {  	(tm) =	ssettm $0x1  }
0x9: {  	s18 =	sld [smem:$0x3FFB];
	_ =	sdelay $0x3  }
0xa: {  	_ =	strace s18  }
0xb: {  	s1 =	sld [smem:$0x3FFC];
	_ =	sdelay $0x3  }
0xc: {  	_ =	strace s1  }
0xd: {  	s1 =	sld [smem:$0x3FFD];
	_ =	sdelay $0x3  }
0xe: {  	_ =	strace s1  }
0xf: {  	_ =	strace $0x8FFFFFFF  }
0x10: {  	s19 =	sld [smem:$0x3FDB];
	_ =	sdelay $0x1  }
0x11: {  	s20 =	simm.s32 $_scs_section_size  }
0x12: {  	s4 =	simm.s32 $_size__tile_overlayer_lowered;
	s5 =	simm.s32 $_tile_overlayer_lowered  }
0x13: {  	s23 =	simm.s32 $0x1BFF;
	s22 =	sshll.u32 s5, $0x1;
	s1 =	sadd.s32 s20, s19  }
0x14: {  	s6 =	simm.s32 $0x0;
	s21 =	sshll.u32 s4, $0x1;
	s4 =	sadd.s32 s22, s1  }
0x15: {  	[timem:s6], [sflag:s23] =	dma.local [hbm:s4], s21  }
0x16: {  	_ =	swait.ge [sflag:s23], s21  }
0x17: {  	s2 =	ssub.s32 $0x0, s21;
	[sflag:s23] =	ssyncset.done $0x0  }
0x18: {  	[sflag:s23] =	ssyncadd.s32 s2;
	_ =	sdelay $0x1  }
0x19: {  	s24 =	simm.s32 $0x1B8B  }
0x1a: {  	_ =	swait.ge [sflag:s24], $0x1  }
0x1b: {  	[sflag:s24] =	ssyncset.done $0x0  }
0x1c: {  	s26 =	simm.s32 $0x1B8E;
	s25 =	sld [smem:$0x3FFE];
	[sflag:s24] =	ssyncadd.s32 $0xFFFFFFFF  }
0x1d: {  	s27 =	simm.s32 $execute0_lowered;
	[smem:$0x3FD2] =	sst s26  }
0x1e: {  	s4 =	sshll.u32 s27, $0x1;
	_ =	strace $0x80000046;
	[dreg:$0x1] =	wrdreg $0xFFFFFFFF  }
0x1f: {  	s28 =	simm.s32 $_size_execute0_lowered;
	s1 =	sadd.s32 s1, s4;
	[dreg:$0x0] =	wrdreg $0x0  }
0x20: {  	s4 =	sshll.u32 s28, $0x1;
	[dreg:$0x2] =	wrdreg s1  }
0x21: {  	[dreg:$0x3] =	wrdreg s4  }
0x22: {  	[dreg:$0x4] =	wrdreg $0xC0  }
0x23: {  	_ =	task [dreg:s6], $0x5FFFF  }
0x24: {  	[dreg:$0x1] =	wrdreg $0xFFFFFFFF  }
0x25: {  	[dreg:$0x0] =	wrdreg $0x60  }
0x26: {  	[dreg:$0x2] =	wrdreg s25  }
0x27: {  	[dreg:$0x3] =	wrdreg $0x9  }
0x28: {  	_ =	task.clear_ibuf [dreg:s6], $0x4FFFF;
	_ =	strace $0x90000046  }
0x29: {  	s29 =	simm.s32 $0x9;
	_ =	strace $0x80000048  }
0x2a: {  	_ =	swait.ge [sflag:s29], $0x1  }
0x2b: {  	[sflag:s29] =	ssyncadd.s32 $0xFFFFFFFF  }
0x2c: {  	_ =	strace $0x90000048  }
0x2d: {  	_ =	sfence  }
0x2e: {  	s30 =	sld [smem:$0x0];
	_ =	sdelay $0x2  }
0x2f: {  	s31 =	sshll.u32 s3, $0xD;
	s3 =	sshrl.u32 s3, $0x2  }
0x30: {  	s2 =	sand.u32 $0x4000, s31;
	s1 =	sadd.s32 s3, s30  }
0x31: {  	s0 =	sor.u32 s2, s0;
	s1 =	sshll.u32 s1, $0x11  }
0x32: {  	s0 =	sor.u32 s1, s0  }
0x33: {  	s0 =	sadd.s32 $0x8F2B, s0  }
0x34: {  	[sflag:s0] =	ssyncadd.remote.s32 $0x1  }
0x35: {  	_ =	sfence.sel $0xFFFF  }
0x36: {  	[dreg:$0x0] =	wrdreg $0xFFFFFFFF;
	(pc) =	sbr.abs _section_cstart, $3  }
0x37: {  	[dreg:$0x1] =	wrdreg $0xFFFFFFFF  }
0x38: {  	_ =	task.clear_ibuf [dreg:s6], $0x2FFFF;
	_ =	strace $0x9FFFFFFF  }
0x39: {  	(tm) =	ssettm $0x7FFFFFFF  }
tec
execute0_lowered:
.L_overlay_start_1:
0x0: {  	(tag) =	ssettag $0x1  }
0x1: {  	s0 =	stileid.u32  }
0x2: {  	s1 =	srdreg.scid;
	s7 =	rddreg [dreg:$0x0];
	s31 =	simm.s32 $0x2  }
0x3: {  	s13 =	simm.s32 $0x0;
	s3 =	sshll.u32 s0, $0x8;
	s1 =	sshll.u32 s1, $0xC  }
0x4: {  	s14 =	simm.s32 $0x0;
	s2 =	sshll.u32 s0, $0x4;
	s1 =	sor.u32 s3, s1  }
0x5: {  	s12 =	simm.s32 $0x0;
	s2 =	sand.u32 $0x30, s2;
	s3 =	sand.u32 $0x1C00, s1  }
0x6: {  	s4 =	ssub.s32 $0x40, s2;
	s1 =	rddreg [dreg:$0x1];
	_ =	strace $0x80000047  }
0x7: {  	s5 =	sand.u32 $0x30, s4;
	s6 =	ssub.s32 $0xF4400, s3;
	s4 =	sshrl.u32 s4, $0x6  }
0x8: {  	p0 =	sne.s32 s5, $0x0;
	s5 =	simm.s32 $0x1;
	s8 =	sand.u32 $0x1C00, s6  }
0x9: {  	s5 =	simm.s32 @!p0 $0x0;
	p0 =	sne.s32 s8, $0x0;
	s8 =	simm.s32 $0x1  }
.Ltmp0:
0xa: {  	s6 =	sshrl.u32 s6, $0xD;
	s8 =	simm.s32 @!p0 $0x0;
	(pc) =	sbr.rel .LBB1_1-.Ltmp0, $4  }
0xb: {  	s11 =	smov.u32 s2;
	s9 =	sadd.s32 s5, s4;
	s6 =	sadd.s32 s8, s6  }
0xc: {  	s10 =	smov.u32 s3;
	s5 =	simm.s32 $0x1;
	s6 =	smul.u32 s9, s6  }
0xd: {  	s4 =	sadd.s32 $0x7A1C00, s7;
	s7 =	sadd.s32 $0xF43C00, s7;
	[sflag:s5] =	ssyncpa.u1 $0x0  }
0xe: {  	[sflag:s31] =	ssyncpa.u1 $0x0;
	s9 =	simm.s32 $0xF4400;
	s8 =	sadd.s32 $0x1, s6  }
.LBB1_7:
0xf: {  	s15 =	sadd.s32 $0x2000, s10  }
0x10: {  	s13 =	sadd.s32 $0x40, s11;
	s17 =	smov.u32 s11;
	p1 =	sgt.s32 s15, $0xF43FF  }
0x11: {  	s17 =	smov.u32 @p1 s13  }
0x12: {  	s15 =	smov.u32 @p1 s3;
	p1 =	sgt.s32 s17, $0x3F  }
0x13: {  	s17 =	smov.u32 @p1 s2;
	p1 =	sne.s32 s12, s8  }
.Ltmp1:
0x14: {  	p0 =	slt.u32 s12, $0x2;
	(pc) =	sbr.rel @!p1 .LBB1_8-.Ltmp1, $4  }
0x15: {  	s16 =	simm.s32 @!p0 $0x2  }
0x16: {  	s14 =	smov.u32 s11;
	_ =	swait.ge @!p0 [sflag:s16], $0x4000  }
0x17: {  	s13 =	smov.u32 s10;
	[sflag:s16] =	ssyncset.done @!p0 $0x0;
	s10 =	smov.u32 s15  }
0x18: {  	s12 =	sadd.s32 $0x1, s12;
	[sflag:s16] =	ssyncadd.s32 @!p0 $0xFFFFC000;
	s11 =	smov.u32 s17  }
.LBB1_1:
0x19: {  	p0 =	sge.u32 s12, s6  }
0x1a: {  	s15 =	sshrl.u32 @!p0 s11, $0x3  }
0x1b: {  	s16 =	sshll.u32 @!p0 s10, $0x3;
	s15 =	smul.u32 @!p0 $0x7A2000, s15  }
0x1c: {  	s16 =	sand.u32 @!p0 $0xFFFFFC00, s16  }
0x1d: {  	s15 =	sadd.s32 @!p0 s15, s16  }
0x1e: {  	s16 =	sshrl.u32 @!p0 s15, $0xA  }
0x1f: {  	s17 =	sshll.u32 @!p0 s11, $0x7;
	s16 =	smulhi.u32 @!p0 $0x43142E, s16  }
0x20: {  	s18 =	sand.u32 @!p0 $0x7F, s10;
	s17 =	sand.u32 @!p0 $0x380, s17  }
0x21: {  	s17 =	sor.u32 @!p0 s18, s17;
	s18 =	smul.u32 @!p0 $0xF4400, s16  }
0x22: {  	s31 =	sadd.s32 $0xFFFFFFFF, s12;
	s15 =	sor.u32 @!p0 s15, s17;
	s17 =	sxor.u32 @!p0 $0xFFFFFFFF, s12  }
0x23: {  	s17 =	sshll.u32 @!p0 s17, $0xE;
	s16 =	sand.u32 @!p0 $0x3F, s16;
	s15 =	ssub.s32 @!p0 s15, s18  }
0x24: {  	s16 =	smul.u32 @!p0 $0x1E880, s16;
	s18 =	sshrl.u32 @!p0 s15, $0x3;
	s15 =	sand.u32 @!p0 $0x7, s15  }
0x25: {  	s17 =	sand.u32 @!p0 $0x4000, s17;
	s18 =	sadd.s32 @!p0 s4, s18;
	s15 =	sshll.u32 @!p0 s15, $0x12  }
0x26: {  	s16 =	sadd.s32 @!p0 s16, s18;
	s15 =	sor.u32 @!p0 $0x2000, s15;
	s18 =	simm.s32 @!p0 $0x7A2000  }
0x27: {  	[tilespmem:s17], [sflag:$0x1] =	stream.strided.gather @!p0 [hbm4b:s16+s15], $0x4000, s18, s15, $0x38;
	[tilespmem:$0x10000] =	vst v63  }
0x28: {  	p0 =	sge.u32 s31, s6  }
.Ltmp2:
0x29: {  	_ = 	snop;
	(pc) =	sbr.rel @p0 .LBB1_7-.Ltmp2, $1  }
0x2a: {  	_ =	sdelay $0x3  }
0x2b: {  	_ =	swait.ge [sflag:s5], $0x4000;
	s15 =	sshll.u32 s12, $0xE  }
0x2c: {  	[sflag:s5] =	ssyncset.done $0x0;
	s16 =	sand.u32 $0x4000, s15  }
0x2d: {  	s17 =	simm.s32 $0x0;
	[sflag:s5] =	ssyncadd.s32 $0xFFFFC000;
	s15 =	sor.u32 $0x8000, s16  }
.LBB1_3:
0x2e: {  	s18 =	sshll.u32 s17, $0xA  }
0x2f: {  	s20 =	sshll.u32 s17, $0x7;
	s19 =	sand.u32 $0x2000, s18  }
0x30: {  	s20 =	sand.u32 $0x380, s20;
	s19 =	sadd.s32 s19, s16  }
0x31: {  	s19 =	sadd.s32 s20, s19  }
0x32: {  	v0 =	vmov s19  }
0x33: {  	s18 =	sadd.s32 s18, s15  }
0x34: {  	p0 =	por $0x1, $0x1;
	v1 =	vmov s18;
	s18 =	simm.s32 $0x0  }
.LBB1_4:
0x35: {  	s19 =	sshll.u32 s18, $0x3  }
0x36: {  	s19 =	sand.u32 $0x3FFFFFF8, s19  }
0x37: {  	v2 =	vld.idx.msk [tilespmem:v0+s19+$0x0 ss:$0x1], $0xffff  }
0x38: {  	v3 =	vld.idx.msk [tilespmem:v0+s19+$0x10 ss:$0x1], $0xffff  }
0x39: {  	v4 =	vld.idx.msk [tilespmem:v0+s19+$0x20 ss:$0x1], $0xffff  }
0x3a: {  	s20 =	sshrl.u32 s18, $0x7;
	v5 =	vld.idx.msk [tilespmem:v0+s19+$0x30 ss:$0x1], $0xffff  }
0x3b: {  	s21 =	sor.u32 $0x1, s20;
	v6 =	vld.idx.msk [tilespmem:v0+s19+$0x40 ss:$0x1], $0xffff  }
0x3c: {  	s22 =	sshll.u32 s21, $0xA;
	v49 =	vld.idx.msk [tilespmem:v0+s19+$0x70 ss:$0x1], $0xffff;
	[tilespmem:v1+s18+$0x0 ss:$0x1] =	vst.idx.msk $0xffff, v2  }
0x3d: {  	s23 =	sand.u32 $0x3FFFFC00, s22;
	v2 =	vld.idx.msk [tilespmem:v0+s19+$0x50 ss:$0x1], $0xffff;
	[tilespmem:v1+s18+$0x10 ss:$0x1] =	vst.idx.msk $0xffff, v3  }
0x3e: {  	v50 =	vld.idx.msk [tilespmem:v0+s23+$0x0 ss:$0x1], $0xffff;
	[tilespmem:v1+s18+$0x20 ss:$0x1] =	vst.idx.msk $0xffff, v4  }
0x3f: {  	v51 =	vld.idx.msk [tilespmem:v0+s23+$0x10 ss:$0x1], $0xffff;
	[tilespmem:v1+s18+$0x30 ss:$0x1] =	vst.idx.msk $0xffff, v5  }
0x40: {  	v52 =	vld.idx.msk [tilespmem:v0+s23+$0x40 ss:$0x1], $0xffff;
	[tilespmem:v1+s18+$0x40 ss:$0x1] =	vst.idx.msk $0xffff, v6  }
0x41: {  	s21 =	sshll.u32 s21, $0x7;
	v3 =	vld.idx.msk [tilespmem:v0+s19+$0x60 ss:$0x1], $0xffff;
	[tilespmem:v1+s18+$0x70 ss:$0x1] =	vst.idx.msk $0xffff, v49  }
0x42: {  	s24 =	sand.u32 $0x3FFFFF80, s21;
	[tilespmem:v1+s18+$0x50 ss:$0x1] =	vst.idx.msk $0xffff, v2;
	v2 =	vld.idx.msk [tilespmem:v0+s23+$0x20 ss:$0x1], $0xffff  }
0x43: {  	v53 =	vld.idx.msk [tilespmem:v0+s23+$0x50 ss:$0x1], $0xffff;
	[tilespmem:v1+s24+$0x0 ss:$0x1] =	vst.idx.msk $0xffff, v50  }
0x44: {  	s25 =	sor.u32 $0x2, s20;
	v54 =	vld.idx.msk [tilespmem:v0+s23+$0x60 ss:$0x1], $0xffff;
	[tilespmem:v1+s24+$0x10 ss:$0x1] =	vst.idx.msk $0xffff, v51  }
0x45: {  	s26 =	sshll.u32 s25, $0xA;
	v7 =	vld.idx.msk [tilespmem:v0+s23+$0x70 ss:$0x1], $0xffff;
	[tilespmem:v1+s24+$0x40 ss:$0x1] =	vst.idx.msk $0xffff, v52  }
0x46: {  	s27 =	sand.u32 $0x3FFFFC00, s26;
	[tilespmem:v1+s18+$0x60 ss:$0x1] =	vst.idx.msk $0xffff, v3;
	v3 =	vld.idx.msk [tilespmem:v0+s23+$0x30 ss:$0x1], $0xffff  }
0x47: {  	[tilespmem:v1+s24+$0x20 ss:$0x1] =	vst.idx.msk $0xffff, v2;
	v2 =	vld.idx.msk [tilespmem:v0+s27+$0x0 ss:$0x1], $0xffff  }
0x48: {  	v55 =	vld.idx.msk [tilespmem:v0+s27+$0x20 ss:$0x1], $0xffff;
	[tilespmem:v1+s24+$0x50 ss:$0x1] =	vst.idx.msk $0xffff, v53  }
0x49: {  	v56 =	vld.idx.msk [tilespmem:v0+s27+$0x30 ss:$0x1], $0xffff;
	[tilespmem:v1+s24+$0x60 ss:$0x1] =	vst.idx.msk $0xffff, v54  }
0x4a: {  	s21 =	sshll.u32 s25, $0x7;
	v57 =	vld.idx.msk [tilespmem:v0+s27+$0x40 ss:$0x1], $0xffff;
	[tilespmem:v1+s24+$0x70 ss:$0x1] =	vst.idx.msk $0xffff, v7  }
0x4b: {  	s20 =	sor.u32 $0x3, s20;
	s28 =	sand.u32 $0x3FFFFF80, s21;
	[tilespmem:v1+s24+$0x30 ss:$0x1] =	vst.idx.msk $0xffff, v3;
	v3 =	vld.idx.msk [tilespmem:v0+s27+$0x10 ss:$0x1], $0xffff  }
0x4c: {  	s29 =	sshll.u32 s20, $0xA;
	[tilespmem:v1+s28+$0x0 ss:$0x1] =	vst.idx.msk $0xffff, v2;
	v2 =	vld.idx.msk [tilespmem:v0+s27+$0x50 ss:$0x1], $0xffff  }
0x4d: {  	s30 =	sand.u32 $0x3FFFFC00, s29;
	v58 =	vld.idx.msk [tilespmem:v0+s27+$0x70 ss:$0x1], $0xffff;
	[tilespmem:v1+s28+$0x20 ss:$0x1] =	vst.idx.msk $0xffff, v55  }
0x4e: {  	v59 =	vld.idx.msk [tilespmem:v0+s30+$0x0 ss:$0x1], $0xffff;
	[tilespmem:v1+s28+$0x30 ss:$0x1] =	vst.idx.msk $0xffff, v56  }
0x4f: {  	v60 =	vld.idx.msk [tilespmem:v0+s30+$0x10 ss:$0x1], $0xffff;
	[tilespmem:v1+s28+$0x40 ss:$0x1] =	vst.idx.msk $0xffff, v57  }
0x50: {  	[tilespmem:v1+s28+$0x10 ss:$0x1] =	vst.idx.msk $0xffff, v3;
	v3 =	vld.idx.msk [tilespmem:v0+s27+$0x60 ss:$0x1], $0xffff  }
0x51: {  	s20 =	sshll.u32 s20, $0x7;
	[tilespmem:v1+s28+$0x50 ss:$0x1] =	vst.idx.msk $0xffff, v2;
	v2 =	vld.idx.msk [tilespmem:v0+s30+$0x20 ss:$0x1], $0xffff  }
0x52: {  	s31 =	sand.u32 $0x3FFFFF80, s20;
	v61 =	vld.idx.msk [tilespmem:v0+s30+$0x40 ss:$0x1], $0xffff;
	[tilespmem:v1+s28+$0x70 ss:$0x1] =	vst.idx.msk $0xffff, v58  }
0x53: {  	v62 =	vld.idx.msk [tilespmem:v0+s30+$0x50 ss:$0x1], $0xffff;
	[tilespmem:v1+s31+$0x0 ss:$0x1] =	vst.idx.msk $0xffff, v59  }
0x54: {  	v63 =	vld.idx.msk [tilespmem:v0+s30+$0x60 ss:$0x1], $0xffff;
	[tilespmem:v1+s31+$0x10 ss:$0x1] =	vst.idx.msk $0xffff, v60  }
0x55: {  	[tilespmem:v1+s28+$0x60 ss:$0x1] =	vst.idx.msk $0xffff, v3;
	v3 =	vld.idx.msk [tilespmem:v0+s30+$0x30 ss:$0x1], $0xffff  }
0x56: {  	p1 =	por p0, p0;
	[tilespmem:v1+s31+$0x20 ss:$0x1] =	vst.idx.msk $0xffff, v2;
	v2 =	vld.idx.msk [tilespmem:v0+s30+$0x70 ss:$0x1], $0xffff  }
.Ltmp3:
0x57: {  	[tilespmem:v1+s31+$0x40 ss:$0x1] =	vst.idx.msk $0xffff, v61;
	(pc) =	sbr.rel @p1 .LBB1_4-.Ltmp3, $4  }
0x58: {  	[tilespmem:v1+s31+$0x50 ss:$0x1] =	vst.idx.msk $0xffff, v62  }
0x59: {  	[tilespmem:v1+s31+$0x60 ss:$0x1] =	vst.idx.msk $0xffff, v63  }
0x5a: {  	[tilespmem:v1+s31+$0x30 ss:$0x1] =	vst.idx.msk $0xffff, v3  }
0x5b: {  	p0 =	por $0x0, $0x0;
	s18 =	simm.s32 $0x200;
	[tilespmem:v1+s31+$0x70 ss:$0x1] =	vst.idx.msk $0xffff, v2  }
0x5c: {  	s17 =	sadd.s32 $0x1, s17  }
0x5d: {  	p0 =	sne.s32 s17, $0x10  }
.Ltmp4:
0x5e: {  	_ = 	snop;
	(pc) =	sbr.rel @p0 .LBB1_3-.Ltmp4, $1  }
0x5f: {  	_ =	sdelay $0x3  }
0x60: {  	s16 =	sshrl.u32 s13, $0xA  }
0x61: {  	s16 =	smulhi.u32 $0x43142E, s16;
	_ =	sdelay $0x1  }
0x62: {  	s16 =	smul.u32 $0xF4400, s16  }
0x63: {  	s14 =	smul.u32 $0x1E880, s14  }
.Ltmp5:
0x64: {  	s30 =	ssub.s32 s13, s16;
	(pc) =	sbr.rel .LBB1_7-.Ltmp5, $4  }
0x65: {  	s16 =	sand.u32 $0x7, s30  }
0x66: {  	s14 =	sadd.s32 s7, s14;
	s13 =	sshrl.u32 s30, $0x3;
	s16 =	sshll.u32 s16, $0x12  }
0x67: {  	s13 =	sadd.s32 s13, s14;
	s31 =	sor.u32 $0x400, s16  }
0x68: {  	[hbm4b:s13+s31] =	stream.strided.scatter [tilespmem:s15], [sflag:$0x2], $0x4000, s9, s31, $0x38;
	[tilespmem:$0x10000] =	vst v63  }
.LBB1_8:
0x69: {  	_ =	sfence.sel $0x180000  }
0x6a: {  	s2 =	simm.s32 $0x1;
	[bflag:$0x0] =	sbarrier.arrive $0xFFFF  }
0x6b: {  	s31 =	simm.s32 $0x2;
	[sflag:s2] =	ssyncpa.u1 $0x1  }
0x6c: {  	[sflag:s31] =	ssyncpa.u1 $0x1  }
0x6d: {  	p0 =	sne.s32 s0, $0x0;
	_ =	strace $0x90000047  }
0x6e: {  	s0 =	sadd.s32 @!p0 $0x100000, s1;
	[bflag:$0x2] =	sbarrier.arrive $0xFFFF  }
0x6f: {  	[sflag:s0] =	ssyncadd.tile.s32 @!p0 $0x1;
	_ =	shalt  }
.Lfunc_end1:
_tile_overlayer_lowered:
.L_overlay_start_2:
0x70: {  	(tag) =	ssettag $0x2  }
0x71: {  	s0 =	rddreg [dreg:$0x0];
	s2 =	stileid.u32  }
0x72: {  	s1 =	rddreg [dreg:$0x1];
	p0 =	sne.s32 s2, $0x0  }
0x73: {  	s3 =	rddreg [dreg:$0x2];
	[bflag:$0x3] =	sbarrier.arrive $0xFFFF;
	s2 =	simm.s32 @!p0 $0x1C01  }
0x74: {  	[timem:s3], [sflag:s2] =	dma.local @!p0 [hbm:s0], s1  }
0x75: {  	s0 =	simm.s32 @!p0 $0x1  }
0x76: {  	_ =	swait.ge @!p0 [sflag:s0], s1  }
0x77: {  	s1 =	ssub.s32 @!p0 $0x0, s1;
	[sflag:s0] =	ssyncset.done @!p0 $0x0  }
0x78: {  	[sflag:s0] =	ssyncadd.s32 @!p0 s1  }
0x79: {  	[bflag:$0x3] =	sbarrier.arrive $0xFFFF  }
0x7a: {  	_ =	shalt  }

</sc_bundles>
